<compile_context>
chip_gen: v7x
topology: tpu7x:2x2x1
jax: 0.10.2.dev20260603
libtpu: 0.0.44.dev20260713+nightly
codegen_flags: <defaults>
</compile_context>

<pallas_src>
import functools

import jax
import jax.numpy as jnp
from jax import lax
from jax.experimental import pallas as pl
from jax.experimental.pallas import tpu as pltpu
from jax.experimental.pallas import tpu_sc as plsc

N = 65536
E = 8
D_EMB = 32
D_SHS = 48
D_IN = 92
D_PAD = 128
D_H = 256
D_OUT = 59
D_OPAD = 128

MB = 512
NPAD = N + E * MB
NBLK = NPAD // MB

NW = 32
CH = 512
IW = 128
GPW = N // NW // CH

def _sc_mesh():
    return plsc.VectorSubcoreMesh(core_axis_name="c", subcore_axis_name="s",
                                  num_cores=2, num_subcores=16)


@functools.cache
def _make_scatter_feat():
    @functools.partial(
        pl.kernel, mesh=_sc_mesh(),
        out_type=jax.ShapeDtypeStruct((NPAD, D_PAD), jnp.float32),
        scratch_types=[
            pltpu.VMEM((CH // IW, IW), jnp.int32),
            pltpu.VMEM((CH, D_PAD), jnp.float32),
            pltpu.SemaphoreType.DMA,
        ],
    )
    def scatter_feat(feat_hbm, dest3_hbm, out_hbm, idx_v, rows_v, sem):
        wid = lax.axis_index("s") * 2 + lax.axis_index("c")
        for g in range(GPW):
            base = (wid * GPW + g) * CH
            pltpu.sync_copy(feat_hbm.at[pl.ds(base, CH)], rows_v)
            pltpu.sync_copy(dest3_hbm.at[pl.ds(wid * GPW * (CH // IW)
                                               + g * (CH // IW), CH // IW)],
                            idx_v)
            handles = []
            for j in range(CH // IW):
                handles.append(pltpu.async_copy(
                    rows_v.at[pl.ds(j * IW, IW)],
                    out_hbm.at[idx_v.at[j]], sem))
            for h in handles:
                h.wait()
    return scatter_feat


def _scatter_feat(feat, dest3):
    return _make_scatter_feat()(feat, dest3)


@functools.cache
def _make_gather_delta():
    @functools.partial(
        pl.kernel, mesh=_sc_mesh(),
        out_type=jax.ShapeDtypeStruct((N, D_OPAD), jnp.float32),
        scratch_types=[
            pltpu.VMEM((CH // IW, IW), jnp.int32),
            pltpu.VMEM((CH, D_OPAD), jnp.float32),
            pltpu.SemaphoreType.DMA,
        ],
    )
    def gather_delta(dsort_hbm, dest3_hbm, out_hbm, idx_v, rows_v, sem):
        wid = lax.axis_index("s") * 2 + lax.axis_index("c")
        for g in range(GPW):
            base = (wid * GPW + g) * CH
            pltpu.sync_copy(dest3_hbm.at[pl.ds(wid * GPW * (CH // IW)
                                               + g * (CH // IW), CH // IW)],
                            idx_v)
            handles = []
            for j in range(CH // IW):
                handles.append(pltpu.async_copy(
                    dsort_hbm.at[idx_v.at[j]],
                    rows_v.at[pl.ds(j * IW, IW)], sem))
            for h in handles:
                h.wait()
            pltpu.sync_copy(rows_v, out_hbm.at[pl.ds(base, CH)])
    return gather_delta


def _gather_delta(dsort, dest3):
    return _make_gather_delta()(dsort, dest3)


def _mm_body(eid_ref, ts_ref, x_ref, W1_ref, b1_ref, W2_ref, b2_ref,
             o_ref):
    ts = ts_ref[0, 0]
    x = x_ref[...]
    h = jnp.tanh(jnp.dot(x, W1_ref[0], preferred_element_type=jnp.float32)
                 + b1_ref[0])
    d = (jnp.dot(h, W2_ref[0], preferred_element_type=jnp.float32)
         + b2_ref[0])
    m = x[:, 0:3]
    s = x[:, 3:6]
    r = x[:, 6:10]
    o = x[:, 10:11]
    shs = x[:, 11:59]
    t0 = x[:, 92:93]
    t1 = x[:, 93:94]
    active = (ts >= t0) & (ts < t1)
    o_ref[...] = jnp.concatenate([
        jnp.where(active, m + d[:, 0:3], m),
        jnp.where(active, s + d[:, 3:6], s),
        jnp.where(active, r + d[:, 6:10], r),
        jnp.where(active, o + d[:, 10:11], -100.0),
        jnp.where(active, shs + d[:, 11:59], shs),
        active.astype(jnp.float32),
        jnp.zeros((x.shape[0], D_OPAD - D_OUT - 1), jnp.float32),
    ], axis=1)


def _grouped_mm(block_eid, ts, feat_sorted, W1p, b1, W2p, b2p):
    grid_spec = pltpu.PrefetchScalarGridSpec(
        num_scalar_prefetch=1,
        grid=(NBLK,),
        in_specs=[
            pl.BlockSpec((1, 1), lambda i, eid: (0, 0)),
            pl.BlockSpec((MB, D_PAD), lambda i, eid: (i, 0)),
            pl.BlockSpec((1, D_PAD, D_H), lambda i, eid: (eid[i], 0, 0)),
            pl.BlockSpec((1, 1, D_H), lambda i, eid: (eid[i], 0, 0)),
            pl.BlockSpec((1, D_H, D_OPAD), lambda i, eid: (eid[i], 0, 0)),
            pl.BlockSpec((1, 1, D_OPAD), lambda i, eid: (eid[i], 0, 0)),
        ],
        out_specs=pl.BlockSpec((MB, D_OPAD), lambda i, eid: (i, 0)),
    )
    return pl.pallas_call(
        _mm_body,
        grid_spec=grid_spec,
        out_shape=jax.ShapeDtypeStruct((NPAD, D_OPAD), jnp.float32),
        compiler_params=pltpu.CompilerParams(
            dimension_semantics=("arbitrary",)),
    )(block_eid, ts, feat_sorted, W1p, b1.reshape(E, 1, D_H), W2p,
      b2p.reshape(E, 1, D_OPAD))


def kernel(means3D, scales, rotations, opacity, shs, time, embeddings,
           seg_id_g, t_start_g, t_end_g, W1, b1, W2, b2):
    n = means3D.shape[0]
    shs2 = shs.reshape(n, D_SHS)
    seg = seg_id_g.astype(jnp.int32)
    tstart = t_start_g.reshape(n, 1)
    tend = t_end_g.reshape(n, 1)
    ts = time.reshape(-1)[0].reshape(1, 1)

    onehot = (seg[:, None] == jnp.arange(E, dtype=jnp.int32)[None, :])
    counts = jnp.sum(onehot.astype(jnp.int32), axis=0)
    rank = (jnp.take_along_axis(jnp.cumsum(onehot.astype(jnp.int32), axis=0),
                                seg[:, None], axis=1)[:, 0] - 1)
    padded = ((counts + MB - 1) // MB) * MB
    seg_base = jnp.concatenate(
        [jnp.zeros((1,), jnp.int32), jnp.cumsum(padded)[:-1]])
    dest = seg_base[seg] + rank
    dest3 = dest.reshape(N // IW, IW)
    block_start = jnp.arange(NBLK, dtype=jnp.int32) * MB
    block_eid = jnp.clip(
        jnp.sum(block_start[:, None] >= seg_base[None, :], axis=1) - 1,
        0, E - 1).astype(jnp.int32)

    feat = jnp.concatenate(
        [means3D, scales, rotations, opacity, shs2, embeddings, time,
         tstart, tend,
         jnp.zeros((n, D_PAD - D_IN - 2), jnp.float32)], axis=1)

    W1p = jnp.pad(W1, ((0, 0), (0, D_PAD - D_IN), (0, 0)))
    W2p = jnp.pad(W2, ((0, 0), (0, 0), (0, D_OPAD - D_OUT)))
    b2p = jnp.pad(b2, ((0, 0), (0, D_OPAD - D_OUT)))

    feat_sorted = _scatter_feat(feat, dest3)
    res_sorted = _grouped_mm(block_eid, ts, feat_sorted, W1p, b1, W2p, b2p)
    res = _gather_delta(res_sorted, dest3)

    return (res[:, 0:3], res[:, 3:6], res[:, 6:10], res[:, 10:11],
            res[:, 11:59].reshape(n, 16, 3), res[:, 59] > 0.0)

# --- scband reference (transcript-rebuilt; emitter-appended) ---
"""Pipeline reference for scband-segment-manager-31026843747149 (READ-ONLY COPY).

The authoritative reference and input builder live on the scoring server;
editing this copy changes nothing except your own understanding.
"""

import jax, jax.numpy as jnp
import numpy as np

N = 65536
E = 8
D_EMB = 32
D_IN = 3 + 3 + 4 + 1 + 48 + D_EMB + 1  # 92
D_H = 256
D_OUT = 3 + 3 + 4 + 1 + 48  # 59


def setup_inputs(seed: int = 0) -> dict:
    key = jax.random.key(seed)
    ks = jax.random.split(key, 16)
    means3D = jax.random.normal(ks[0], (N, 3), dtype=jnp.float32)
    scales = jax.random.normal(ks[1], (N, 3), dtype=jnp.float32)
    rotations = jax.random.normal(ks[2], (N, 4), dtype=jnp.float32)
    opacity = jax.random.normal(ks[3], (N, 1), dtype=jnp.float32)
    shs = jax.random.normal(ks[4], (N, 16, 3), dtype=jnp.float32)
    time = jax.random.uniform(ks[5], (N, 1), dtype=jnp.float32)
    embeddings = jax.random.normal(ks[6], (N, D_EMB), dtype=jnp.float32)
    seg_id_g = jax.random.randint(ks[7], (N,), 0, E, dtype=jnp.int64)
    t_start_g = jnp.zeros((N,), dtype=jnp.float32)
    t_end_g = jnp.ones((N,), dtype=jnp.float32)
    W1 = jax.random.normal(ks[8], (E, D_IN, D_H), dtype=jnp.float32) * (1.0 / np.sqrt(D_IN))
    b1 = jnp.zeros((E, D_H), dtype=jnp.float32)
    W2 = jax.random.normal(ks[9], (E, D_H, D_OUT), dtype=jnp.float32) * (1.0 / np.sqrt(D_H))
    b2 = jnp.zeros((E, D_OUT), dtype=jnp.float32)
    return {
        'means3D': means3D, 'scales': scales, 'rotations': rotations,
        'opacity': opacity, 'shs': shs, 'time': time, 'embeddings': embeddings,
        'seg_id_g': seg_id_g, 't_start_g': t_start_g, 't_end_g': t_end_g,
        'W1': W1, 'b1': b1, 'W2': W2, 'b2': b2,
    }


def reference(means3D, scales, rotations, opacity, shs, time, embeddings,
              seg_id_g, t_start_g, t_end_g, W1, b1, W2, b2):
    n = means3D.shape[0]
    num_seg = W1.shape[0]
    # time_scalar = time.reshape(-1)[0] ; total_time <= 1.5 so no rescale
    time_scalar = time.reshape(-1)[0]
    active_mask = (time_scalar >= t_start_g) & (time_scalar < t_end_g)
    # per-segment deformation nets (MoE-style segment routing):
    # feat = concat of all gaussian attributes + temporal embedding input
    feat = jnp.concatenate([
        means3D, scales, rotations, opacity,
        shs.reshape(n, -1), embeddings, time
    ], axis=-1)
    delta = jnp.zeros((n, W2.shape[-1]), dtype=means3D.dtype)
    for e in range(num_seg):
        h = jnp.tanh(feat @ W1[e] + b1[e])
        d_e = h @ W2[e] + b2[e]
        sel = (seg_id_g == e) & active_mask
        delta = delta + jnp.where(sel[:, None], d_e, 0.0)
    means3D_final = jnp.where(active_mask[:, None], means3D + delta[:, 0:3], means3D)
    scales_final = jnp.where(active_mask[:, None], scales + delta[:, 3:6], scales)
    rotations_final = jnp.where(active_mask[:, None], rotations + delta[:, 6:10], rotations)
    opacity_upd = jnp.where(active_mask[:, None], opacity + delta[:, 10:11], opacity)
    # inactive gaussians get opacity forced to -100.0
    opacity_final = jnp.where(active_mask[:, None], opacity_upd,
                              jnp.full_like(opacity, -100.0))
    shs_final = jnp.where(active_mask[:, None, None],
                          shs + delta[:, 11:].reshape(n, 16, 3), shs)
    return (means3D_final, scales_final, rotations_final, opacity_final,
            shs_final, active_mask)

if __name__ == "__main__":
    import jax
    _d = setup_inputs()
    print(jax.jit(kernel)(*tuple(_d.values())))

</pallas_src>

<mosaic_0001>
#map = affine_map<(d0, d1) -> (0, 0)>
module attributes {stable_mosaic.version = 14 : i64} {
  func.func @gather_delta(%arg0: i32, %arg1: i32, %arg2: memref<69632x128xf32, #tpu.memory_space<hbm>>, %arg3: memref<512x128xi32, #tpu.memory_space<hbm>>, %arg4: memref<65536x128xf32, #tpu.memory_space<hbm>>, %arg5: memref<4x128xi32, #tpu.memory_space<vmem>>, %arg6: memref<512x128xf32, #tpu.memory_space<vmem>>, %arg7: memref<!tpu.dma_semaphore, #tpu.memory_space<semaphore_mem>>) attributes {dimension_semantics = [#tpu.dimension_semantics<core_parallel>, #tpu.dimension_semantics<subcore_parallel>], iteration_bounds = array<i64: 2, 16>, scalar_prefetch = 0 : i64, scratch_operands = 3 : i64, tpu.core_type = #tpu.core_type<sc_vector_subcore>, window_params = [{transform_indices = #map}, {transform_indices = #map}, {transform_indices = #map}]} {
    %mul3A = arith.constant 2 : i32
    %mul3A_0 = arith.muli %arg1, %mul3A : i32
    %add3A = arith.addi %mul3A_0, %arg0 : i32
    %mul3A_1 = arith.constant 4 : i32
    %mul3A_2 = arith.muli %add3A, %mul3A_1 : i32
    %add3A_3 = arith.constant 0 : i32
    %add3A_4 = arith.addi %mul3A_2, %add3A_3 : i32
    %mul3A_5 = arith.constant 512 : i32
    %mul3A_6 = arith.muli %add3A_4, %mul3A_5 : i32
    %mul3A_7 = arith.constant 4 : i32
    %mul3A_8 = arith.muli %add3A, %mul3A_7 : i32
    %mul3A_9 = arith.constant 4 : i32
    %mul3A_10 = arith.muli %mul3A_8, %mul3A_9 : i32
    %add3A_11 = arith.constant 0 : i32
    %add3A_12 = arith.addi %mul3A_10, %add3A_11 : i32
    "tpu.region"() ({
      %run_scoped3A = tpu.sem_alloc : memref<!tpu.dma_semaphore, #tpu.memory_space<semaphore_mem>>
      %dma_start3A_367 = arith.constant 0 : i32
      %dma_start3A_368 = tpu.memref_slice %arg3[%add3A_12, %dma_start3A_367] : memref<512x128xi32, #tpu.memory_space<hbm>> -> memref<4x128xi32, #tpu.memory_space<hbm>>
      %dma_start3A_369 = arith.constant 0 : i32
      %dma_start3A_370 = tpu.memref_slice %arg3[%add3A_12, %dma_start3A_369] : memref<512x128xi32, #tpu.memory_space<hbm>> -> memref<4x128xi32, #tpu.memory_space<hbm>>
      tpu.enqueue_dma source(%dma_start3A_370 : memref<4x128xi32, #tpu.memory_space<hbm>>) target(%arg5 : memref<4x128xi32, #tpu.memory_space<vmem>>) target_semaphore(%run_scoped3A : memref<!tpu.dma_semaphore, #tpu.memory_space<semaphore_mem>>)
      %dma_wait3A_371 = arith.constant 0 : i32
      %dma_wait3A_372 = tpu.memref_slice %arg3[%add3A_12, %dma_wait3A_371] : memref<512x128xi32, #tpu.memory_space<hbm>> -> memref<4x128xi32, #tpu.memory_space<hbm>>
      %dma_wait3A_373 = arith.constant 0 : i32
      %dma_wait3A_374 = tpu.memref_slice %arg3[%add3A_12, %dma_wait3A_373] : memref<512x128xi32, #tpu.memory_space<hbm>> -> memref<4x128xi32, #tpu.memory_space<hbm>>
      tpu.wait_dma2 semaphore(%run_scoped3A : memref<!tpu.dma_semaphore, #tpu.memory_space<semaphore_mem>>) src(%dma_wait3A_374 : memref<4x128xi32, #tpu.memory_space<hbm>>) dst(%arg5 : memref<4x128xi32, #tpu.memory_space<vmem>>)
      tpu.yield
    }) : () -> ()
    %dma_start3A = arith.constant 0 : i32
    %dma_start3A_13 = arith.constant 0 : i32
    %dma_start3A_14 = arith.constant 0 : i32
    %dma_start3A_15 = tpu.memref_slice %arg6[%dma_start3A_13, %dma_start3A_14] : memref<512x128xf32, #tpu.memory_space<vmem>> -> memref<128x128xf32, #tpu.memory_space<vmem>>
    %dma_start3A_16 = arith.constant 0 : i32
    %dma_start3A_17 = tpu.memref_slice %arg5[%dma_start3A, %dma_start3A_16] : memref<4x128xi32, #tpu.memory_space<vmem>> -> memref<1x128xi32, #tpu.memory_space<vmem>>
    %dma_start3A_18 = tpu.memref_squeeze %dma_start3A_17 : memref<1x128xi32, #tpu.memory_space<vmem>> -> memref<128xi32, #tpu.memory_space<vmem>>
    %dma_start3A_19 = arith.constant 0 : i32
    %dma_start3A_20 = arith.constant 0 : i32
    %dma_start3A_21 = tpu.memref_slice %arg2[%dma_start3A_19, %dma_start3A_20] : memref<69632x128xf32, #tpu.memory_space<hbm>> -> memref<69632x128xf32, #tpu.memory_space<hbm>>
    tpu.enqueue_indirect_dma source(%dma_start3A_21 : memref<69632x128xf32, #tpu.memory_space<hbm>>) target(%dma_start3A_15 : memref<128x128xf32, #tpu.memory_space<vmem>>) offsets(%dma_start3A_18 : memref<128xi32, #tpu.memory_space<vmem>>) semaphore(%arg7 : memref<!tpu.dma_semaphore, #tpu.memory_space<semaphore_mem>>)
    %dma_start3A_22 = arith.constant 1 : i32
    %dma_start3A_23 = arith.constant 128 : i32
    %dma_start3A_24 = arith.constant 0 : i32
    %dma_start3A_25 = tpu.memref_slice %arg6[%dma_start3A_23, %dma_start3A_24] : memref<512x128xf32, #tpu.memory_space<vmem>> -> memref<128x128xf32, #tpu.memory_space<vmem>>
    %dma_start3A_26 = arith.constant 0 : i32
    %dma_start3A_27 = tpu.memref_slice %arg5[%dma_start3A_22, %dma_start3A_26] : memref<4x128xi32, #tpu.memory_space<vmem>> -> memref<1x128xi32, #tpu.memory_space<vmem>>
    %dma_start3A_28 = tpu.memref_squeeze %dma_start3A_27 : memref<1x128xi32, #tpu.memory_space<vmem>> -> memref<128xi32, #tpu.memory_space<vmem>>
    %dma_start3A_29 = arith.constant 0 : i32
    %dma_start3A_30 = arith.constant 0 : i32
    %dma_start3A_31 = tpu.memref_slice %arg2[%dma_start3A_29, %dma_start3A_30] : memref<69632x128xf32, #tpu.memory_space<hbm>> -> memref<69632x128xf32, #tpu.memory_space<hbm>>
    tpu.enqueue_indirect_dma source(%dma_start3A_31 : memref<69632x128xf32, #tpu.memory_space<hbm>>) target(%dma_start3A_25 : memref<128x128xf32, #tpu.memory_space<vmem>>) offsets(%dma_start3A_28 : memref<128xi32, #tpu.memory_space<vmem>>) semaphore(%arg7 : memref<!tpu.dma_semaphore, #tpu.memory_space<semaphore_mem>>)
    %dma_start3A_32 = arith.constant 2 : i32
    %dma_start3A_33 = arith.constant 256 : i32
    %dma_start3A_34 = arith.constant 0 : i32
    %dma_start3A_35 = tpu.memref_slice %arg6[%dma_start3A_33, %dma_start3A_34] : memref<512x128xf32, #tpu.memory_space<vmem>> -> memref<128x128xf32, #tpu.memory_space<vmem>>
    %dma_start3A_36 = arith.constant 0 : i32
    %dma_start3A_37 = tpu.memref_slice %arg5[%dma_start3A_32, %dma_start3A_36] : memref<4x128xi32, #tpu.memory_space<vmem>> -> memref<1x128xi32, #tpu.memory_space<vmem>>
    %dma_start3A_38 = tpu.memref_squeeze %dma_start3A_37 : memref<1x128xi32, #tpu.memory_space<vmem>> -> memref<128xi32, #tpu.memory_space<vmem>>
    %dma_start3A_39 = arith.constant 0 : i32
    %dma_start3A_40 = arith.constant 0 : i32
    %dma_start3A_41 = tpu.memref_slice %arg2[%dma_start3A_39, %dma_start3A_40] : memref<69632x128xf32, #tpu.memory_space<hbm>> -> memref<69632x128xf32, #tpu.memory_space<hbm>>
    tpu.enqueue_indirect_dma source(%dma_start3A_41 : memref<69632x128xf32, #tpu.memory_space<hbm>>) target(%dma_start3A_35 : memref<128x128xf32, #tpu.memory_space<vmem>>) offsets(%dma_start3A_38 : memref<128xi32, #tpu.memory_space<vmem>>) semaphore(%arg7 : memref<!tpu.dma_semaphore, #tpu.memory_space<semaphore_mem>>)
    %dma_start3A_42 = arith.constant 3 : i32
    %dma_start3A_43 = arith.constant 384 : i32
    %dma_start3A_44 = arith.constant 0 : i32
    %dma_start3A_45 = tpu.memref_slice %arg6[%dma_start3A_43, %dma_start3A_44] : memref<512x128xf32, #tpu.memory_space<vmem>> -> memref<128x128xf32, #tpu.memory_space<vmem>>
    %dma_start3A_46 = arith.constant 0 : i32
    %dma_start3A_47 = tpu.memref_slice %arg5[%dma_start3A_42, %dma_start3A_46] : memref<4x128xi32, #tpu.memory_space<vmem>> -> memref<1x128xi32, #tpu.memory_space<vmem>>
    %dma_start3A_48 = tpu.memref_squeeze %dma_start3A_47 : memref<1x128xi32, #tpu.memory_space<vmem>> -> memref<128xi32, #tpu.memory_space<vmem>>
    %dma_start3A_49 = arith.constant 0 : i32
    %dma_start3A_50 = arith.constant 0 : i32
    %dma_start3A_51 = tpu.memref_slice %arg2[%dma_start3A_49, %dma_start3A_50] : memref<69632x128xf32, #tpu.memory_space<hbm>> -> memref<69632x128xf32, #tpu.memory_space<hbm>>
    tpu.enqueue_indirect_dma source(%dma_start3A_51 : memref<69632x128xf32, #tpu.memory_space<hbm>>) target(%dma_start3A_45 : memref<128x128xf32, #tpu.memory_space<vmem>>) offsets(%dma_start3A_48 : memref<128xi32, #tpu.memory_space<vmem>>) semaphore(%arg7 : memref<!tpu.dma_semaphore, #tpu.memory_space<semaphore_mem>>)
    %dma_wait3A = arith.constant 0 : i32
    %dma_wait3A_52 = arith.constant 0 : i32
    %dma_wait3A_53 = arith.constant 0 : i32
    %dma_wait3A_54 = tpu.memref_slice %arg6[%dma_wait3A_52, %dma_wait3A_53] : memref<512x128xf32, #tpu.memory_space<vmem>> -> memref<128x128xf32, #tpu.memory_space<vmem>>
    %dma_wait3A_55 = arith.constant 0 : i32
    %dma_wait3A_56 = tpu.memref_slice %arg5[%dma_wait3A, %dma_wait3A_55] : memref<4x128xi32, #tpu.memory_space<vmem>> -> memref<1x128xi32, #tpu.memory_space<vmem>>
    %dma_wait3A_57 = tpu.memref_squeeze %dma_wait3A_56 : memref<1x128xi32, #tpu.memory_space<vmem>> -> memref<128xi32, #tpu.memory_space<vmem>>
    %dma_wait3A_58 = arith.constant 0 : i32
    %dma_wait3A_59 = arith.constant 0 : i32
    %dma_wait3A_60 = tpu.memref_slice %arg2[%dma_wait3A_58, %dma_wait3A_59] : memref<69632x128xf32, #tpu.memory_space<hbm>> -> memref<69632x128xf32, #tpu.memory_space<hbm>>
    tpu.wait_indirect_dma semaphore(%arg7 : memref<!tpu.dma_semaphore, #tpu.memory_space<semaphore_mem>>) src(%dma_wait3A_60 : memref<69632x128xf32, #tpu.memory_space<hbm>>) dst(%dma_wait3A_54 : memref<128x128xf32, #tpu.memory_space<vmem>>)
    %dma_wait3A_61 = arith.constant 1 : i32
    %dma_wait3A_62 = arith.constant 128 : i32
    %dma_wait3A_63 = arith.constant 0 : i32
    %dma_wait3A_64 = tpu.memref_slice %arg6[%dma_wait3A_62, %dma_wait3A_63] : memref<512x128xf32, #tpu.memory_space<vmem>> -> memref<128x128xf32, #tpu.memory_space<vmem>>
    %dma_wait3A_65 = arith.constant 0 : i32
    %dma_wait3A_66 = tpu.memref_slice %arg5[%dma_wait3A_61, %dma_wait3A_65] : memref<4x128xi32, #tpu.memory_space<vmem>> -> memref<1x128xi32, #tpu.memory_space<vmem>>
    %dma_wait3A_67 = tpu.memref_squeeze %dma_wait3A_66 : memref<1x128xi32, #tpu.memory_space<vmem>> -> memref<128xi32, #tpu.memory_space<vmem>>
    %dma_wait3A_68 = arith.constant 0 : i32
    %dma_wait3A_69 = arith.constant 0 : i32
    %dma_wait3A_70 = tpu.memref_slice %arg2[%dma_wait3A_68, %dma_wait3A_69] : memref<69632x128xf32, #tpu.memory_space<hbm>> -> memref<69632x128xf32, #tpu.memory_space<hbm>>
    tpu.wait_indirect_dma semaphore(%arg7 : memref<!tpu.dma_semaphore, #tpu.memory_space<semaphore_mem>>) src(%dma_wait3A_70 : memref<69632x128xf32, #tpu.memory_space<hbm>>) dst(%dma_wait3A_64 : memref<128x128xf32, #tpu.memory_space<vmem>>)
    %dma_wait3A_71 = arith.constant 2 : i32
    %dma_wait3A_72 = arith.constant 256 : i32
    %dma_wait3A_73 = arith.constant 0 : i32
    %dma_wait3A_74 = tpu.memref_slice %arg6[%dma_wait3A_72, %dma_wait3A_73] : memref<512x128xf32, #tpu.memory_space<vmem>> -> memref<128x128xf32, #tpu.memory_space<vmem>>
    %dma_wait3A_75 = arith.constant 0 : i32
    %dma_wait3A_76 = tpu.memref_slice %arg5[%dma_wait3A_71, %dma_wait3A_75] : memref<4x128xi32, #tpu.memory_space<vmem>> -> memref<1x128xi32, #tpu.memory_space<vmem>>
    %dma_wait3A_77 = tpu.memref_squeeze %dma_wait3A_76 : memref<1x128xi32, #tpu.memory_space<vmem>> -> memref<128xi32, #tpu.memory_space<vmem>>
    %dma_wait3A_78 = arith.constant 0 : i32
    %dma_wait3A_79 = arith.constant 0 : i32
    %dma_wait3A_80 = tpu.memref_slice %arg2[%dma_wait3A_78, %dma_wait3A_79] : memref<69632x128xf32, #tpu.memory_space<hbm>> -> memref<69632x128xf32, #tpu.memory_space<hbm>>
    tpu.wait_indirect_dma semaphore(%arg7 : memref<!tpu.dma_semaphore, #tpu.memory_space<semaphore_mem>>) src(%dma_wait3A_80 : memref<69632x128xf32, #tpu.memory_space<hbm>>) dst(%dma_wait3A_74 : memref<128x128xf32, #tpu.memory_space<vmem>>)
    %dma_wait3A_81 = arith.constant 3 : i32
    %dma_wait3A_82 = arith.constant 384 : i32
    %dma_wait3A_83 = arith.constant 0 : i32
    %dma_wait3A_84 = tpu.memref_slice %arg6[%dma_wait3A_82, %dma_wait3A_83] : memref<512x128xf32, #tpu.memory_space<vmem>> -> memref<128x128xf32, #tpu.memory_space<vmem>>
    %dma_wait3A_85 = arith.constant 0 : i32
    %dma_wait3A_86 = tpu.memref_slice %arg5[%dma_wait3A_81, %dma_wait3A_85] : memref<4x128xi32, #tpu.memory_space<vmem>> -> memref<1x128xi32, #tpu.memory_space<vmem>>
    %dma_wait3A_87 = tpu.memref_squeeze %dma_wait3A_86 : memref<1x128xi32, #tpu.memory_space<vmem>> -> memref<128xi32, #tpu.memory_space<vmem>>
    %dma_wait3A_88 = arith.constant 0 : i32
    %dma_wait3A_89 = arith.constant 0 : i32
    %dma_wait3A_90 = tpu.memref_slice %arg2[%dma_wait3A_88, %dma_wait3A_89] : memref<69632x128xf32, #tpu.memory_space<hbm>> -> memref<69632x128xf32, #tpu.memory_space<hbm>>
    tpu.wait_indirect_dma semaphore(%arg7 : memref<!tpu.dma_semaphore, #tpu.memory_space<semaphore_mem>>) src(%dma_wait3A_90 : memref<69632x128xf32, #tpu.memory_space<hbm>>) dst(%dma_wait3A_84 : memref<128x128xf32, #tpu.memory_space<vmem>>)
    "tpu.region"() ({
      %run_scoped3A = tpu.sem_alloc : memref<!tpu.dma_semaphore, #tpu.memory_space<semaphore_mem>>
      %dma_start3A_367 = arith.constant 0 : i32
      %dma_start3A_368 = tpu.memref_slice %arg4[%mul3A_6, %dma_start3A_367] : memref<65536x128xf32, #tpu.memory_space<hbm>> -> memref<512x128xf32, #tpu.memory_space<hbm>>
      %dma_start3A_369 = arith.constant 0 : i32
      %dma_start3A_370 = tpu.memref_slice %arg4[%mul3A_6, %dma_start3A_369] : memref<65536x128xf32, #tpu.memory_space<hbm>> -> memref<512x128xf32, #tpu.memory_space<hbm>>
      tpu.enqueue_dma source(%arg6 : memref<512x128xf32, #tpu.memory_space<vmem>>) target(%dma_start3A_370 : memref<512x128xf32, #tpu.memory_space<hbm>>) target_semaphore(%run_scoped3A : memref<!tpu.dma_semaphore, #tpu.memory_space<semaphore_mem>>)
      %dma_wait3A_371 = arith.constant 0 : i32
      %dma_wait3A_372 = tpu.memref_slice %arg4[%mul3A_6, %dma_wait3A_371] : memref<65536x128xf32, #tpu.memory_space<hbm>> -> memref<512x128xf32, #tpu.memory_space<hbm>>
      %dma_wait3A_373 = arith.constant 0 : i32
      %dma_wait3A_374 = tpu.memref_slice %arg4[%mul3A_6, %dma_wait3A_373] : memref<65536x128xf32, #tpu.memory_space<hbm>> -> memref<512x128xf32, #tpu.memory_space<hbm>>
      tpu.wait_dma2 semaphore(%run_scoped3A : memref<!tpu.dma_semaphore, #tpu.memory_space<semaphore_mem>>) src(%arg6 : memref<512x128xf32, #tpu.memory_space<vmem>>) dst(%dma_wait3A_374 : memref<512x128xf32, #tpu.memory_space<hbm>>)
      tpu.yield
    }) : () -> ()
    %mul3A_91 = arith.constant 4 : i32
    %mul3A_92 = arith.muli %add3A, %mul3A_91 : i32
    %add3A_93 = arith.constant 1 : i32
    %add3A_94 = arith.addi %mul3A_92, %add3A_93 : i32
    %mul3A_95 = arith.constant 512 : i32
    %mul3A_96 = arith.muli %add3A_94, %mul3A_95 : i32
    %mul3A_97 = arith.constant 4 : i32
    %mul3A_98 = arith.muli %add3A, %mul3A_97 : i32
    %mul3A_99 = arith.constant 4 : i32
    %mul3A_100 = arith.muli %mul3A_98, %mul3A_99 : i32
    %add3A_101 = arith.constant 4 : i32
    %add3A_102 = arith.addi %mul3A_100, %add3A_101 : i32
    "tpu.region"() ({
      %run_scoped3A = tpu.sem_alloc : memref<!tpu.dma_semaphore, #tpu.memory_space<semaphore_mem>>
      %dma_start3A_367 = arith.constant 0 : i32
      %dma_start3A_368 = tpu.memref_slice %arg3[%add3A_102, %dma_start3A_367] : memref<512x128xi32, #tpu.memory_space<hbm>> -> memref<4x128xi32, #tpu.memory_space<hbm>>
      %dma_start3A_369 = arith.constant 0 : i32
      %dma_start3A_370 = tpu.memref_slice %arg3[%add3A_102, %dma_start3A_369] : memref<512x128xi32, #tpu.memory_space<hbm>> -> memref<4x128xi32, #tpu.memory_space<hbm>>
      tpu.enqueue_dma source(%dma_start3A_370 : memref<4x128xi32, #tpu.memory_space<hbm>>) target(%arg5 : memref<4x128xi32, #tpu.memory_space<vmem>>) target_semaphore(%run_scoped3A : memref<!tpu.dma_semaphore, #tpu.memory_space<semaphore_mem>>)
      %dma_wait3A_371 = arith.constant 0 : i32
      %dma_wait3A_372 = tpu.memref_slice %arg3[%add3A_102, %dma_wait3A_371] : memref<512x128xi32, #tpu.memory_space<hbm>> -> memref<4x128xi32, #tpu.memory_space<hbm>>
      %dma_wait3A_373 = arith.constant 0 : i32
      %dma_wait3A_374 = tpu.memref_slice %arg3[%add3A_102, %dma_wait3A_373] : memref<512x128xi32, #tpu.memory_space<hbm>> -> memref<4x128xi32, #tpu.memory_space<hbm>>
      tpu.wait_dma2 semaphore(%run_scoped3A : memref<!tpu.dma_semaphore, #tpu.memory_space<semaphore_mem>>) src(%dma_wait3A_374 : memref<4x128xi32, #tpu.memory_space<hbm>>) dst(%arg5 : memref<4x128xi32, #tpu.memory_space<vmem>>)
      tpu.yield
    }) : () -> ()
    %dma_start3A_103 = arith.constant 0 : i32
    %dma_start3A_104 = arith.constant 0 : i32
    %dma_start3A_105 = arith.constant 0 : i32
    %dma_start3A_106 = tpu.memref_slice %arg6[%dma_start3A_104, %dma_start3A_105] : memref<512x128xf32, #tpu.memory_space<vmem>> -> memref<128x128xf32, #tpu.memory_space<vmem>>
    %dma_start3A_107 = arith.constant 0 : i32
    %dma_start3A_108 = tpu.memref_slice %arg5[%dma_start3A_103, %dma_start3A_107] : memref<4x128xi32, #tpu.memory_space<vmem>> -> memref<1x128xi32, #tpu.memory_space<vmem>>
    %dma_start3A_109 = tpu.memref_squeeze %dma_start3A_108 : memref<1x128xi32, #tpu.memory_space<vmem>> -> memref<128xi32, #tpu.memory_space<vmem>>
    %dma_start3A_110 = arith.constant 0 : i32
    %dma_start3A_111 = arith.constant 0 : i32
    %dma_start3A_112 = tpu.memref_slice %arg2[%dma_start3A_110, %dma_start3A_111] : memref<69632x128xf32, #tpu.memory_space<hbm>> -> memref<69632x128xf32, #tpu.memory_space<hbm>>
    tpu.enqueue_indirect_dma source(%dma_start3A_112 : memref<69632x128xf32, #tpu.memory_space<hbm>>) target(%dma_start3A_106 : memref<128x128xf32, #tpu.memory_space<vmem>>) offsets(%dma_start3A_109 : memref<128xi32, #tpu.memory_space<vmem>>) semaphore(%arg7 : memref<!tpu.dma_semaphore, #tpu.memory_space<semaphore_mem>>)
    %dma_start3A_113 = arith.constant 1 : i32
    %dma_start3A_114 = arith.constant 128 : i32
    %dma_start3A_115 = arith.constant 0 : i32
    %dma_start3A_116 = tpu.memref_slice %arg6[%dma_start3A_114, %dma_start3A_115] : memref<512x128xf32, #tpu.memory_space<vmem>> -> memref<128x128xf32, #tpu.memory_space<vmem>>
    %dma_start3A_117 = arith.constant 0 : i32
    %dma_start3A_118 = tpu.memref_slice %arg5[%dma_start3A_113, %dma_start3A_117] : memref<4x128xi32, #tpu.memory_space<vmem>> -> memref<1x128xi32, #tpu.memory_space<vmem>>
    %dma_start3A_119 = tpu.memref_squeeze %dma_start3A_118 : memref<1x128xi32, #tpu.memory_space<vmem>> -> memref<128xi32, #tpu.memory_space<vmem>>
    %dma_start3A_120 = arith.constant 0 : i32
    %dma_start3A_121 = arith.constant 0 : i32
    %dma_start3A_122 = tpu.memref_slice %arg2[%dma_start3A_120, %dma_start3A_121] : memref<69632x128xf32, #tpu.memory_space<hbm>> -> memref<69632x128xf32, #tpu.memory_space<hbm>>
    tpu.enqueue_indirect_dma source(%dma_start3A_122 : memref<69632x128xf32, #tpu.memory_space<hbm>>) target(%dma_start3A_116 : memref<128x128xf32, #tpu.memory_space<vmem>>) offsets(%dma_start3A_119 : memref<128xi32, #tpu.memory_space<vmem>>) semaphore(%arg7 : memref<!tpu.dma_semaphore, #tpu.memory_space<semaphore_mem>>)
    %dma_start3A_123 = arith.constant 2 : i32
    %dma_start3A_124 = arith.constant 256 : i32
    %dma_start3A_125 = arith.constant 0 : i32
    %dma_start3A_126 = tpu.memref_slice %arg6[%dma_start3A_124, %dma_start3A_125] : memref<512x128xf32, #tpu.memory_space<vmem>> -> memref<128x128xf32, #tpu.memory_space<vmem>>
    %dma_start3A_127 = arith.constant 0 : i32
    %dma_start3A_128 = tpu.memref_slice %arg5[%dma_start3A_123, %dma_start3A_127] : memref<4x128xi32, #tpu.memory_space<vmem>> -> memref<1x128xi32, #tpu.memory_space<vmem>>
    %dma_start3A_129 = tpu.memref_squeeze %dma_start3A_128 : memref<1x128xi32, #tpu.memory_space<vmem>> -> memref<128xi32, #tpu.memory_space<vmem>>
    %dma_start3A_130 = arith.constant 0 : i32
    %dma_start3A_131 = arith.constant 0 : i32
    %dma_start3A_132 = tpu.memref_slice %arg2[%dma_start3A_130, %dma_start3A_131] : memref<69632x128xf32, #tpu.memory_space<hbm>> -> memref<69632x128xf32, #tpu.memory_space<hbm>>
    tpu.enqueue_indirect_dma source(%dma_start3A_132 : memref<69632x128xf32, #tpu.memory_space<hbm>>) target(%dma_start3A_126 : memref<128x128xf32, #tpu.memory_space<vmem>>) offsets(%dma_start3A_129 : memref<128xi32, #tpu.memory_space<vmem>>) semaphore(%arg7 : memref<!tpu.dma_semaphore, #tpu.memory_space<semaphore_mem>>)
    %dma_start3A_133 = arith.constant 3 : i32
    %dma_start3A_134 = arith.constant 384 : i32
    %dma_start3A_135 = arith.constant 0 : i32
    %dma_start3A_136 = tpu.memref_slice %arg6[%dma_start3A_134, %dma_start3A_135] : memref<512x128xf32, #tpu.memory_space<vmem>> -> memref<128x128xf32, #tpu.memory_space<vmem>>
    %dma_start3A_137 = arith.constant 0 : i32
    %dma_start3A_138 = tpu.memref_slice %arg5[%dma_start3A_133, %dma_start3A_137] : memref<4x128xi32, #tpu.memory_space<vmem>> -> memref<1x128xi32, #tpu.memory_space<vmem>>
    %dma_start3A_139 = tpu.memref_squeeze %dma_start3A_138 : memref<1x128xi32, #tpu.memory_space<vmem>> -> memref<128xi32, #tpu.memory_space<vmem>>
    %dma_start3A_140 = arith.constant 0 : i32
    %dma_start3A_141 = arith.constant 0 : i32
    %dma_start3A_142 = tpu.memref_slice %arg2[%dma_start3A_140, %dma_start3A_141] : memref<69632x128xf32, #tpu.memory_space<hbm>> -> memref<69632x128xf32, #tpu.memory_space<hbm>>
    tpu.enqueue_indirect_dma source(%dma_start3A_142 : memref<69632x128xf32, #tpu.memory_space<hbm>>) target(%dma_start3A_136 : memref<128x128xf32, #tpu.memory_space<vmem>>) offsets(%dma_start3A_139 : memref<128xi32, #tpu.memory_space<vmem>>) semaphore(%arg7 : memref<!tpu.dma_semaphore, #tpu.memory_space<semaphore_mem>>)
    %dma_wait3A_143 = arith.constant 0 : i32
    %dma_wait3A_144 = arith.constant 0 : i32
    %dma_wait3A_145 = arith.constant 0 : i32
    %dma_wait3A_146 = tpu.memref_slice %arg6[%dma_wait3A_144, %dma_wait3A_145] : memref<512x128xf32, #tpu.memory_space<vmem>> -> memref<128x128xf32, #tpu.memory_space<vmem>>
    %dma_wait3A_147 = arith.constant 0 : i32
    %dma_wait3A_148 = tpu.memref_slice %arg5[%dma_wait3A_143, %dma_wait3A_147] : memref<4x128xi32, #tpu.memory_space<vmem>> -> memref<1x128xi32, #tpu.memory_space<vmem>>
    %dma_wait3A_149 = tpu.memref_squeeze %dma_wait3A_148 : memref<1x128xi32, #tpu.memory_space<vmem>> -> memref<128xi32, #tpu.memory_space<vmem>>
    %dma_wait3A_150 = arith.constant 0 : i32
    %dma_wait3A_151 = arith.constant 0 : i32
    %dma_wait3A_152 = tpu.memref_slice %arg2[%dma_wait3A_150, %dma_wait3A_151] : memref<69632x128xf32, #tpu.memory_space<hbm>> -> memref<69632x128xf32, #tpu.memory_space<hbm>>
    tpu.wait_indirect_dma semaphore(%arg7 : memref<!tpu.dma_semaphore, #tpu.memory_space<semaphore_mem>>) src(%dma_wait3A_152 : memref<69632x128xf32, #tpu.memory_space<hbm>>) dst(%dma_wait3A_146 : memref<128x128xf32, #tpu.memory_space<vmem>>)
    %dma_wait3A_153 = arith.constant 1 : i32
    %dma_wait3A_154 = arith.constant 128 : i32
    %dma_wait3A_155 = arith.constant 0 : i32
    %dma_wait3A_156 = tpu.memref_slice %arg6[%dma_wait3A_154, %dma_wait3A_155] : memref<512x128xf32, #tpu.memory_space<vmem>> -> memref<128x128xf32, #tpu.memory_space<vmem>>
    %dma_wait3A_157 = arith.constant 0 : i32
    %dma_wait3A_158 = tpu.memref_slice %arg5[%dma_wait3A_153, %dma_wait3A_157] : memref<4x128xi32, #tpu.memory_space<vmem>> -> memref<1x128xi32, #tpu.memory_space<vmem>>
    %dma_wait3A_159 = tpu.memref_squeeze %dma_wait3A_158 : memref<1x128xi32, #tpu.memory_space<vmem>> -> memref<128xi32, #tpu.memory_space<vmem>>
    %dma_wait3A_160 = arith.constant 0 : i32
    %dma_wait3A_161 = arith.constant 0 : i32
    %dma_wait3A_162 = tpu.memref_slice %arg2[%dma_wait3A_160, %dma_wait3A_161] : memref<69632x128xf32, #tpu.memory_space<hbm>> -> memref<69632x128xf32, #tpu.memory_space<hbm>>
    tpu.wait_indirect_dma semaphore(%arg7 : memref<!tpu.dma_semaphore, #tpu.memory_space<semaphore_mem>>) src(%dma_wait3A_162 : memref<69632x128xf32, #tpu.memory_space<hbm>>) dst(%dma_wait3A_156 : memref<128x128xf32, #tpu.memory_space<vmem>>)
    %dma_wait3A_163 = arith.constant 2 : i32
    %dma_wait3A_164 = arith.constant 256 : i32
    %dma_wait3A_165 = arith.constant 0 : i32
    %dma_wait3A_166 = tpu.memref_slice %arg6[%dma_wait3A_164, %dma_wait3A_165] : memref<512x128xf32, #tpu.memory_space<vmem>> -> memref<128x128xf32, #tpu.memory_space<vmem>>
    %dma_wait3A_167 = arith.constant 0 : i32
    %dma_wait3A_168 = tpu.memref_slice %arg5[%dma_wait3A_163, %dma_wait3A_167] : memref<4x128xi32, #tpu.memory_space<vmem>> -> memref<1x128xi32, #tpu.memory_space<vmem>>
    %dma_wait3A_169 = tpu.memref_squeeze %dma_wait3A_168 : memref<1x128xi32, #tpu.memory_space<vmem>> -> memref<128xi32, #tpu.memory_space<vmem>>
    %dma_wait3A_170 = arith.constant 0 : i32
    %dma_wait3A_171 = arith.constant 0 : i32
    %dma_wait3A_172 = tpu.memref_slice %arg2[%dma_wait3A_170, %dma_wait3A_171] : memref<69632x128xf32, #tpu.memory_space<hbm>> -> memref<69632x128xf32, #tpu.memory_space<hbm>>
    tpu.wait_indirect_dma semaphore(%arg7 : memref<!tpu.dma_semaphore, #tpu.memory_space<semaphore_mem>>) src(%dma_wait3A_172 : memref<69632x128xf32, #tpu.memory_space<hbm>>) dst(%dma_wait3A_166 : memref<128x128xf32, #tpu.memory_space<vmem>>)
    %dma_wait3A_173 = arith.constant 3 : i32
    %dma_wait3A_174 = arith.constant 384 : i32
    %dma_wait3A_175 = arith.constant 0 : i32
    %dma_wait3A_176 = tpu.memref_slice %arg6[%dma_wait3A_174, %dma_wait3A_175] : memref<512x128xf32, #tpu.memory_space<vmem>> -> memref<128x128xf32, #tpu.memory_space<vmem>>
    %dma_wait3A_177 = arith.constant 0 : i32
    %dma_wait3A_178 = tpu.memref_slice %arg5[%dma_wait3A_173, %dma_wait3A_177] : memref<4x128xi32, #tpu.memory_space<vmem>> -> memref<1x128xi32, #tpu.memory_space<vmem>>
    %dma_wait3A_179 = tpu.memref_squeeze %dma_wait3A_178 : memref<1x128xi32, #tpu.memory_space<vmem>> -> memref<128xi32, #tpu.memory_space<vmem>>
    %dma_wait3A_180 = arith.constant 0 : i32
    %dma_wait3A_181 = arith.constant 0 : i32
    %dma_wait3A_182 = tpu.memref_slice %arg2[%dma_wait3A_180, %dma_wait3A_181] : memref<69632x128xf32, #tpu.memory_space<hbm>> -> memref<69632x128xf32, #tpu.memory_space<hbm>>
    tpu.wait_indirect_dma semaphore(%arg7 : memref<!tpu.dma_semaphore, #tpu.memory_space<semaphore_mem>>) src(%dma_wait3A_182 : memref<69632x128xf32, #tpu.memory_space<hbm>>) dst(%dma_wait3A_176 : memref<128x128xf32, #tpu.memory_space<vmem>>)
    "tpu.region"() ({
      %run_scoped3A = tpu.sem_alloc : memref<!tpu.dma_semaphore, #tpu.memory_space<semaphore_mem>>
      %dma_start3A_367 = arith.constant 0 : i32
      %dma_start3A_368 = tpu.memref_slice %arg4[%mul3A_96, %dma_start3A_367] : memref<65536x128xf32, #tpu.memory_space<hbm>> -> memref<512x128xf32, #tpu.memory_space<hbm>>
      %dma_start3A_369 = arith.constant 0 : i32
      %dma_start3A_370 = tpu.memref_slice %arg4[%mul3A_96, %dma_start3A_369] : memref<65536x128xf32, #tpu.memory_space<hbm>> -> memref<512x128xf32, #tpu.memory_space<hbm>>
      tpu.enqueue_dma source(%arg6 : memref<512x128xf32, #tpu.memory_space<vmem>>) target(%dma_start3A_370 : memref<512x128xf32, #tpu.memory_space<hbm>>) target_semaphore(%run_scoped3A : memref<!tpu.dma_semaphore, #tpu.memory_space<semaphore_mem>>)
      %dma_wait3A_371 = arith.constant 0 : i32
      %dma_wait3A_372 = tpu.memref_slice %arg4[%mul3A_96, %dma_wait3A_371] : memref<65536x128xf32, #tpu.memory_space<hbm>> -> memref<512x128xf32, #tpu.memory_space<hbm>>
      %dma_wait3A_373 = arith.constant 0 : i32
      %dma_wait3A_374 = tpu.memref_slice %arg4[%mul3A_96, %dma_wait3A_373] : memref<65536x128xf32, #tpu.memory_space<hbm>> -> memref<512x128xf32, #tpu.memory_space<hbm>>
      tpu.wait_dma2 semaphore(%run_scoped3A : memref<!tpu.dma_semaphore, #tpu.memory_space<semaphore_mem>>) src(%arg6 : memref<512x128xf32, #tpu.memory_space<vmem>>) dst(%dma_wait3A_374 : memref<512x128xf32, #tpu.memory_space<hbm>>)
      tpu.yield
    }) : () -> ()
    %mul3A_183 = arith.constant 4 : i32
    %mul3A_184 = arith.muli %add3A, %mul3A_183 : i32
    %add3A_185 = arith.constant 2 : i32
    %add3A_186 = arith.addi %mul3A_184, %add3A_185 : i32
    %mul3A_187 = arith.constant 512 : i32
    %mul3A_188 = arith.muli %add3A_186, %mul3A_187 : i32
    %mul3A_189 = arith.constant 4 : i32
    %mul3A_190 = arith.muli %add3A, %mul3A_189 : i32
    %mul3A_191 = arith.constant 4 : i32
    %mul3A_192 = arith.muli %mul3A_190, %mul3A_191 : i32
    %add3A_193 = arith.constant 8 : i32
    %add3A_194 = arith.addi %mul3A_192, %add3A_193 : i32
    "tpu.region"() ({
      %run_scoped3A = tpu.sem_alloc : memref<!tpu.dma_semaphore, #tpu.memory_space<semaphore_mem>>
      %dma_start3A_367 = arith.constant 0 : i32
      %dma_start3A_368 = tpu.memref_slice %arg3[%add3A_194, %dma_start3A_367] : memref<512x128xi32, #tpu.memory_space<hbm>> -> memref<4x128xi32, #tpu.memory_space<hbm>>
      %dma_start3A_369 = arith.constant 0 : i32
      %dma_start3A_370 = tpu.memref_slice %arg3[%add3A_194, %dma_start3A_369] : memref<512x128xi32, #tpu.memory_space<hbm>> -> memref<4x128xi32, #tpu.memory_space<hbm>>
      tpu.enqueue_dma source(%dma_start3A_370 : memref<4x128xi32, #tpu.memory_space<hbm>>) target(%arg5 : memref<4x128xi32, #tpu.memory_space<vmem>>) target_semaphore(%run_scoped3A : memref<!tpu.dma_semaphore, #tpu.memory_space<semaphore_mem>>)
      %dma_wait3A_371 = arith.constant 0 : i32
      %dma_wait3A_372 = tpu.memref_slice %arg3[%add3A_194, %dma_wait3A_371] : memref<512x128xi32, #tpu.memory_space<hbm>> -> memref<4x128xi32, #tpu.memory_space<hbm>>
      %dma_wait3A_373 = arith.constant 0 : i32
      %dma_wait3A_374 = tpu.memref_slice %arg3[%add3A_194, %dma_wait3A_373] : memref<512x128xi32, #tpu.memory_space<hbm>> -> memref<4x128xi32, #tpu.memory_space<hbm>>
      tpu.wait_dma2 semaphore(%run_scoped3A : memref<!tpu.dma_semaphore, #tpu.memory_space<semaphore_mem>>) src(%dma_wait3A_374 : memref<4x128xi32, #tpu.memory_space<hbm>>) dst(%arg5 : memref<4x128xi32, #tpu.memory_space<vmem>>)
      tpu.yield
    }) : () -> ()
    %dma_start3A_195 = arith.constant 0 : i32
    %dma_start3A_196 = arith.constant 0 : i32
    %dma_start3A_197 = arith.constant 0 : i32
    %dma_start3A_198 = tpu.memref_slice %arg6[%dma_start3A_196, %dma_start3A_197] : memref<512x128xf32, #tpu.memory_space<vmem>> -> memref<128x128xf32, #tpu.memory_space<vmem>>
    %dma_start3A_199 = arith.constant 0 : i32
    %dma_start3A_200 = tpu.memref_slice %arg5[%dma_start3A_195, %dma_start3A_199] : memref<4x128xi32, #tpu.memory_space<vmem>> -> memref<1x128xi32, #tpu.memory_space<vmem>>
    %dma_start3A_201 = tpu.memref_squeeze %dma_start3A_200 : memref<1x128xi32, #tpu.memory_space<vmem>> -> memref<128xi32, #tpu.memory_space<vmem>>
    %dma_start3A_202 = arith.constant 0 : i32
    %dma_start3A_203 = arith.constant 0 : i32
    %dma_start3A_204 = tpu.memref_slice %arg2[%dma_start3A_202, %dma_start3A_203] : memref<69632x128xf32, #tpu.memory_space<hbm>> -> memref<69632x128xf32, #tpu.memory_space<hbm>>
    tpu.enqueue_indirect_dma source(%dma_start3A_204 : memref<69632x128xf32, #tpu.memory_space<hbm>>) target(%dma_start3A_198 : memref<128x128xf32, #tpu.memory_space<vmem>>) offsets(%dma_start3A_201 : memref<128xi32, #tpu.memory_space<vmem>>) semaphore(%arg7 : memref<!tpu.dma_semaphore, #tpu.memory_space<semaphore_mem>>)
    %dma_start3A_205 = arith.constant 1 : i32
    %dma_start3A_206 = arith.constant 128 : i32
    %dma_start3A_207 = arith.constant 0 : i32
    %dma_start3A_208 = tpu.memref_slice %arg6[%dma_start3A_206, %dma_start3A_207] : memref<512x128xf32, #tpu.memory_space<vmem>> -> memref<128x128xf32, #tpu.memory_space<vmem>>
    %dma_start3A_209 = arith.constant 0 : i32
    %dma_start3A_210 = tpu.memref_slice %arg5[%dma_start3A_205, %dma_start3A_209] : memref<4x128xi32, #tpu.memory_space<vmem>> -> memref<1x128xi32, #tpu.memory_space<vmem>>
    %dma_start3A_211 = tpu.memref_squeeze %dma_start3A_210 : memref<1x128xi32, #tpu.memory_space<vmem>> -> memref<128xi32, #tpu.memory_space<vmem>>
    %dma_start3A_212 = arith.constant 0 : i32
    %dma_start3A_213 = arith.constant 0 : i32
    %dma_start3A_214 = tpu.memref_slice %arg2[%dma_start3A_212, %dma_start3A_213] : memref<69632x128xf32, #tpu.memory_space<hbm>> -> memref<69632x128xf32, #tpu.memory_space<hbm>>
    tpu.enqueue_indirect_dma source(%dma_start3A_214 : memref<69632x128xf32, #tpu.memory_space<hbm>>) target(%dma_start3A_208 : memref<128x128xf32, #tpu.memory_space<vmem>>) offsets(%dma_start3A_211 : memref<128xi32, #tpu.memory_space<vmem>>) semaphore(%arg7 : memref<!tpu.dma_semaphore, #tpu.memory_space<semaphore_mem>>)
    %dma_start3A_215 = arith.constant 2 : i32
    %dma_start3A_216 = arith.constant 256 : i32
    %dma_start3A_217 = arith.constant 0 : i32
    %dma_start3A_218 = tpu.memref_slice %arg6[%dma_start3A_216, %dma_start3A_217] : memref<512x128xf32, #tpu.memory_space<vmem>> -> memref<128x128xf32, #tpu.memory_space<vmem>>
    %dma_start3A_219 = arith.constant 0 : i32
    %dma_start3A_220 = tpu.memref_slice %arg5[%dma_start3A_215, %dma_start3A_219] : memref<4x128xi32, #tpu.memory_space<vmem>> -> memref<1x128xi32, #tpu.memory_space<vmem>>
    %dma_start3A_221 = tpu.memref_squeeze %dma_start3A_220 : memref<1x128xi32, #tpu.memory_space<vmem>> -> memref<128xi32, #tpu.memory_space<vmem>>
    %dma_start3A_222 = arith.constant 0 : i32
    %dma_start3A_223 = arith.constant 0 : i32
    %dma_start3A_224 = tpu.memref_slice %arg2[%dma_start3A_222, %dma_start3A_223] : memref<69632x128xf32, #tpu.memory_space<hbm>> -> memref<69632x128xf32, #tpu.memory_space<hbm>>
    tpu.enqueue_indirect_dma source(%dma_start3A_224 : memref<69632x128xf32, #tpu.memory_space<hbm>>) target(%dma_start3A_218 : memref<128x128xf32, #tpu.memory_space<vmem>>) offsets(%dma_start3A_221 : memref<128xi32, #tpu.memory_space<vmem>>) semaphore(%arg7 : memref<!tpu.dma_semaphore, #tpu.memory_space<semaphore_mem>>)
    %dma_start3A_225 = arith.constant 3 : i32
    %dma_start3A_226 = arith.constant 384 : i32
    %dma_start3A_227 = arith.constant 0 : i32
    %dma_start3A_228 = tpu.memref_slice %arg6[%dma_start3A_226, %dma_start3A_227] : memref<512x128xf32, #tpu.memory_space<vmem>> -> memref<128x128xf32, #tpu.memory_space<vmem>>
    %dma_start3A_229 = arith.constant 0 : i32
    %dma_start3A_230 = tpu.memref_slice %arg5[%dma_start3A_225, %dma_start3A_229] : memref<4x128xi32, #tpu.memory_space<vmem>> -> memref<1x128xi32, #tpu.memory_space<vmem>>
    %dma_start3A_231 = tpu.memref_squeeze %dma_start3A_230 : memref<1x128xi32, #tpu.memory_space<vmem>> -> memref<128xi32, #tpu.memory_space<vmem>>
    %dma_start3A_232 = arith.constant 0 : i32
    %dma_start3A_233 = arith.constant 0 : i32
    %dma_start3A_234 = tpu.memref_slice %arg2[%dma_start3A_232, %dma_start3A_233] : memref<69632x128xf32, #tpu.memory_space<hbm>> -> memref<69632x128xf32, #tpu.memory_space<hbm>>
    tpu.enqueue_indirect_dma source(%dma_start3A_234 : memref<69632x128xf32, #tpu.memory_space<hbm>>) target(%dma_start3A_228 : memref<128x128xf32, #tpu.memory_space<vmem>>) offsets(%dma_start3A_231 : memref<128xi32, #tpu.memory_space<vmem>>) semaphore(%arg7 : memref<!tpu.dma_semaphore, #tpu.memory_space<semaphore_mem>>)
    %dma_wait3A_235 = arith.constant 0 : i32
    %dma_wait3A_236 = arith.constant 0 : i32
    %dma_wait3A_237 = arith.constant 0 : i32
    %dma_wait3A_238 = tpu.memref_slice %arg6[%dma_wait3A_236, %dma_wait3A_237] : memref<512x128xf32, #tpu.memory_space<vmem>> -> memref<128x128xf32, #tpu.memory_space<vmem>>
    %dma_wait3A_239 = arith.constant 0 : i32
    %dma_wait3A_240 = tpu.memref_slice %arg5[%dma_wait3A_235, %dma_wait3A_239] : memref<4x128xi32, #tpu.memory_space<vmem>> -> memref<1x128xi32, #tpu.memory_space<vmem>>
    %dma_wait3A_241 = tpu.memref_squeeze %dma_wait3A_240 : memref<1x128xi32, #tpu.memory_space<vmem>> -> memref<128xi32, #tpu.memory_space<vmem>>
    %dma_wait3A_242 = arith.constant 0 : i32
    %dma_wait3A_243 = arith.constant 0 : i32
    %dma_wait3A_244 = tpu.memref_slice %arg2[%dma_wait3A_242, %dma_wait3A_243] : memref<69632x128xf32, #tpu.memory_space<hbm>> -> memref<69632x128xf32, #tpu.memory_space<hbm>>
    tpu.wait_indirect_dma semaphore(%arg7 : memref<!tpu.dma_semaphore, #tpu.memory_space<semaphore_mem>>) src(%dma_wait3A_244 : memref<69632x128xf32, #tpu.memory_space<hbm>>) dst(%dma_wait3A_238 : memref<128x128xf32, #tpu.memory_space<vmem>>)
    %dma_wait3A_245 = arith.constant 1 : i32
    %dma_wait3A_246 = arith.constant 128 : i32
    %dma_wait3A_247 = arith.constant 0 : i32
    %dma_wait3A_248 = tpu.memref_slice %arg6[%dma_wait3A_246, %dma_wait3A_247] : memref<512x128xf32, #tpu.memory_space<vmem>> -> memref<128x128xf32, #tpu.memory_space<vmem>>
    %dma_wait3A_249 = arith.constant 0 : i32
    %dma_wait3A_250 = tpu.memref_slice %arg5[%dma_wait3A_245, %dma_wait3A_249] : memref<4x128xi32, #tpu.memory_space<vmem>> -> memref<1x128xi32, #tpu.memory_space<vmem>>
    %dma_wait3A_251 = tpu.memref_squeeze %dma_wait3A_250 : memref<1x128xi32, #tpu.memory_space<vmem>> -> memref<128xi32, #tpu.memory_space<vmem>>
    %dma_wait3A_252 = arith.constant 0 : i32
    %dma_wait3A_253 = arith.constant 0 : i32
    %dma_wait3A_254 = tpu.memref_slice %arg2[%dma_wait3A_252, %dma_wait3A_253] : memref<69632x128xf32, #tpu.memory_space<hbm>> -> memref<69632x128xf32, #tpu.memory_space<hbm>>
    tpu.wait_indirect_dma semaphore(%arg7 : memref<!tpu.dma_semaphore, #tpu.memory_space<semaphore_mem>>) src(%dma_wait3A_254 : memref<69632x128xf32, #tpu.memory_space<hbm>>) dst(%dma_wait3A_248 : memref<128x128xf32, #tpu.memory_space<vmem>>)
    %dma_wait3A_255 = arith.constant 2 : i32
    %dma_wait3A_256 = arith.constant 256 : i32
    %dma_wait3A_257 = arith.constant 0 : i32
    %dma_wait3A_258 = tpu.memref_slice %arg6[%dma_wait3A_256, %dma_wait3A_257] : memref<512x128xf32, #tpu.memory_space<vmem>> -> memref<128x128xf32, #tpu.memory_space<vmem>>
    %dma_wait3A_259 = arith.constant 0 : i32
    %dma_wait3A_260 = tpu.memref_slice %arg5[%dma_wait3A_255, %dma_wait3A_259] : memref<4x128xi32, #tpu.memory_space<vmem>> -> memref<1x128xi32, #tpu.memory_space<vmem>>
    %dma_wait3A_261 = tpu.memref_squeeze %dma_wait3A_260 : memref<1x128xi32, #tpu.memory_space<vmem>> -> memref<128xi32, #tpu.memory_space<vmem>>
    %dma_wait3A_262 = arith.constant 0 : i32
    %dma_wait3A_263 = arith.constant 0 : i32
    %dma_wait3A_264 = tpu.memref_slice %arg2[%dma_wait3A_262, %dma_wait3A_263] : memref<69632x128xf32, #tpu.memory_space<hbm>> -> memref<69632x128xf32, #tpu.memory_space<hbm>>
    tpu.wait_indirect_dma semaphore(%arg7 : memref<!tpu.dma_semaphore, #tpu.memory_space<semaphore_mem>>) src(%dma_wait3A_264 : memref<69632x128xf32, #tpu.memory_space<hbm>>) dst(%dma_wait3A_258 : memref<128x128xf32, #tpu.memory_space<vmem>>)
    %dma_wait3A_265 = arith.constant 3 : i32
    %dma_wait3A_266 = arith.constant 384 : i32
    %dma_wait3A_267 = arith.constant 0 : i32
    %dma_wait3A_268 = tpu.memref_slice %arg6[%dma_wait3A_266, %dma_wait3A_267] : memref<512x128xf32, #tpu.memory_space<vmem>> -> memref<128x128xf32, #tpu.memory_space<vmem>>
    %dma_wait3A_269 = arith.constant 0 : i32
    %dma_wait3A_270 = tpu.memref_slice %arg5[%dma_wait3A_265, %dma_wait3A_269] : memref<4x128xi32, #tpu.memory_space<vmem>> -> memref<1x128xi32, #tpu.memory_space<vmem>>
    %dma_wait3A_271 = tpu.memref_squeeze %dma_wait3A_270 : memref<1x128xi32, #tpu.memory_space<vmem>> -> memref<128xi32, #tpu.memory_space<vmem>>
    %dma_wait3A_272 = arith.constant 0 : i32
    %dma_wait3A_273 = arith.constant 0 : i32
    %dma_wait3A_274 = tpu.memref_slice %arg2[%dma_wait3A_272, %dma_wait3A_273] : memref<69632x128xf32, #tpu.memory_space<hbm>> -> memref<69632x128xf32, #tpu.memory_space<hbm>>
    tpu.wait_indirect_dma semaphore(%arg7 : memref<!tpu.dma_semaphore, #tpu.memory_space<semaphore_mem>>) src(%dma_wait3A_274 : memref<69632x128xf32, #tpu.memory_space<hbm>>) dst(%dma_wait3A_268 : memref<128x128xf32, #tpu.memory_space<vmem>>)
    "tpu.region"() ({
      %run_scoped3A = tpu.sem_alloc : memref<!tpu.dma_semaphore, #tpu.memory_space<semaphore_mem>>
      %dma_start3A_367 = arith.constant 0 : i32
      %dma_start3A_368 = tpu.memref_slice %arg4[%mul3A_188, %dma_start3A_367] : memref<65536x128xf32, #tpu.memory_space<hbm>> -> memref<512x128xf32, #tpu.memory_space<hbm>>
      %dma_start3A_369 = arith.constant 0 : i32
      %dma_start3A_370 = tpu.memref_slice %arg4[%mul3A_188, %dma_start3A_369] : memref<65536x128xf32, #tpu.memory_space<hbm>> -> memref<512x128xf32, #tpu.memory_space<hbm>>
      tpu.enqueue_dma source(%arg6 : memref<512x128xf32, #tpu.memory_space<vmem>>) target(%dma_start3A_370 : memref<512x128xf32, #tpu.memory_space<hbm>>) target_semaphore(%run_scoped3A : memref<!tpu.dma_semaphore, #tpu.memory_space<semaphore_mem>>)
      %dma_wait3A_371 = arith.constant 0 : i32
      %dma_wait3A_372 = tpu.memref_slice %arg4[%mul3A_188, %dma_wait3A_371] : memref<65536x128xf32, #tpu.memory_space<hbm>> -> memref<512x128xf32, #tpu.memory_space<hbm>>
      %dma_wait3A_373 = arith.constant 0 : i32
      %dma_wait3A_374 = tpu.memref_slice %arg4[%mul3A_188, %dma_wait3A_373] : memref<65536x128xf32, #tpu.memory_space<hbm>> -> memref<512x128xf32, #tpu.memory_space<hbm>>
      tpu.wait_dma2 semaphore(%run_scoped3A : memref<!tpu.dma_semaphore, #tpu.memory_space<semaphore_mem>>) src(%arg6 : memref<512x128xf32, #tpu.memory_space<vmem>>) dst(%dma_wait3A_374 : memref<512x128xf32, #tpu.memory_space<hbm>>)
      tpu.yield
    }) : () -> ()
    %mul3A_275 = arith.constant 4 : i32
    %mul3A_276 = arith.muli %add3A, %mul3A_275 : i32
    %add3A_277 = arith.constant 3 : i32
    %add3A_278 = arith.addi %mul3A_276, %add3A_277 : i32
    %mul3A_279 = arith.constant 512 : i32
    %mul3A_280 = arith.muli %add3A_278, %mul3A_279 : i32
    %mul3A_281 = arith.constant 4 : i32
    %mul3A_282 = arith.muli %add3A, %mul3A_281 : i32
    %mul3A_283 = arith.constant 4 : i32
    %mul3A_284 = arith.muli %mul3A_282, %mul3A_283 : i32
    %add3A_285 = arith.constant 12 : i32
    %add3A_286 = arith.addi %mul3A_284, %add3A_285 : i32
    "tpu.region"() ({
      %run_scoped3A = tpu.sem_alloc : memref<!tpu.dma_semaphore, #tpu.memory_space<semaphore_mem>>
      %dma_start3A_367 = arith.constant 0 : i32
      %dma_start3A_368 = tpu.memref_slice %arg3[%add3A_286, %dma_start3A_367] : memref<512x128xi32, #tpu.memory_space<hbm>> -> memref<4x128xi32, #tpu.memory_space<hbm>>
      %dma_start3A_369 = arith.constant 0 : i32
      %dma_start3A_370 = tpu.memref_slice %arg3[%add3A_286, %dma_start3A_369] : memref<512x128xi32, #tpu.memory_space<hbm>> -> memref<4x128xi32, #tpu.memory_space<hbm>>
      tpu.enqueue_dma source(%dma_start3A_370 : memref<4x128xi32, #tpu.memory_space<hbm>>) target(%arg5 : memref<4x128xi32, #tpu.memory_space<vmem>>) target_semaphore(%run_scoped3A : memref<!tpu.dma_semaphore, #tpu.memory_space<semaphore_mem>>)
      %dma_wait3A_371 = arith.constant 0 : i32
      %dma_wait3A_372 = tpu.memref_slice %arg3[%add3A_286, %dma_wait3A_371] : memref<512x128xi32, #tpu.memory_space<hbm>> -> memref<4x128xi32, #tpu.memory_space<hbm>>
      %dma_wait3A_373 = arith.constant 0 : i32
      %dma_wait3A_374 = tpu.memref_slice %arg3[%add3A_286, %dma_wait3A_373] : memref<512x128xi32, #tpu.memory_space<hbm>> -> memref<4x128xi32, #tpu.memory_space<hbm>>
      tpu.wait_dma2 semaphore(%run_scoped3A : memref<!tpu.dma_semaphore, #tpu.memory_space<semaphore_mem>>) src(%dma_wait3A_374 : memref<4x128xi32, #tpu.memory_space<hbm>>) dst(%arg5 : memref<4x128xi32, #tpu.memory_space<vmem>>)
      tpu.yield
    }) : () -> ()
    %dma_start3A_287 = arith.constant 0 : i32
    %dma_start3A_288 = arith.constant 0 : i32
    %dma_start3A_289 = arith.constant 0 : i32
    %dma_start3A_290 = tpu.memref_slice %arg6[%dma_start3A_288, %dma_start3A_289] : memref<512x128xf32, #tpu.memory_space<vmem>> -> memref<128x128xf32, #tpu.memory_space<vmem>>
    %dma_start3A_291 = arith.constant 0 : i32
    %dma_start3A_292 = tpu.memref_slice %arg5[%dma_start3A_287, %dma_start3A_291] : memref<4x128xi32, #tpu.memory_space<vmem>> -> memref<1x128xi32, #tpu.memory_space<vmem>>
    %dma_start3A_293 = tpu.memref_squeeze %dma_start3A_292 : memref<1x128xi32, #tpu.memory_space<vmem>> -> memref<128xi32, #tpu.memory_space<vmem>>
    %dma_start3A_294 = arith.constant 0 : i32
    %dma_start3A_295 = arith.constant 0 : i32
    %dma_start3A_296 = tpu.memref_slice %arg2[%dma_start3A_294, %dma_start3A_295] : memref<69632x128xf32, #tpu.memory_space<hbm>> -> memref<69632x128xf32, #tpu.memory_space<hbm>>
    tpu.enqueue_indirect_dma source(%dma_start3A_296 : memref<69632x128xf32, #tpu.memory_space<hbm>>) target(%dma_start3A_290 : memref<128x128xf32, #tpu.memory_space<vmem>>) offsets(%dma_start3A_293 : memref<128xi32, #tpu.memory_space<vmem>>) semaphore(%arg7 : memref<!tpu.dma_semaphore, #tpu.memory_space<semaphore_mem>>)
    %dma_start3A_297 = arith.constant 1 : i32
    %dma_start3A_298 = arith.constant 128 : i32
    %dma_start3A_299 = arith.constant 0 : i32
    %dma_start3A_300 = tpu.memref_slice %arg6[%dma_start3A_298, %dma_start3A_299] : memref<512x128xf32, #tpu.memory_space<vmem>> -> memref<128x128xf32, #tpu.memory_space<vmem>>
    %dma_start3A_301 = arith.constant 0 : i32
    %dma_start3A_302 = tpu.memref_slice %arg5[%dma_start3A_297, %dma_start3A_301] : memref<4x128xi32, #tpu.memory_space<vmem>> -> memref<1x128xi32, #tpu.memory_space<vmem>>
    %dma_start3A_303 = tpu.memref_squeeze %dma_start3A_302 : memref<1x128xi32, #tpu.memory_space<vmem>> -> memref<128xi32, #tpu.memory_space<vmem>>
    %dma_start3A_304 = arith.constant 0 : i32
    %dma_start3A_305 = arith.constant 0 : i32
    %dma_start3A_306 = tpu.memref_slice %arg2[%dma_start3A_304, %dma_start3A_305] : memref<69632x128xf32, #tpu.memory_space<hbm>> -> memref<69632x128xf32, #tpu.memory_space<hbm>>
    tpu.enqueue_indirect_dma source(%dma_start3A_306 : memref<69632x128xf32, #tpu.memory_space<hbm>>) target(%dma_start3A_300 : memref<128x128xf32, #tpu.memory_space<vmem>>) offsets(%dma_start3A_303 : memref<128xi32, #tpu.memory_space<vmem>>) semaphore(%arg7 : memref<!tpu.dma_semaphore, #tpu.memory_space<semaphore_mem>>)
    %dma_start3A_307 = arith.constant 2 : i32
    %dma_start3A_308 = arith.constant 256 : i32
    %dma_start3A_309 = arith.constant 0 : i32
    %dma_start3A_310 = tpu.memref_slice %arg6[%dma_start3A_308, %dma_start3A_309] : memref<512x128xf32, #tpu.memory_space<vmem>> -> memref<128x128xf32, #tpu.memory_space<vmem>>
    %dma_start3A_311 = arith.constant 0 : i32
    %dma_start3A_312 = tpu.memref_slice %arg5[%dma_start3A_307, %dma_start3A_311] : memref<4x128xi32, #tpu.memory_space<vmem>> -> memref<1x128xi32, #tpu.memory_space<vmem>>
    %dma_start3A_313 = tpu.memref_squeeze %dma_start3A_312 : memref<1x128xi32, #tpu.memory_space<vmem>> -> memref<128xi32, #tpu.memory_space<vmem>>
    %dma_start3A_314 = arith.constant 0 : i32
    %dma_start3A_315 = arith.constant 0 : i32
    %dma_start3A_316 = tpu.memref_slice %arg2[%dma_start3A_314, %dma_start3A_315] : memref<69632x128xf32, #tpu.memory_space<hbm>> -> memref<69632x128xf32, #tpu.memory_space<hbm>>
    tpu.enqueue_indirect_dma source(%dma_start3A_316 : memref<69632x128xf32, #tpu.memory_space<hbm>>) target(%dma_start3A_310 : memref<128x128xf32, #tpu.memory_space<vmem>>) offsets(%dma_start3A_313 : memref<128xi32, #tpu.memory_space<vmem>>) semaphore(%arg7 : memref<!tpu.dma_semaphore, #tpu.memory_space<semaphore_mem>>)
    %dma_start3A_317 = arith.constant 3 : i32
    %dma_start3A_318 = arith.constant 384 : i32
    %dma_start3A_319 = arith.constant 0 : i32
    %dma_start3A_320 = tpu.memref_slice %arg6[%dma_start3A_318, %dma_start3A_319] : memref<512x128xf32, #tpu.memory_space<vmem>> -> memref<128x128xf32, #tpu.memory_space<vmem>>
    %dma_start3A_321 = arith.constant 0 : i32
    %dma_start3A_322 = tpu.memref_slice %arg5[%dma_start3A_317, %dma_start3A_321] : memref<4x128xi32, #tpu.memory_space<vmem>> -> memref<1x128xi32, #tpu.memory_space<vmem>>
    %dma_start3A_323 = tpu.memref_squeeze %dma_start3A_322 : memref<1x128xi32, #tpu.memory_space<vmem>> -> memref<128xi32, #tpu.memory_space<vmem>>
    %dma_start3A_324 = arith.constant 0 : i32
    %dma_start3A_325 = arith.constant 0 : i32
    %dma_start3A_326 = tpu.memref_slice %arg2[%dma_start3A_324, %dma_start3A_325] : memref<69632x128xf32, #tpu.memory_space<hbm>> -> memref<69632x128xf32, #tpu.memory_space<hbm>>
    tpu.enqueue_indirect_dma source(%dma_start3A_326 : memref<69632x128xf32, #tpu.memory_space<hbm>>) target(%dma_start3A_320 : memref<128x128xf32, #tpu.memory_space<vmem>>) offsets(%dma_start3A_323 : memref<128xi32, #tpu.memory_space<vmem>>) semaphore(%arg7 : memref<!tpu.dma_semaphore, #tpu.memory_space<semaphore_mem>>)
    %dma_wait3A_327 = arith.constant 0 : i32
    %dma_wait3A_328 = arith.constant 0 : i32
    %dma_wait3A_329 = arith.constant 0 : i32
    %dma_wait3A_330 = tpu.memref_slice %arg6[%dma_wait3A_328, %dma_wait3A_329] : memref<512x128xf32, #tpu.memory_space<vmem>> -> memref<128x128xf32, #tpu.memory_space<vmem>>
    %dma_wait3A_331 = arith.constant 0 : i32
    %dma_wait3A_332 = tpu.memref_slice %arg5[%dma_wait3A_327, %dma_wait3A_331] : memref<4x128xi32, #tpu.memory_space<vmem>> -> memref<1x128xi32, #tpu.memory_space<vmem>>
    %dma_wait3A_333 = tpu.memref_squeeze %dma_wait3A_332 : memref<1x128xi32, #tpu.memory_space<vmem>> -> memref<128xi32, #tpu.memory_space<vmem>>
    %dma_wait3A_334 = arith.constant 0 : i32
    %dma_wait3A_335 = arith.constant 0 : i32
    %dma_wait3A_336 = tpu.memref_slice %arg2[%dma_wait3A_334, %dma_wait3A_335] : memref<69632x128xf32, #tpu.memory_space<hbm>> -> memref<69632x128xf32, #tpu.memory_space<hbm>>
    tpu.wait_indirect_dma semaphore(%arg7 : memref<!tpu.dma_semaphore, #tpu.memory_space<semaphore_mem>>) src(%dma_wait3A_336 : memref<69632x128xf32, #tpu.memory_space<hbm>>) dst(%dma_wait3A_330 : memref<128x128xf32, #tpu.memory_space<vmem>>)
    %dma_wait3A_337 = arith.constant 1 : i32
    %dma_wait3A_338 = arith.constant 128 : i32
    %dma_wait3A_339 = arith.constant 0 : i32
    %dma_wait3A_340 = tpu.memref_slice %arg6[%dma_wait3A_338, %dma_wait3A_339] : memref<512x128xf32, #tpu.memory_space<vmem>> -> memref<128x128xf32, #tpu.memory_space<vmem>>
    %dma_wait3A_341 = arith.constant 0 : i32
    %dma_wait3A_342 = tpu.memref_slice %arg5[%dma_wait3A_337, %dma_wait3A_341] : memref<4x128xi32, #tpu.memory_space<vmem>> -> memref<1x128xi32, #tpu.memory_space<vmem>>
    %dma_wait3A_343 = tpu.memref_squeeze %dma_wait3A_342 : memref<1x128xi32, #tpu.memory_space<vmem>> -> memref<128xi32, #tpu.memory_space<vmem>>
    %dma_wait3A_344 = arith.constant 0 : i32
    %dma_wait3A_345 = arith.constant 0 : i32
    %dma_wait3A_346 = tpu.memref_slice %arg2[%dma_wait3A_344, %dma_wait3A_345] : memref<69632x128xf32, #tpu.memory_space<hbm>> -> memref<69632x128xf32, #tpu.memory_space<hbm>>
    tpu.wait_indirect_dma semaphore(%arg7 : memref<!tpu.dma_semaphore, #tpu.memory_space<semaphore_mem>>) src(%dma_wait3A_346 : memref<69632x128xf32, #tpu.memory_space<hbm>>) dst(%dma_wait3A_340 : memref<128x128xf32, #tpu.memory_space<vmem>>)
    %dma_wait3A_347 = arith.constant 2 : i32
    %dma_wait3A_348 = arith.constant 256 : i32
    %dma_wait3A_349 = arith.constant 0 : i32
    %dma_wait3A_350 = tpu.memref_slice %arg6[%dma_wait3A_348, %dma_wait3A_349] : memref<512x128xf32, #tpu.memory_space<vmem>> -> memref<128x128xf32, #tpu.memory_space<vmem>>
    %dma_wait3A_351 = arith.constant 0 : i32
    %dma_wait3A_352 = tpu.memref_slice %arg5[%dma_wait3A_347, %dma_wait3A_351] : memref<4x128xi32, #tpu.memory_space<vmem>> -> memref<1x128xi32, #tpu.memory_space<vmem>>
    %dma_wait3A_353 = tpu.memref_squeeze %dma_wait3A_352 : memref<1x128xi32, #tpu.memory_space<vmem>> -> memref<128xi32, #tpu.memory_space<vmem>>
    %dma_wait3A_354 = arith.constant 0 : i32
    %dma_wait3A_355 = arith.constant 0 : i32
    %dma_wait3A_356 = tpu.memref_slice %arg2[%dma_wait3A_354, %dma_wait3A_355] : memref<69632x128xf32, #tpu.memory_space<hbm>> -> memref<69632x128xf32, #tpu.memory_space<hbm>>
    tpu.wait_indirect_dma semaphore(%arg7 : memref<!tpu.dma_semaphore, #tpu.memory_space<semaphore_mem>>) src(%dma_wait3A_356 : memref<69632x128xf32, #tpu.memory_space<hbm>>) dst(%dma_wait3A_350 : memref<128x128xf32, #tpu.memory_space<vmem>>)
    %dma_wait3A_357 = arith.constant 3 : i32
    %dma_wait3A_358 = arith.constant 384 : i32
    %dma_wait3A_359 = arith.constant 0 : i32
    %dma_wait3A_360 = tpu.memref_slice %arg6[%dma_wait3A_358, %dma_wait3A_359] : memref<512x128xf32, #tpu.memory_space<vmem>> -> memref<128x128xf32, #tpu.memory_space<vmem>>
    %dma_wait3A_361 = arith.constant 0 : i32
    %dma_wait3A_362 = tpu.memref_slice %arg5[%dma_wait3A_357, %dma_wait3A_361] : memref<4x128xi32, #tpu.memory_space<vmem>> -> memref<1x128xi32, #tpu.memory_space<vmem>>
    %dma_wait3A_363 = tpu.memref_squeeze %dma_wait3A_362 : memref<1x128xi32, #tpu.memory_space<vmem>> -> memref<128xi32, #tpu.memory_space<vmem>>
    %dma_wait3A_364 = arith.constant 0 : i32
    %dma_wait3A_365 = arith.constant 0 : i32
    %dma_wait3A_366 = tpu.memref_slice %arg2[%dma_wait3A_364, %dma_wait3A_365] : memref<69632x128xf32, #tpu.memory_space<hbm>> -> memref<69632x128xf32, #tpu.memory_space<hbm>>
    tpu.wait_indirect_dma semaphore(%arg7 : memref<!tpu.dma_semaphore, #tpu.memory_space<semaphore_mem>>) src(%dma_wait3A_366 : memref<69632x128xf32, #tpu.memory_space<hbm>>) dst(%dma_wait3A_360 : memref<128x128xf32, #tpu.memory_space<vmem>>)
    "tpu.region"() ({
      %run_scoped3A = tpu.sem_alloc : memref<!tpu.dma_semaphore, #tpu.memory_space<semaphore_mem>>
      %dma_start3A_367 = arith.constant 0 : i32
      %dma_start3A_368 = tpu.memref_slice %arg4[%mul3A_280, %dma_start3A_367] : memref<65536x128xf32, #tpu.memory_space<hbm>> -> memref<512x128xf32, #tpu.memory_space<hbm>>
      %dma_start3A_369 = arith.constant 0 : i32
      %dma_start3A_370 = tpu.memref_slice %arg4[%mul3A_280, %dma_start3A_369] : memref<65536x128xf32, #tpu.memory_space<hbm>> -> memref<512x128xf32, #tpu.memory_space<hbm>>
      tpu.enqueue_dma source(%arg6 : memref<512x128xf32, #tpu.memory_space<vmem>>) target(%dma_start3A_370 : memref<512x128xf32, #tpu.memory_space<hbm>>) target_semaphore(%run_scoped3A : memref<!tpu.dma_semaphore, #tpu.memory_space<semaphore_mem>>)
      %dma_wait3A_371 = arith.constant 0 : i32
      %dma_wait3A_372 = tpu.memref_slice %arg4[%mul3A_280, %dma_wait3A_371] : memref<65536x128xf32, #tpu.memory_space<hbm>> -> memref<512x128xf32, #tpu.memory_space<hbm>>
      %dma_wait3A_373 = arith.constant 0 : i32
      %dma_wait3A_374 = tpu.memref_slice %arg4[%mul3A_280, %dma_wait3A_373] : memref<65536x128xf32, #tpu.memory_space<hbm>> -> memref<512x128xf32, #tpu.memory_space<hbm>>
      tpu.wait_dma2 semaphore(%run_scoped3A : memref<!tpu.dma_semaphore, #tpu.memory_space<semaphore_mem>>) src(%arg6 : memref<512x128xf32, #tpu.memory_space<vmem>>) dst(%dma_wait3A_374 : memref<512x128xf32, #tpu.memory_space<hbm>>)
      tpu.yield
    }) : () -> ()
    return
  }
}

#map = affine_map<(d0, d1) -> (0, 0)>
module attributes {stable_mosaic.version = 14 : i64} {
  func.func @scatter_feat(%arg0: i32, %arg1: i32, %arg2: memref<65536x128xf32, #tpu.memory_space<hbm>>, %arg3: memref<512x128xi32, #tpu.memory_space<hbm>>, %arg4: memref<69632x128xf32, #tpu.memory_space<hbm>>, %arg5: memref<4x128xi32, #tpu.memory_space<vmem>>, %arg6: memref<512x128xf32, #tpu.memory_space<vmem>>, %arg7: memref<!tpu.dma_semaphore, #tpu.memory_space<semaphore_mem>>) attributes {dimension_semantics = [#tpu.dimension_semantics<core_parallel>, #tpu.dimension_semantics<subcore_parallel>], iteration_bounds = array<i64: 2, 16>, scalar_prefetch = 0 : i64, scratch_operands = 3 : i64, tpu.core_type = #tpu.core_type<sc_vector_subcore>, window_params = [{transform_indices = #map}, {transform_indices = #map}, {transform_indices = #map}]} {
    %mul3A = arith.constant 2 : i32
    %mul3A_0 = arith.muli %arg1, %mul3A : i32
    %add3A = arith.addi %mul3A_0, %arg0 : i32
    %mul3A_1 = arith.constant 4 : i32
    %mul3A_2 = arith.muli %add3A, %mul3A_1 : i32
    %add3A_3 = arith.constant 0 : i32
    %add3A_4 = arith.addi %mul3A_2, %add3A_3 : i32
    %mul3A_5 = arith.constant 512 : i32
    %mul3A_6 = arith.muli %add3A_4, %mul3A_5 : i32
    "tpu.region"() ({
      %run_scoped3A = tpu.sem_alloc : memref<!tpu.dma_semaphore, #tpu.memory_space<semaphore_mem>>
      %dma_start3A_367 = arith.constant 0 : i32
      %dma_start3A_368 = tpu.memref_slice %arg2[%mul3A_6, %dma_start3A_367] : memref<65536x128xf32, #tpu.memory_space<hbm>> -> memref<512x128xf32, #tpu.memory_space<hbm>>
      %dma_start3A_369 = arith.constant 0 : i32
      %dma_start3A_370 = tpu.memref_slice %arg2[%mul3A_6, %dma_start3A_369] : memref<65536x128xf32, #tpu.memory_space<hbm>> -> memref<512x128xf32, #tpu.memory_space<hbm>>
      tpu.enqueue_dma source(%dma_start3A_370 : memref<512x128xf32, #tpu.memory_space<hbm>>) target(%arg6 : memref<512x128xf32, #tpu.memory_space<vmem>>) target_semaphore(%run_scoped3A : memref<!tpu.dma_semaphore, #tpu.memory_space<semaphore_mem>>)
      %dma_wait3A_371 = arith.constant 0 : i32
      %dma_wait3A_372 = tpu.memref_slice %arg2[%mul3A_6, %dma_wait3A_371] : memref<65536x128xf32, #tpu.memory_space<hbm>> -> memref<512x128xf32, #tpu.memory_space<hbm>>
      %dma_wait3A_373 = arith.constant 0 : i32
      %dma_wait3A_374 = tpu.memref_slice %arg2[%mul3A_6, %dma_wait3A_373] : memref<65536x128xf32, #tpu.memory_space<hbm>> -> memref<512x128xf32, #tpu.memory_space<hbm>>
      tpu.wait_dma2 semaphore(%run_scoped3A : memref<!tpu.dma_semaphore, #tpu.memory_space<semaphore_mem>>) src(%dma_wait3A_374 : memref<512x128xf32, #tpu.memory_space<hbm>>) dst(%arg6 : memref<512x128xf32, #tpu.memory_space<vmem>>)
      tpu.yield
    }) : () -> ()
    %mul3A_7 = arith.constant 4 : i32
    %mul3A_8 = arith.muli %add3A, %mul3A_7 : i32
    %mul3A_9 = arith.constant 4 : i32
    %mul3A_10 = arith.muli %mul3A_8, %mul3A_9 : i32
    %add3A_11 = arith.constant 0 : i32
    %add3A_12 = arith.addi %mul3A_10, %add3A_11 : i32
    "tpu.region"() ({
      %run_scoped3A = tpu.sem_alloc : memref<!tpu.dma_semaphore, #tpu.memory_space<semaphore_mem>>
      %dma_start3A_367 = arith.constant 0 : i32
      %dma_start3A_368 = tpu.memref_slice %arg3[%add3A_12, %dma_start3A_367] : memref<512x128xi32, #tpu.memory_space<hbm>> -> memref<4x128xi32, #tpu.memory_space<hbm>>
      %dma_start3A_369 = arith.constant 0 : i32
      %dma_start3A_370 = tpu.memref_slice %arg3[%add3A_12, %dma_start3A_369] : memref<512x128xi32, #tpu.memory_space<hbm>> -> memref<4x128xi32, #tpu.memory_space<hbm>>
      tpu.enqueue_dma source(%dma_start3A_370 : memref<4x128xi32, #tpu.memory_space<hbm>>) target(%arg5 : memref<4x128xi32, #tpu.memory_space<vmem>>) target_semaphore(%run_scoped3A : memref<!tpu.dma_semaphore, #tpu.memory_space<semaphore_mem>>)
      %dma_wait3A_371 = arith.constant 0 : i32
      %dma_wait3A_372 = tpu.memref_slice %arg3[%add3A_12, %dma_wait3A_371] : memref<512x128xi32, #tpu.memory_space<hbm>> -> memref<4x128xi32, #tpu.memory_space<hbm>>
      %dma_wait3A_373 = arith.constant 0 : i32
      %dma_wait3A_374 = tpu.memref_slice %arg3[%add3A_12, %dma_wait3A_373] : memref<512x128xi32, #tpu.memory_space<hbm>> -> memref<4x128xi32, #tpu.memory_space<hbm>>
      tpu.wait_dma2 semaphore(%run_scoped3A : memref<!tpu.dma_semaphore, #tpu.memory_space<semaphore_mem>>) src(%dma_wait3A_374 : memref<4x128xi32, #tpu.memory_space<hbm>>) dst(%arg5 : memref<4x128xi32, #tpu.memory_space<vmem>>)
      tpu.yield
    }) : () -> ()
    %dma_start3A = arith.constant 0 : i32
    %dma_start3A_13 = arith.constant 0 : i32
    %dma_start3A_14 = arith.constant 0 : i32
    %dma_start3A_15 = tpu.memref_slice %arg6[%dma_start3A_13, %dma_start3A_14] : memref<512x128xf32, #tpu.memory_space<vmem>> -> memref<128x128xf32, #tpu.memory_space<vmem>>
    %dma_start3A_16 = arith.constant 0 : i32
    %dma_start3A_17 = tpu.memref_slice %arg5[%dma_start3A, %dma_start3A_16] : memref<4x128xi32, #tpu.memory_space<vmem>> -> memref<1x128xi32, #tpu.memory_space<vmem>>
    %dma_start3A_18 = tpu.memref_squeeze %dma_start3A_17 : memref<1x128xi32, #tpu.memory_space<vmem>> -> memref<128xi32, #tpu.memory_space<vmem>>
    %dma_start3A_19 = arith.constant 0 : i32
    %dma_start3A_20 = arith.constant 0 : i32
    %dma_start3A_21 = tpu.memref_slice %arg4[%dma_start3A_19, %dma_start3A_20] : memref<69632x128xf32, #tpu.memory_space<hbm>> -> memref<69632x128xf32, #tpu.memory_space<hbm>>
    tpu.enqueue_indirect_dma source(%dma_start3A_15 : memref<128x128xf32, #tpu.memory_space<vmem>>) target(%dma_start3A_21 : memref<69632x128xf32, #tpu.memory_space<hbm>>) offsets(%dma_start3A_18 : memref<128xi32, #tpu.memory_space<vmem>>) semaphore(%arg7 : memref<!tpu.dma_semaphore, #tpu.memory_space<semaphore_mem>>)
    %dma_start3A_22 = arith.constant 1 : i32
    %dma_start3A_23 = arith.constant 128 : i32
    %dma_start3A_24 = arith.constant 0 : i32
    %dma_start3A_25 = tpu.memref_slice %arg6[%dma_start3A_23, %dma_start3A_24] : memref<512x128xf32, #tpu.memory_space<vmem>> -> memref<128x128xf32, #tpu.memory_space<vmem>>
    %dma_start3A_26 = arith.constant 0 : i32
    %dma_start3A_27 = tpu.memref_slice %arg5[%dma_start3A_22, %dma_start3A_26] : memref<4x128xi32, #tpu.memory_space<vmem>> -> memref<1x128xi32, #tpu.memory_space<vmem>>
    %dma_start3A_28 = tpu.memref_squeeze %dma_start3A_27 : memref<1x128xi32, #tpu.memory_space<vmem>> -> memref<128xi32, #tpu.memory_space<vmem>>
    %dma_start3A_29 = arith.constant 0 : i32
    %dma_start3A_30 = arith.constant 0 : i32
    %dma_start3A_31 = tpu.memref_slice %arg4[%dma_start3A_29, %dma_start3A_30] : memref<69632x128xf32, #tpu.memory_space<hbm>> -> memref<69632x128xf32, #tpu.memory_space<hbm>>
    tpu.enqueue_indirect_dma source(%dma_start3A_25 : memref<128x128xf32, #tpu.memory_space<vmem>>) target(%dma_start3A_31 : memref<69632x128xf32, #tpu.memory_space<hbm>>) offsets(%dma_start3A_28 : memref<128xi32, #tpu.memory_space<vmem>>) semaphore(%arg7 : memref<!tpu.dma_semaphore, #tpu.memory_space<semaphore_mem>>)
    %dma_start3A_32 = arith.constant 2 : i32
    %dma_start3A_33 = arith.constant 256 : i32
    %dma_start3A_34 = arith.constant 0 : i32
    %dma_start3A_35 = tpu.memref_slice %arg6[%dma_start3A_33, %dma_start3A_34] : memref<512x128xf32, #tpu.memory_space<vmem>> -> memref<128x128xf32, #tpu.memory_space<vmem>>
    %dma_start3A_36 = arith.constant 0 : i32
    %dma_start3A_37 = tpu.memref_slice %arg5[%dma_start3A_32, %dma_start3A_36] : memref<4x128xi32, #tpu.memory_space<vmem>> -> memref<1x128xi32, #tpu.memory_space<vmem>>
    %dma_start3A_38 = tpu.memref_squeeze %dma_start3A_37 : memref<1x128xi32, #tpu.memory_space<vmem>> -> memref<128xi32, #tpu.memory_space<vmem>>
    %dma_start3A_39 = arith.constant 0 : i32
    %dma_start3A_40 = arith.constant 0 : i32
    %dma_start3A_41 = tpu.memref_slice %arg4[%dma_start3A_39, %dma_start3A_40] : memref<69632x128xf32, #tpu.memory_space<hbm>> -> memref<69632x128xf32, #tpu.memory_space<hbm>>
    tpu.enqueue_indirect_dma source(%dma_start3A_35 : memref<128x128xf32, #tpu.memory_space<vmem>>) target(%dma_start3A_41 : memref<69632x128xf32, #tpu.memory_space<hbm>>) offsets(%dma_start3A_38 : memref<128xi32, #tpu.memory_space<vmem>>) semaphore(%arg7 : memref<!tpu.dma_semaphore, #tpu.memory_space<semaphore_mem>>)
    %dma_start3A_42 = arith.constant 3 : i32
    %dma_start3A_43 = arith.constant 384 : i32
    %dma_start3A_44 = arith.constant 0 : i32
    %dma_start3A_45 = tpu.memref_slice %arg6[%dma_start3A_43, %dma_start3A_44] : memref<512x128xf32, #tpu.memory_space<vmem>> -> memref<128x128xf32, #tpu.memory_space<vmem>>
    %dma_start3A_46 = arith.constant 0 : i32
    %dma_start3A_47 = tpu.memref_slice %arg5[%dma_start3A_42, %dma_start3A_46] : memref<4x128xi32, #tpu.memory_space<vmem>> -> memref<1x128xi32, #tpu.memory_space<vmem>>
    %dma_start3A_48 = tpu.memref_squeeze %dma_start3A_47 : memref<1x128xi32, #tpu.memory_space<vmem>> -> memref<128xi32, #tpu.memory_space<vmem>>
    %dma_start3A_49 = arith.constant 0 : i32
    %dma_start3A_50 = arith.constant 0 : i32
    %dma_start3A_51 = tpu.memref_slice %arg4[%dma_start3A_49, %dma_start3A_50] : memref<69632x128xf32, #tpu.memory_space<hbm>> -> memref<69632x128xf32, #tpu.memory_space<hbm>>
    tpu.enqueue_indirect_dma source(%dma_start3A_45 : memref<128x128xf32, #tpu.memory_space<vmem>>) target(%dma_start3A_51 : memref<69632x128xf32, #tpu.memory_space<hbm>>) offsets(%dma_start3A_48 : memref<128xi32, #tpu.memory_space<vmem>>) semaphore(%arg7 : memref<!tpu.dma_semaphore, #tpu.memory_space<semaphore_mem>>)
    %dma_wait3A = arith.constant 0 : i32
    %dma_wait3A_52 = arith.constant 0 : i32
    %dma_wait3A_53 = arith.constant 0 : i32
    %dma_wait3A_54 = tpu.memref_slice %arg6[%dma_wait3A_52, %dma_wait3A_53] : memref<512x128xf32, #tpu.memory_space<vmem>> -> memref<128x128xf32, #tpu.memory_space<vmem>>
    %dma_wait3A_55 = arith.constant 0 : i32
    %dma_wait3A_56 = tpu.memref_slice %arg5[%dma_wait3A, %dma_wait3A_55] : memref<4x128xi32, #tpu.memory_space<vmem>> -> memref<1x128xi32, #tpu.memory_space<vmem>>
    %dma_wait3A_57 = tpu.memref_squeeze %dma_wait3A_56 : memref<1x128xi32, #tpu.memory_space<vmem>> -> memref<128xi32, #tpu.memory_space<vmem>>
    %dma_wait3A_58 = arith.constant 0 : i32
    %dma_wait3A_59 = arith.constant 0 : i32
    %dma_wait3A_60 = tpu.memref_slice %arg4[%dma_wait3A_58, %dma_wait3A_59] : memref<69632x128xf32, #tpu.memory_space<hbm>> -> memref<69632x128xf32, #tpu.memory_space<hbm>>
    tpu.wait_indirect_dma semaphore(%arg7 : memref<!tpu.dma_semaphore, #tpu.memory_space<semaphore_mem>>) src(%dma_wait3A_54 : memref<128x128xf32, #tpu.memory_space<vmem>>) dst(%dma_wait3A_60 : memref<69632x128xf32, #tpu.memory_space<hbm>>)
    %dma_wait3A_61 = arith.constant 1 : i32
    %dma_wait3A_62 = arith.constant 128 : i32
    %dma_wait3A_63 = arith.constant 0 : i32
    %dma_wait3A_64 = tpu.memref_slice %arg6[%dma_wait3A_62, %dma_wait3A_63] : memref<512x128xf32, #tpu.memory_space<vmem>> -> memref<128x128xf32, #tpu.memory_space<vmem>>
    %dma_wait3A_65 = arith.constant 0 : i32
    %dma_wait3A_66 = tpu.memref_slice %arg5[%dma_wait3A_61, %dma_wait3A_65] : memref<4x128xi32, #tpu.memory_space<vmem>> -> memref<1x128xi32, #tpu.memory_space<vmem>>
    %dma_wait3A_67 = tpu.memref_squeeze %dma_wait3A_66 : memref<1x128xi32, #tpu.memory_space<vmem>> -> memref<128xi32, #tpu.memory_space<vmem>>
    %dma_wait3A_68 = arith.constant 0 : i32
    %dma_wait3A_69 = arith.constant 0 : i32
    %dma_wait3A_70 = tpu.memref_slice %arg4[%dma_wait3A_68, %dma_wait3A_69] : memref<69632x128xf32, #tpu.memory_space<hbm>> -> memref<69632x128xf32, #tpu.memory_space<hbm>>
    tpu.wait_indirect_dma semaphore(%arg7 : memref<!tpu.dma_semaphore, #tpu.memory_space<semaphore_mem>>) src(%dma_wait3A_64 : memref<128x128xf32, #tpu.memory_space<vmem>>) dst(%dma_wait3A_70 : memref<69632x128xf32, #tpu.memory_space<hbm>>)
    %dma_wait3A_71 = arith.constant 2 : i32
    %dma_wait3A_72 = arith.constant 256 : i32
    %dma_wait3A_73 = arith.constant 0 : i32
    %dma_wait3A_74 = tpu.memref_slice %arg6[%dma_wait3A_72, %dma_wait3A_73] : memref<512x128xf32, #tpu.memory_space<vmem>> -> memref<128x128xf32, #tpu.memory_space<vmem>>
    %dma_wait3A_75 = arith.constant 0 : i32
    %dma_wait3A_76 = tpu.memref_slice %arg5[%dma_wait3A_71, %dma_wait3A_75] : memref<4x128xi32, #tpu.memory_space<vmem>> -> memref<1x128xi32, #tpu.memory_space<vmem>>
    %dma_wait3A_77 = tpu.memref_squeeze %dma_wait3A_76 : memref<1x128xi32, #tpu.memory_space<vmem>> -> memref<128xi32, #tpu.memory_space<vmem>>
    %dma_wait3A_78 = arith.constant 0 : i32
    %dma_wait3A_79 = arith.constant 0 : i32
    %dma_wait3A_80 = tpu.memref_slice %arg4[%dma_wait3A_78, %dma_wait3A_79] : memref<69632x128xf32, #tpu.memory_space<hbm>> -> memref<69632x128xf32, #tpu.memory_space<hbm>>
    tpu.wait_indirect_dma semaphore(%arg7 : memref<!tpu.dma_semaphore, #tpu.memory_space<semaphore_mem>>) src(%dma_wait3A_74 : memref<128x128xf32, #tpu.memory_space<vmem>>) dst(%dma_wait3A_80 : memref<69632x128xf32, #tpu.memory_space<hbm>>)
    %dma_wait3A_81 = arith.constant 3 : i32
    %dma_wait3A_82 = arith.constant 384 : i32
    %dma_wait3A_83 = arith.constant 0 : i32
    %dma_wait3A_84 = tpu.memref_slice %arg6[%dma_wait3A_82, %dma_wait3A_83] : memref<512x128xf32, #tpu.memory_space<vmem>> -> memref<128x128xf32, #tpu.memory_space<vmem>>
    %dma_wait3A_85 = arith.constant 0 : i32
    %dma_wait3A_86 = tpu.memref_slice %arg5[%dma_wait3A_81, %dma_wait3A_85] : memref<4x128xi32, #tpu.memory_space<vmem>> -> memref<1x128xi32, #tpu.memory_space<vmem>>
    %dma_wait3A_87 = tpu.memref_squeeze %dma_wait3A_86 : memref<1x128xi32, #tpu.memory_space<vmem>> -> memref<128xi32, #tpu.memory_space<vmem>>
    %dma_wait3A_88 = arith.constant 0 : i32
    %dma_wait3A_89 = arith.constant 0 : i32
    %dma_wait3A_90 = tpu.memref_slice %arg4[%dma_wait3A_88, %dma_wait3A_89] : memref<69632x128xf32, #tpu.memory_space<hbm>> -> memref<69632x128xf32, #tpu.memory_space<hbm>>
    tpu.wait_indirect_dma semaphore(%arg7 : memref<!tpu.dma_semaphore, #tpu.memory_space<semaphore_mem>>) src(%dma_wait3A_84 : memref<128x128xf32, #tpu.memory_space<vmem>>) dst(%dma_wait3A_90 : memref<69632x128xf32, #tpu.memory_space<hbm>>)
    %mul3A_91 = arith.constant 4 : i32
    %mul3A_92 = arith.muli %add3A, %mul3A_91 : i32
    %add3A_93 = arith.constant 1 : i32
    %add3A_94 = arith.addi %mul3A_92, %add3A_93 : i32
    %mul3A_95 = arith.constant 512 : i32
    %mul3A_96 = arith.muli %add3A_94, %mul3A_95 : i32
    "tpu.region"() ({
      %run_scoped3A = tpu.sem_alloc : memref<!tpu.dma_semaphore, #tpu.memory_space<semaphore_mem>>
      %dma_start3A_367 = arith.constant 0 : i32
      %dma_start3A_368 = tpu.memref_slice %arg2[%mul3A_96, %dma_start3A_367] : memref<65536x128xf32, #tpu.memory_space<hbm>> -> memref<512x128xf32, #tpu.memory_space<hbm>>
      %dma_start3A_369 = arith.constant 0 : i32
      %dma_start3A_370 = tpu.memref_slice %arg2[%mul3A_96, %dma_start3A_369] : memref<65536x128xf32, #tpu.memory_space<hbm>> -> memref<512x128xf32, #tpu.memory_space<hbm>>
      tpu.enqueue_dma source(%dma_start3A_370 : memref<512x128xf32, #tpu.memory_space<hbm>>) target(%arg6 : memref<512x128xf32, #tpu.memory_space<vmem>>) target_semaphore(%run_scoped3A : memref<!tpu.dma_semaphore, #tpu.memory_space<semaphore_mem>>)
      %dma_wait3A_371 = arith.constant 0 : i32
      %dma_wait3A_372 = tpu.memref_slice %arg2[%mul3A_96, %dma_wait3A_371] : memref<65536x128xf32, #tpu.memory_space<hbm>> -> memref<512x128xf32, #tpu.memory_space<hbm>>
      %dma_wait3A_373 = arith.constant 0 : i32
      %dma_wait3A_374 = tpu.memref_slice %arg2[%mul3A_96, %dma_wait3A_373] : memref<65536x128xf32, #tpu.memory_space<hbm>> -> memref<512x128xf32, #tpu.memory_space<hbm>>
      tpu.wait_dma2 semaphore(%run_scoped3A : memref<!tpu.dma_semaphore, #tpu.memory_space<semaphore_mem>>) src(%dma_wait3A_374 : memref<512x128xf32, #tpu.memory_space<hbm>>) dst(%arg6 : memref<512x128xf32, #tpu.memory_space<vmem>>)
      tpu.yield
    }) : () -> ()
    %mul3A_97 = arith.constant 4 : i32
    %mul3A_98 = arith.muli %add3A, %mul3A_97 : i32
    %mul3A_99 = arith.constant 4 : i32
    %mul3A_100 = arith.muli %mul3A_98, %mul3A_99 : i32
    %add3A_101 = arith.constant 4 : i32
    %add3A_102 = arith.addi %mul3A_100, %add3A_101 : i32
    "tpu.region"() ({
      %run_scoped3A = tpu.sem_alloc : memref<!tpu.dma_semaphore, #tpu.memory_space<semaphore_mem>>
      %dma_start3A_367 = arith.constant 0 : i32
      %dma_start3A_368 = tpu.memref_slice %arg3[%add3A_102, %dma_start3A_367] : memref<512x128xi32, #tpu.memory_space<hbm>> -> memref<4x128xi32, #tpu.memory_space<hbm>>
      %dma_start3A_369 = arith.constant 0 : i32
      %dma_start3A_370 = tpu.memref_slice %arg3[%add3A_102, %dma_start3A_369] : memref<512x128xi32, #tpu.memory_space<hbm>> -> memref<4x128xi32, #tpu.memory_space<hbm>>
      tpu.enqueue_dma source(%dma_start3A_370 : memref<4x128xi32, #tpu.memory_space<hbm>>) target(%arg5 : memref<4x128xi32, #tpu.memory_space<vmem>>) target_semaphore(%run_scoped3A : memref<!tpu.dma_semaphore, #tpu.memory_space<semaphore_mem>>)
      %dma_wait3A_371 = arith.constant 0 : i32
      %dma_wait3A_372 = tpu.memref_slice %arg3[%add3A_102, %dma_wait3A_371] : memref<512x128xi32, #tpu.memory_space<hbm>> -> memref<4x128xi32, #tpu.memory_space<hbm>>
      %dma_wait3A_373 = arith.constant 0 : i32
      %dma_wait3A_374 = tpu.memref_slice %arg3[%add3A_102, %dma_wait3A_373] : memref<512x128xi32, #tpu.memory_space<hbm>> -> memref<4x128xi32, #tpu.memory_space<hbm>>
      tpu.wait_dma2 semaphore(%run_scoped3A : memref<!tpu.dma_semaphore, #tpu.memory_space<semaphore_mem>>) src(%dma_wait3A_374 : memref<4x128xi32, #tpu.memory_space<hbm>>) dst(%arg5 : memref<4x128xi32, #tpu.memory_space<vmem>>)
      tpu.yield
    }) : () -> ()
    %dma_start3A_103 = arith.constant 0 : i32
    %dma_start3A_104 = arith.constant 0 : i32
    %dma_start3A_105 = arith.constant 0 : i32
    %dma_start3A_106 = tpu.memref_slice %arg6[%dma_start3A_104, %dma_start3A_105] : memref<512x128xf32, #tpu.memory_space<vmem>> -> memref<128x128xf32, #tpu.memory_space<vmem>>
    %dma_start3A_107 = arith.constant 0 : i32
    %dma_start3A_108 = tpu.memref_slice %arg5[%dma_start3A_103, %dma_start3A_107] : memref<4x128xi32, #tpu.memory_space<vmem>> -> memref<1x128xi32, #tpu.memory_space<vmem>>
    %dma_start3A_109 = tpu.memref_squeeze %dma_start3A_108 : memref<1x128xi32, #tpu.memory_space<vmem>> -> memref<128xi32, #tpu.memory_space<vmem>>
    %dma_start3A_110 = arith.constant 0 : i32
    %dma_start3A_111 = arith.constant 0 : i32
    %dma_start3A_112 = tpu.memref_slice %arg4[%dma_start3A_110, %dma_start3A_111] : memref<69632x128xf32, #tpu.memory_space<hbm>> -> memref<69632x128xf32, #tpu.memory_space<hbm>>
    tpu.enqueue_indirect_dma source(%dma_start3A_106 : memref<128x128xf32, #tpu.memory_space<vmem>>) target(%dma_start3A_112 : memref<69632x128xf32, #tpu.memory_space<hbm>>) offsets(%dma_start3A_109 : memref<128xi32, #tpu.memory_space<vmem>>) semaphore(%arg7 : memref<!tpu.dma_semaphore, #tpu.memory_space<semaphore_mem>>)
    %dma_start3A_113 = arith.constant 1 : i32
    %dma_start3A_114 = arith.constant 128 : i32
    %dma_start3A_115 = arith.constant 0 : i32
    %dma_start3A_116 = tpu.memref_slice %arg6[%dma_start3A_114, %dma_start3A_115] : memref<512x128xf32, #tpu.memory_space<vmem>> -> memref<128x128xf32, #tpu.memory_space<vmem>>
    %dma_start3A_117 = arith.constant 0 : i32
    %dma_start3A_118 = tpu.memref_slice %arg5[%dma_start3A_113, %dma_start3A_117] : memref<4x128xi32, #tpu.memory_space<vmem>> -> memref<1x128xi32, #tpu.memory_space<vmem>>
    %dma_start3A_119 = tpu.memref_squeeze %dma_start3A_118 : memref<1x128xi32, #tpu.memory_space<vmem>> -> memref<128xi32, #tpu.memory_space<vmem>>
    %dma_start3A_120 = arith.constant 0 : i32
    %dma_start3A_121 = arith.constant 0 : i32
    %dma_start3A_122 = tpu.memref_slice %arg4[%dma_start3A_120, %dma_start3A_121] : memref<69632x128xf32, #tpu.memory_space<hbm>> -> memref<69632x128xf32, #tpu.memory_space<hbm>>
    tpu.enqueue_indirect_dma source(%dma_start3A_116 : memref<128x128xf32, #tpu.memory_space<vmem>>) target(%dma_start3A_122 : memref<69632x128xf32, #tpu.memory_space<hbm>>) offsets(%dma_start3A_119 : memref<128xi32, #tpu.memory_space<vmem>>) semaphore(%arg7 : memref<!tpu.dma_semaphore, #tpu.memory_space<semaphore_mem>>)
    %dma_start3A_123 = arith.constant 2 : i32
    %dma_start3A_124 = arith.constant 256 : i32
    %dma_start3A_125 = arith.constant 0 : i32
    %dma_start3A_126 = tpu.memref_slice %arg6[%dma_start3A_124, %dma_start3A_125] : memref<512x128xf32, #tpu.memory_space<vmem>> -> memref<128x128xf32, #tpu.memory_space<vmem>>
    %dma_start3A_127 = arith.constant 0 : i32
    %dma_start3A_128 = tpu.memref_slice %arg5[%dma_start3A_123, %dma_start3A_127] : memref<4x128xi32, #tpu.memory_space<vmem>> -> memref<1x128xi32, #tpu.memory_space<vmem>>
    %dma_start3A_129 = tpu.memref_squeeze %dma_start3A_128 : memref<1x128xi32, #tpu.memory_space<vmem>> -> memref<128xi32, #tpu.memory_space<vmem>>
    %dma_start3A_130 = arith.constant 0 : i32
    %dma_start3A_131 = arith.constant 0 : i32
    %dma_start3A_132 = tpu.memref_slice %arg4[%dma_start3A_130, %dma_start3A_131] : memref<69632x128xf32, #tpu.memory_space<hbm>> -> memref<69632x128xf32, #tpu.memory_space<hbm>>
    tpu.enqueue_indirect_dma source(%dma_start3A_126 : memref<128x128xf32, #tpu.memory_space<vmem>>) target(%dma_start3A_132 : memref<69632x128xf32, #tpu.memory_space<hbm>>) offsets(%dma_start3A_129 : memref<128xi32, #tpu.memory_space<vmem>>) semaphore(%arg7 : memref<!tpu.dma_semaphore, #tpu.memory_space<semaphore_mem>>)
    %dma_start3A_133 = arith.constant 3 : i32
    %dma_start3A_134 = arith.constant 384 : i32
    %dma_start3A_135 = arith.constant 0 : i32
    %dma_start3A_136 = tpu.memref_slice %arg6[%dma_start3A_134, %dma_start3A_135] : memref<512x128xf32, #tpu.memory_space<vmem>> -> memref<128x128xf32, #tpu.memory_space<vmem>>
    %dma_start3A_137 = arith.constant 0 : i32
    %dma_start3A_138 = tpu.memref_slice %arg5[%dma_start3A_133, %dma_start3A_137] : memref<4x128xi32, #tpu.memory_space<vmem>> -> memref<1x128xi32, #tpu.memory_space<vmem>>
    %dma_start3A_139 = tpu.memref_squeeze %dma_start3A_138 : memref<1x128xi32, #tpu.memory_space<vmem>> -> memref<128xi32, #tpu.memory_space<vmem>>
    %dma_start3A_140 = arith.constant 0 : i32
    %dma_start3A_141 = arith.constant 0 : i32
    %dma_start3A_142 = tpu.memref_slice %arg4[%dma_start3A_140, %dma_start3A_141] : memref<69632x128xf32, #tpu.memory_space<hbm>> -> memref<69632x128xf32, #tpu.memory_space<hbm>>
    tpu.enqueue_indirect_dma source(%dma_start3A_136 : memref<128x128xf32, #tpu.memory_space<vmem>>) target(%dma_start3A_142 : memref<69632x128xf32, #tpu.memory_space<hbm>>) offsets(%dma_start3A_139 : memref<128xi32, #tpu.memory_space<vmem>>) semaphore(%arg7 : memref<!tpu.dma_semaphore, #tpu.memory_space<semaphore_mem>>)
    %dma_wait3A_143 = arith.constant 0 : i32
    %dma_wait3A_144 = arith.constant 0 : i32
    %dma_wait3A_145 = arith.constant 0 : i32
    %dma_wait3A_146 = tpu.memref_slice %arg6[%dma_wait3A_144, %dma_wait3A_145] : memref<512x128xf32, #tpu.memory_space<vmem>> -> memref<128x128xf32, #tpu.memory_space<vmem>>
    %dma_wait3A_147 = arith.constant 0 : i32
    %dma_wait3A_148 = tpu.memref_slice %arg5[%dma_wait3A_143, %dma_wait3A_147] : memref<4x128xi32, #tpu.memory_space<vmem>> -> memref<1x128xi32, #tpu.memory_space<vmem>>
    %dma_wait3A_149 = tpu.memref_squeeze %dma_wait3A_148 : memref<1x128xi32, #tpu.memory_space<vmem>> -> memref<128xi32, #tpu.memory_space<vmem>>
    %dma_wait3A_150 = arith.constant 0 : i32
    %dma_wait3A_151 = arith.constant 0 : i32
    %dma_wait3A_152 = tpu.memref_slice %arg4[%dma_wait3A_150, %dma_wait3A_151] : memref<69632x128xf32, #tpu.memory_space<hbm>> -> memref<69632x128xf32, #tpu.memory_space<hbm>>
    tpu.wait_indirect_dma semaphore(%arg7 : memref<!tpu.dma_semaphore, #tpu.memory_space<semaphore_mem>>) src(%dma_wait3A_146 : memref<128x128xf32, #tpu.memory_space<vmem>>) dst(%dma_wait3A_152 : memref<69632x128xf32, #tpu.memory_space<hbm>>)
    %dma_wait3A_153 = arith.constant 1 : i32
    %dma_wait3A_154 = arith.constant 128 : i32
    %dma_wait3A_155 = arith.constant 0 : i32
    %dma_wait3A_156 = tpu.memref_slice %arg6[%dma_wait3A_154, %dma_wait3A_155] : memref<512x128xf32, #tpu.memory_space<vmem>> -> memref<128x128xf32, #tpu.memory_space<vmem>>
    %dma_wait3A_157 = arith.constant 0 : i32
    %dma_wait3A_158 = tpu.memref_slice %arg5[%dma_wait3A_153, %dma_wait3A_157] : memref<4x128xi32, #tpu.memory_space<vmem>> -> memref<1x128xi32, #tpu.memory_space<vmem>>
    %dma_wait3A_159 = tpu.memref_squeeze %dma_wait3A_158 : memref<1x128xi32, #tpu.memory_space<vmem>> -> memref<128xi32, #tpu.memory_space<vmem>>
    %dma_wait3A_160 = arith.constant 0 : i32
    %dma_wait3A_161 = arith.constant 0 : i32
    %dma_wait3A_162 = tpu.memref_slice %arg4[%dma_wait3A_160, %dma_wait3A_161] : memref<69632x128xf32, #tpu.memory_space<hbm>> -> memref<69632x128xf32, #tpu.memory_space<hbm>>
    tpu.wait_indirect_dma semaphore(%arg7 : memref<!tpu.dma_semaphore, #tpu.memory_space<semaphore_mem>>) src(%dma_wait3A_156 : memref<128x128xf32, #tpu.memory_space<vmem>>) dst(%dma_wait3A_162 : memref<69632x128xf32, #tpu.memory_space<hbm>>)
    %dma_wait3A_163 = arith.constant 2 : i32
    %dma_wait3A_164 = arith.constant 256 : i32
    %dma_wait3A_165 = arith.constant 0 : i32
    %dma_wait3A_166 = tpu.memref_slice %arg6[%dma_wait3A_164, %dma_wait3A_165] : memref<512x128xf32, #tpu.memory_space<vmem>> -> memref<128x128xf32, #tpu.memory_space<vmem>>
    %dma_wait3A_167 = arith.constant 0 : i32
    %dma_wait3A_168 = tpu.memref_slice %arg5[%dma_wait3A_163, %dma_wait3A_167] : memref<4x128xi32, #tpu.memory_space<vmem>> -> memref<1x128xi32, #tpu.memory_space<vmem>>
    %dma_wait3A_169 = tpu.memref_squeeze %dma_wait3A_168 : memref<1x128xi32, #tpu.memory_space<vmem>> -> memref<128xi32, #tpu.memory_space<vmem>>
    %dma_wait3A_170 = arith.constant 0 : i32
    %dma_wait3A_171 = arith.constant 0 : i32
    %dma_wait3A_172 = tpu.memref_slice %arg4[%dma_wait3A_170, %dma_wait3A_171] : memref<69632x128xf32, #tpu.memory_space<hbm>> -> memref<69632x128xf32, #tpu.memory_space<hbm>>
    tpu.wait_indirect_dma semaphore(%arg7 : memref<!tpu.dma_semaphore, #tpu.memory_space<semaphore_mem>>) src(%dma_wait3A_166 : memref<128x128xf32, #tpu.memory_space<vmem>>) dst(%dma_wait3A_172 : memref<69632x128xf32, #tpu.memory_space<hbm>>)
    %dma_wait3A_173 = arith.constant 3 : i32
    %dma_wait3A_174 = arith.constant 384 : i32
    %dma_wait3A_175 = arith.constant 0 : i32
    %dma_wait3A_176 = tpu.memref_slice %arg6[%dma_wait3A_174, %dma_wait3A_175] : memref<512x128xf32, #tpu.memory_space<vmem>> -> memref<128x128xf32, #tpu.memory_space<vmem>>
    %dma_wait3A_177 = arith.constant 0 : i32
    %dma_wait3A_178 = tpu.memref_slice %arg5[%dma_wait3A_173, %dma_wait3A_177] : memref<4x128xi32, #tpu.memory_space<vmem>> -> memref<1x128xi32, #tpu.memory_space<vmem>>
    %dma_wait3A_179 = tpu.memref_squeeze %dma_wait3A_178 : memref<1x128xi32, #tpu.memory_space<vmem>> -> memref<128xi32, #tpu.memory_space<vmem>>
    %dma_wait3A_180 = arith.constant 0 : i32
    %dma_wait3A_181 = arith.constant 0 : i32
    %dma_wait3A_182 = tpu.memref_slice %arg4[%dma_wait3A_180, %dma_wait3A_181] : memref<69632x128xf32, #tpu.memory_space<hbm>> -> memref<69632x128xf32, #tpu.memory_space<hbm>>
    tpu.wait_indirect_dma semaphore(%arg7 : memref<!tpu.dma_semaphore, #tpu.memory_space<semaphore_mem>>) src(%dma_wait3A_176 : memref<128x128xf32, #tpu.memory_space<vmem>>) dst(%dma_wait3A_182 : memref<69632x128xf32, #tpu.memory_space<hbm>>)
    %mul3A_183 = arith.constant 4 : i32
    %mul3A_184 = arith.muli %add3A, %mul3A_183 : i32
    %add3A_185 = arith.constant 2 : i32
    %add3A_186 = arith.addi %mul3A_184, %add3A_185 : i32
    %mul3A_187 = arith.constant 512 : i32
    %mul3A_188 = arith.muli %add3A_186, %mul3A_187 : i32
    "tpu.region"() ({
      %run_scoped3A = tpu.sem_alloc : memref<!tpu.dma_semaphore, #tpu.memory_space<semaphore_mem>>
      %dma_start3A_367 = arith.constant 0 : i32
      %dma_start3A_368 = tpu.memref_slice %arg2[%mul3A_188, %dma_start3A_367] : memref<65536x128xf32, #tpu.memory_space<hbm>> -> memref<512x128xf32, #tpu.memory_space<hbm>>
      %dma_start3A_369 = arith.constant 0 : i32
      %dma_start3A_370 = tpu.memref_slice %arg2[%mul3A_188, %dma_start3A_369] : memref<65536x128xf32, #tpu.memory_space<hbm>> -> memref<512x128xf32, #tpu.memory_space<hbm>>
      tpu.enqueue_dma source(%dma_start3A_370 : memref<512x128xf32, #tpu.memory_space<hbm>>) target(%arg6 : memref<512x128xf32, #tpu.memory_space<vmem>>) target_semaphore(%run_scoped3A : memref<!tpu.dma_semaphore, #tpu.memory_space<semaphore_mem>>)
      %dma_wait3A_371 = arith.constant 0 : i32
      %dma_wait3A_372 = tpu.memref_slice %arg2[%mul3A_188, %dma_wait3A_371] : memref<65536x128xf32, #tpu.memory_space<hbm>> -> memref<512x128xf32, #tpu.memory_space<hbm>>
      %dma_wait3A_373 = arith.constant 0 : i32
      %dma_wait3A_374 = tpu.memref_slice %arg2[%mul3A_188, %dma_wait3A_373] : memref<65536x128xf32, #tpu.memory_space<hbm>> -> memref<512x128xf32, #tpu.memory_space<hbm>>
      tpu.wait_dma2 semaphore(%run_scoped3A : memref<!tpu.dma_semaphore, #tpu.memory_space<semaphore_mem>>) src(%dma_wait3A_374 : memref<512x128xf32, #tpu.memory_space<hbm>>) dst(%arg6 : memref<512x128xf32, #tpu.memory_space<vmem>>)
      tpu.yield
    }) : () -> ()
    %mul3A_189 = arith.constant 4 : i32
    %mul3A_190 = arith.muli %add3A, %mul3A_189 : i32
    %mul3A_191 = arith.constant 4 : i32
    %mul3A_192 = arith.muli %mul3A_190, %mul3A_191 : i32
    %add3A_193 = arith.constant 8 : i32
    %add3A_194 = arith.addi %mul3A_192, %add3A_193 : i32
    "tpu.region"() ({
      %run_scoped3A = tpu.sem_alloc : memref<!tpu.dma_semaphore, #tpu.memory_space<semaphore_mem>>
      %dma_start3A_367 = arith.constant 0 : i32
      %dma_start3A_368 = tpu.memref_slice %arg3[%add3A_194, %dma_start3A_367] : memref<512x128xi32, #tpu.memory_space<hbm>> -> memref<4x128xi32, #tpu.memory_space<hbm>>
      %dma_start3A_369 = arith.constant 0 : i32
      %dma_start3A_370 = tpu.memref_slice %arg3[%add3A_194, %dma_start3A_369] : memref<512x128xi32, #tpu.memory_space<hbm>> -> memref<4x128xi32, #tpu.memory_space<hbm>>
      tpu.enqueue_dma source(%dma_start3A_370 : memref<4x128xi32, #tpu.memory_space<hbm>>) target(%arg5 : memref<4x128xi32, #tpu.memory_space<vmem>>) target_semaphore(%run_scoped3A : memref<!tpu.dma_semaphore, #tpu.memory_space<semaphore_mem>>)
      %dma_wait3A_371 = arith.constant 0 : i32
      %dma_wait3A_372 = tpu.memref_slice %arg3[%add3A_194, %dma_wait3A_371] : memref<512x128xi32, #tpu.memory_space<hbm>> -> memref<4x128xi32, #tpu.memory_space<hbm>>
      %dma_wait3A_373 = arith.constant 0 : i32
      %dma_wait3A_374 = tpu.memref_slice %arg3[%add3A_194, %dma_wait3A_373] : memref<512x128xi32, #tpu.memory_space<hbm>> -> memref<4x128xi32, #tpu.memory_space<hbm>>
      tpu.wait_dma2 semaphore(%run_scoped3A : memref<!tpu.dma_semaphore, #tpu.memory_space<semaphore_mem>>) src(%dma_wait3A_374 : memref<4x128xi32, #tpu.memory_space<hbm>>) dst(%arg5 : memref<4x128xi32, #tpu.memory_space<vmem>>)
      tpu.yield
    }) : () -> ()
    %dma_start3A_195 = arith.constant 0 : i32
    %dma_start3A_196 = arith.constant 0 : i32
    %dma_start3A_197 = arith.constant 0 : i32
    %dma_start3A_198 = tpu.memref_slice %arg6[%dma_start3A_196, %dma_start3A_197] : memref<512x128xf32, #tpu.memory_space<vmem>> -> memref<128x128xf32, #tpu.memory_space<vmem>>
    %dma_start3A_199 = arith.constant 0 : i32
    %dma_start3A_200 = tpu.memref_slice %arg5[%dma_start3A_195, %dma_start3A_199] : memref<4x128xi32, #tpu.memory_space<vmem>> -> memref<1x128xi32, #tpu.memory_space<vmem>>
    %dma_start3A_201 = tpu.memref_squeeze %dma_start3A_200 : memref<1x128xi32, #tpu.memory_space<vmem>> -> memref<128xi32, #tpu.memory_space<vmem>>
    %dma_start3A_202 = arith.constant 0 : i32
    %dma_start3A_203 = arith.constant 0 : i32
    %dma_start3A_204 = tpu.memref_slice %arg4[%dma_start3A_202, %dma_start3A_203] : memref<69632x128xf32, #tpu.memory_space<hbm>> -> memref<69632x128xf32, #tpu.memory_space<hbm>>
    tpu.enqueue_indirect_dma source(%dma_start3A_198 : memref<128x128xf32, #tpu.memory_space<vmem>>) target(%dma_start3A_204 : memref<69632x128xf32, #tpu.memory_space<hbm>>) offsets(%dma_start3A_201 : memref<128xi32, #tpu.memory_space<vmem>>) semaphore(%arg7 : memref<!tpu.dma_semaphore, #tpu.memory_space<semaphore_mem>>)
    %dma_start3A_205 = arith.constant 1 : i32
    %dma_start3A_206 = arith.constant 128 : i32
    %dma_start3A_207 = arith.constant 0 : i32
    %dma_start3A_208 = tpu.memref_slice %arg6[%dma_start3A_206, %dma_start3A_207] : memref<512x128xf32, #tpu.memory_space<vmem>> -> memref<128x128xf32, #tpu.memory_space<vmem>>
    %dma_start3A_209 = arith.constant 0 : i32
    %dma_start3A_210 = tpu.memref_slice %arg5[%dma_start3A_205, %dma_start3A_209] : memref<4x128xi32, #tpu.memory_space<vmem>> -> memref<1x128xi32, #tpu.memory_space<vmem>>
    %dma_start3A_211 = tpu.memref_squeeze %dma_start3A_210 : memref<1x128xi32, #tpu.memory_space<vmem>> -> memref<128xi32, #tpu.memory_space<vmem>>
    %dma_start3A_212 = arith.constant 0 : i32
    %dma_start3A_213 = arith.constant 0 : i32
    %dma_start3A_214 = tpu.memref_slice %arg4[%dma_start3A_212, %dma_start3A_213] : memref<69632x128xf32, #tpu.memory_space<hbm>> -> memref<69632x128xf32, #tpu.memory_space<hbm>>
    tpu.enqueue_indirect_dma source(%dma_start3A_208 : memref<128x128xf32, #tpu.memory_space<vmem>>) target(%dma_start3A_214 : memref<69632x128xf32, #tpu.memory_space<hbm>>) offsets(%dma_start3A_211 : memref<128xi32, #tpu.memory_space<vmem>>) semaphore(%arg7 : memref<!tpu.dma_semaphore, #tpu.memory_space<semaphore_mem>>)
    %dma_start3A_215 = arith.constant 2 : i32
    %dma_start3A_216 = arith.constant 256 : i32
    %dma_start3A_217 = arith.constant 0 : i32
    %dma_start3A_218 = tpu.memref_slice %arg6[%dma_start3A_216, %dma_start3A_217] : memref<512x128xf32, #tpu.memory_space<vmem>> -> memref<128x128xf32, #tpu.memory_space<vmem>>
    %dma_start3A_219 = arith.constant 0 : i32
    %dma_start3A_220 = tpu.memref_slice %arg5[%dma_start3A_215, %dma_start3A_219] : memref<4x128xi32, #tpu.memory_space<vmem>> -> memref<1x128xi32, #tpu.memory_space<vmem>>
    %dma_start3A_221 = tpu.memref_squeeze %dma_start3A_220 : memref<1x128xi32, #tpu.memory_space<vmem>> -> memref<128xi32, #tpu.memory_space<vmem>>
    %dma_start3A_222 = arith.constant 0 : i32
    %dma_start3A_223 = arith.constant 0 : i32
    %dma_start3A_224 = tpu.memref_slice %arg4[%dma_start3A_222, %dma_start3A_223] : memref<69632x128xf32, #tpu.memory_space<hbm>> -> memref<69632x128xf32, #tpu.memory_space<hbm>>
    tpu.enqueue_indirect_dma source(%dma_start3A_218 : memref<128x128xf32, #tpu.memory_space<vmem>>) target(%dma_start3A_224 : memref<69632x128xf32, #tpu.memory_space<hbm>>) offsets(%dma_start3A_221 : memref<128xi32, #tpu.memory_space<vmem>>) semaphore(%arg7 : memref<!tpu.dma_semaphore, #tpu.memory_space<semaphore_mem>>)
    %dma_start3A_225 = arith.constant 3 : i32
    %dma_start3A_226 = arith.constant 384 : i32
    %dma_start3A_227 = arith.constant 0 : i32
    %dma_start3A_228 = tpu.memref_slice %arg6[%dma_start3A_226, %dma_start3A_227] : memref<512x128xf32, #tpu.memory_space<vmem>> -> memref<128x128xf32, #tpu.memory_space<vmem>>
    %dma_start3A_229 = arith.constant 0 : i32
    %dma_start3A_230 = tpu.memref_slice %arg5[%dma_start3A_225, %dma_start3A_229] : memref<4x128xi32, #tpu.memory_space<vmem>> -> memref<1x128xi32, #tpu.memory_space<vmem>>
    %dma_start3A_231 = tpu.memref_squeeze %dma_start3A_230 : memref<1x128xi32, #tpu.memory_space<vmem>> -> memref<128xi32, #tpu.memory_space<vmem>>
    %dma_start3A_232 = arith.constant 0 : i32
    %dma_start3A_233 = arith.constant 0 : i32
    %dma_start3A_234 = tpu.memref_slice %arg4[%dma_start3A_232, %dma_start3A_233] : memref<69632x128xf32, #tpu.memory_space<hbm>> -> memref<69632x128xf32, #tpu.memory_space<hbm>>
    tpu.enqueue_indirect_dma source(%dma_start3A_228 : memref<128x128xf32, #tpu.memory_space<vmem>>) target(%dma_start3A_234 : memref<69632x128xf32, #tpu.memory_space<hbm>>) offsets(%dma_start3A_231 : memref<128xi32, #tpu.memory_space<vmem>>) semaphore(%arg7 : memref<!tpu.dma_semaphore, #tpu.memory_space<semaphore_mem>>)
    %dma_wait3A_235 = arith.constant 0 : i32
    %dma_wait3A_236 = arith.constant 0 : i32
    %dma_wait3A_237 = arith.constant 0 : i32
    %dma_wait3A_238 = tpu.memref_slice %arg6[%dma_wait3A_236, %dma_wait3A_237] : memref<512x128xf32, #tpu.memory_space<vmem>> -> memref<128x128xf32, #tpu.memory_space<vmem>>
    %dma_wait3A_239 = arith.constant 0 : i32
    %dma_wait3A_240 = tpu.memref_slice %arg5[%dma_wait3A_235, %dma_wait3A_239] : memref<4x128xi32, #tpu.memory_space<vmem>> -> memref<1x128xi32, #tpu.memory_space<vmem>>
    %dma_wait3A_241 = tpu.memref_squeeze %dma_wait3A_240 : memref<1x128xi32, #tpu.memory_space<vmem>> -> memref<128xi32, #tpu.memory_space<vmem>>
    %dma_wait3A_242 = arith.constant 0 : i32
    %dma_wait3A_243 = arith.constant 0 : i32
    %dma_wait3A_244 = tpu.memref_slice %arg4[%dma_wait3A_242, %dma_wait3A_243] : memref<69632x128xf32, #tpu.memory_space<hbm>> -> memref<69632x128xf32, #tpu.memory_space<hbm>>
    tpu.wait_indirect_dma semaphore(%arg7 : memref<!tpu.dma_semaphore, #tpu.memory_space<semaphore_mem>>) src(%dma_wait3A_238 : memref<128x128xf32, #tpu.memory_space<vmem>>) dst(%dma_wait3A_244 : memref<69632x128xf32, #tpu.memory_space<hbm>>)
    %dma_wait3A_245 = arith.constant 1 : i32
    %dma_wait3A_246 = arith.constant 128 : i32
    %dma_wait3A_247 = arith.constant 0 : i32
    %dma_wait3A_248 = tpu.memref_slice %arg6[%dma_wait3A_246, %dma_wait3A_247] : memref<512x128xf32, #tpu.memory_space<vmem>> -> memref<128x128xf32, #tpu.memory_space<vmem>>
    %dma_wait3A_249 = arith.constant 0 : i32
    %dma_wait3A_250 = tpu.memref_slice %arg5[%dma_wait3A_245, %dma_wait3A_249] : memref<4x128xi32, #tpu.memory_space<vmem>> -> memref<1x128xi32, #tpu.memory_space<vmem>>
    %dma_wait3A_251 = tpu.memref_squeeze %dma_wait3A_250 : memref<1x128xi32, #tpu.memory_space<vmem>> -> memref<128xi32, #tpu.memory_space<vmem>>
    %dma_wait3A_252 = arith.constant 0 : i32
    %dma_wait3A_253 = arith.constant 0 : i32
    %dma_wait3A_254 = tpu.memref_slice %arg4[%dma_wait3A_252, %dma_wait3A_253] : memref<69632x128xf32, #tpu.memory_space<hbm>> -> memref<69632x128xf32, #tpu.memory_space<hbm>>
    tpu.wait_indirect_dma semaphore(%arg7 : memref<!tpu.dma_semaphore, #tpu.memory_space<semaphore_mem>>) src(%dma_wait3A_248 : memref<128x128xf32, #tpu.memory_space<vmem>>) dst(%dma_wait3A_254 : memref<69632x128xf32, #tpu.memory_space<hbm>>)
    %dma_wait3A_255 = arith.constant 2 : i32
    %dma_wait3A_256 = arith.constant 256 : i32
    %dma_wait3A_257 = arith.constant 0 : i32
    %dma_wait3A_258 = tpu.memref_slice %arg6[%dma_wait3A_256, %dma_wait3A_257] : memref<512x128xf32, #tpu.memory_space<vmem>> -> memref<128x128xf32, #tpu.memory_space<vmem>>
    %dma_wait3A_259 = arith.constant 0 : i32
    %dma_wait3A_260 = tpu.memref_slice %arg5[%dma_wait3A_255, %dma_wait3A_259] : memref<4x128xi32, #tpu.memory_space<vmem>> -> memref<1x128xi32, #tpu.memory_space<vmem>>
    %dma_wait3A_261 = tpu.memref_squeeze %dma_wait3A_260 : memref<1x128xi32, #tpu.memory_space<vmem>> -> memref<128xi32, #tpu.memory_space<vmem>>
    %dma_wait3A_262 = arith.constant 0 : i32
    %dma_wait3A_263 = arith.constant 0 : i32
    %dma_wait3A_264 = tpu.memref_slice %arg4[%dma_wait3A_262, %dma_wait3A_263] : memref<69632x128xf32, #tpu.memory_space<hbm>> -> memref<69632x128xf32, #tpu.memory_space<hbm>>
    tpu.wait_indirect_dma semaphore(%arg7 : memref<!tpu.dma_semaphore, #tpu.memory_space<semaphore_mem>>) src(%dma_wait3A_258 : memref<128x128xf32, #tpu.memory_space<vmem>>) dst(%dma_wait3A_264 : memref<69632x128xf32, #tpu.memory_space<hbm>>)
    %dma_wait3A_265 = arith.constant 3 : i32
    %dma_wait3A_266 = arith.constant 384 : i32
    %dma_wait3A_267 = arith.constant 0 : i32
    %dma_wait3A_268 = tpu.memref_slice %arg6[%dma_wait3A_266, %dma_wait3A_267] : memref<512x128xf32, #tpu.memory_space<vmem>> -> memref<128x128xf32, #tpu.memory_space<vmem>>
    %dma_wait3A_269 = arith.constant 0 : i32
    %dma_wait3A_270 = tpu.memref_slice %arg5[%dma_wait3A_265, %dma_wait3A_269] : memref<4x128xi32, #tpu.memory_space<vmem>> -> memref<1x128xi32, #tpu.memory_space<vmem>>
    %dma_wait3A_271 = tpu.memref_squeeze %dma_wait3A_270 : memref<1x128xi32, #tpu.memory_space<vmem>> -> memref<128xi32, #tpu.memory_space<vmem>>
    %dma_wait3A_272 = arith.constant 0 : i32
    %dma_wait3A_273 = arith.constant 0 : i32
    %dma_wait3A_274 = tpu.memref_slice %arg4[%dma_wait3A_272, %dma_wait3A_273] : memref<69632x128xf32, #tpu.memory_space<hbm>> -> memref<69632x128xf32, #tpu.memory_space<hbm>>
    tpu.wait_indirect_dma semaphore(%arg7 : memref<!tpu.dma_semaphore, #tpu.memory_space<semaphore_mem>>) src(%dma_wait3A_268 : memref<128x128xf32, #tpu.memory_space<vmem>>) dst(%dma_wait3A_274 : memref<69632x128xf32, #tpu.memory_space<hbm>>)
    %mul3A_275 = arith.constant 4 : i32
    %mul3A_276 = arith.muli %add3A, %mul3A_275 : i32
    %add3A_277 = arith.constant 3 : i32
    %add3A_278 = arith.addi %mul3A_276, %add3A_277 : i32
    %mul3A_279 = arith.constant 512 : i32
    %mul3A_280 = arith.muli %add3A_278, %mul3A_279 : i32
    "tpu.region"() ({
      %run_scoped3A = tpu.sem_alloc : memref<!tpu.dma_semaphore, #tpu.memory_space<semaphore_mem>>
      %dma_start3A_367 = arith.constant 0 : i32
      %dma_start3A_368 = tpu.memref_slice %arg2[%mul3A_280, %dma_start3A_367] : memref<65536x128xf32, #tpu.memory_space<hbm>> -> memref<512x128xf32, #tpu.memory_space<hbm>>
      %dma_start3A_369 = arith.constant 0 : i32
      %dma_start3A_370 = tpu.memref_slice %arg2[%mul3A_280, %dma_start3A_369] : memref<65536x128xf32, #tpu.memory_space<hbm>> -> memref<512x128xf32, #tpu.memory_space<hbm>>
      tpu.enqueue_dma source(%dma_start3A_370 : memref<512x128xf32, #tpu.memory_space<hbm>>) target(%arg6 : memref<512x128xf32, #tpu.memory_space<vmem>>) target_semaphore(%run_scoped3A : memref<!tpu.dma_semaphore, #tpu.memory_space<semaphore_mem>>)
      %dma_wait3A_371 = arith.constant 0 : i32
      %dma_wait3A_372 = tpu.memref_slice %arg2[%mul3A_280, %dma_wait3A_371] : memref<65536x128xf32, #tpu.memory_space<hbm>> -> memref<512x128xf32, #tpu.memory_space<hbm>>
      %dma_wait3A_373 = arith.constant 0 : i32
      %dma_wait3A_374 = tpu.memref_slice %arg2[%mul3A_280, %dma_wait3A_373] : memref<65536x128xf32, #tpu.memory_space<hbm>> -> memref<512x128xf32, #tpu.memory_space<hbm>>
      tpu.wait_dma2 semaphore(%run_scoped3A : memref<!tpu.dma_semaphore, #tpu.memory_space<semaphore_mem>>) src(%dma_wait3A_374 : memref<512x128xf32, #tpu.memory_space<hbm>>) dst(%arg6 : memref<512x128xf32, #tpu.memory_space<vmem>>)
      tpu.yield
    }) : () -> ()
    %mul3A_281 = arith.constant 4 : i32
    %mul3A_282 = arith.muli %add3A, %mul3A_281 : i32
    %mul3A_283 = arith.constant 4 : i32
    %mul3A_284 = arith.muli %mul3A_282, %mul3A_283 : i32
    %add3A_285 = arith.constant 12 : i32
    %add3A_286 = arith.addi %mul3A_284, %add3A_285 : i32
    "tpu.region"() ({
      %run_scoped3A = tpu.sem_alloc : memref<!tpu.dma_semaphore, #tpu.memory_space<semaphore_mem>>
      %dma_start3A_367 = arith.constant 0 : i32
      %dma_start3A_368 = tpu.memref_slice %arg3[%add3A_286, %dma_start3A_367] : memref<512x128xi32, #tpu.memory_space<hbm>> -> memref<4x128xi32, #tpu.memory_space<hbm>>
      %dma_start3A_369 = arith.constant 0 : i32
      %dma_start3A_370 = tpu.memref_slice %arg3[%add3A_286, %dma_start3A_369] : memref<512x128xi32, #tpu.memory_space<hbm>> -> memref<4x128xi32, #tpu.memory_space<hbm>>
      tpu.enqueue_dma source(%dma_start3A_370 : memref<4x128xi32, #tpu.memory_space<hbm>>) target(%arg5 : memref<4x128xi32, #tpu.memory_space<vmem>>) target_semaphore(%run_scoped3A : memref<!tpu.dma_semaphore, #tpu.memory_space<semaphore_mem>>)
      %dma_wait3A_371 = arith.constant 0 : i32
      %dma_wait3A_372 = tpu.memref_slice %arg3[%add3A_286, %dma_wait3A_371] : memref<512x128xi32, #tpu.memory_space<hbm>> -> memref<4x128xi32, #tpu.memory_space<hbm>>
      %dma_wait3A_373 = arith.constant 0 : i32
      %dma_wait3A_374 = tpu.memref_slice %arg3[%add3A_286, %dma_wait3A_373] : memref<512x128xi32, #tpu.memory_space<hbm>> -> memref<4x128xi32, #tpu.memory_space<hbm>>
      tpu.wait_dma2 semaphore(%run_scoped3A : memref<!tpu.dma_semaphore, #tpu.memory_space<semaphore_mem>>) src(%dma_wait3A_374 : memref<4x128xi32, #tpu.memory_space<hbm>>) dst(%arg5 : memref<4x128xi32, #tpu.memory_space<vmem>>)
      tpu.yield
    }) : () -> ()
    %dma_start3A_287 = arith.constant 0 : i32
    %dma_start3A_288 = arith.constant 0 : i32
    %dma_start3A_289 = arith.constant 0 : i32
    %dma_start3A_290 = tpu.memref_slice %arg6[%dma_start3A_288, %dma_start3A_289] : memref<512x128xf32, #tpu.memory_space<vmem>> -> memref<128x128xf32, #tpu.memory_space<vmem>>
    %dma_start3A_291 = arith.constant 0 : i32
    %dma_start3A_292 = tpu.memref_slice %arg5[%dma_start3A_287, %dma_start3A_291] : memref<4x128xi32, #tpu.memory_space<vmem>> -> memref<1x128xi32, #tpu.memory_space<vmem>>
    %dma_start3A_293 = tpu.memref_squeeze %dma_start3A_292 : memref<1x128xi32, #tpu.memory_space<vmem>> -> memref<128xi32, #tpu.memory_space<vmem>>
    %dma_start3A_294 = arith.constant 0 : i32
    %dma_start3A_295 = arith.constant 0 : i32
    %dma_start3A_296 = tpu.memref_slice %arg4[%dma_start3A_294, %dma_start3A_295] : memref<69632x128xf32, #tpu.memory_space<hbm>> -> memref<69632x128xf32, #tpu.memory_space<hbm>>
    tpu.enqueue_indirect_dma source(%dma_start3A_290 : memref<128x128xf32, #tpu.memory_space<vmem>>) target(%dma_start3A_296 : memref<69632x128xf32, #tpu.memory_space<hbm>>) offsets(%dma_start3A_293 : memref<128xi32, #tpu.memory_space<vmem>>) semaphore(%arg7 : memref<!tpu.dma_semaphore, #tpu.memory_space<semaphore_mem>>)
    %dma_start3A_297 = arith.constant 1 : i32
    %dma_start3A_298 = arith.constant 128 : i32
    %dma_start3A_299 = arith.constant 0 : i32
    %dma_start3A_300 = tpu.memref_slice %arg6[%dma_start3A_298, %dma_start3A_299] : memref<512x128xf32, #tpu.memory_space<vmem>> -> memref<128x128xf32, #tpu.memory_space<vmem>>
    %dma_start3A_301 = arith.constant 0 : i32
    %dma_start3A_302 = tpu.memref_slice %arg5[%dma_start3A_297, %dma_start3A_301] : memref<4x128xi32, #tpu.memory_space<vmem>> -> memref<1x128xi32, #tpu.memory_space<vmem>>
    %dma_start3A_303 = tpu.memref_squeeze %dma_start3A_302 : memref<1x128xi32, #tpu.memory_space<vmem>> -> memref<128xi32, #tpu.memory_space<vmem>>
    %dma_start3A_304 = arith.constant 0 : i32
    %dma_start3A_305 = arith.constant 0 : i32
    %dma_start3A_306 = tpu.memref_slice %arg4[%dma_start3A_304, %dma_start3A_305] : memref<69632x128xf32, #tpu.memory_space<hbm>> -> memref<69632x128xf32, #tpu.memory_space<hbm>>
    tpu.enqueue_indirect_dma source(%dma_start3A_300 : memref<128x128xf32, #tpu.memory_space<vmem>>) target(%dma_start3A_306 : memref<69632x128xf32, #tpu.memory_space<hbm>>) offsets(%dma_start3A_303 : memref<128xi32, #tpu.memory_space<vmem>>) semaphore(%arg7 : memref<!tpu.dma_semaphore, #tpu.memory_space<semaphore_mem>>)
    %dma_start3A_307 = arith.constant 2 : i32
    %dma_start3A_308 = arith.constant 256 : i32
    %dma_start3A_309 = arith.constant 0 : i32
    %dma_start3A_310 = tpu.memref_slice %arg6[%dma_start3A_308, %dma_start3A_309] : memref<512x128xf32, #tpu.memory_space<vmem>> -> memref<128x128xf32, #tpu.memory_space<vmem>>
    %dma_start3A_311 = arith.constant 0 : i32
    %dma_start3A_312 = tpu.memref_slice %arg5[%dma_start3A_307, %dma_start3A_311] : memref<4x128xi32, #tpu.memory_space<vmem>> -> memref<1x128xi32, #tpu.memory_space<vmem>>
    %dma_start3A_313 = tpu.memref_squeeze %dma_start3A_312 : memref<1x128xi32, #tpu.memory_space<vmem>> -> memref<128xi32, #tpu.memory_space<vmem>>
    %dma_start3A_314 = arith.constant 0 : i32
    %dma_start3A_315 = arith.constant 0 : i32
    %dma_start3A_316 = tpu.memref_slice %arg4[%dma_start3A_314, %dma_start3A_315] : memref<69632x128xf32, #tpu.memory_space<hbm>> -> memref<69632x128xf32, #tpu.memory_space<hbm>>
    tpu.enqueue_indirect_dma source(%dma_start3A_310 : memref<128x128xf32, #tpu.memory_space<vmem>>) target(%dma_start3A_316 : memref<69632x128xf32, #tpu.memory_space<hbm>>) offsets(%dma_start3A_313 : memref<128xi32, #tpu.memory_space<vmem>>) semaphore(%arg7 : memref<!tpu.dma_semaphore, #tpu.memory_space<semaphore_mem>>)
    %dma_start3A_317 = arith.constant 3 : i32
    %dma_start3A_318 = arith.constant 384 : i32
    %dma_start3A_319 = arith.constant 0 : i32
    %dma_start3A_320 = tpu.memref_slice %arg6[%dma_start3A_318, %dma_start3A_319] : memref<512x128xf32, #tpu.memory_space<vmem>> -> memref<128x128xf32, #tpu.memory_space<vmem>>
    %dma_start3A_321 = arith.constant 0 : i32
    %dma_start3A_322 = tpu.memref_slice %arg5[%dma_start3A_317, %dma_start3A_321] : memref<4x128xi32, #tpu.memory_space<vmem>> -> memref<1x128xi32, #tpu.memory_space<vmem>>
    %dma_start3A_323 = tpu.memref_squeeze %dma_start3A_322 : memref<1x128xi32, #tpu.memory_space<vmem>> -> memref<128xi32, #tpu.memory_space<vmem>>
    %dma_start3A_324 = arith.constant 0 : i32
    %dma_start3A_325 = arith.constant 0 : i32
    %dma_start3A_326 = tpu.memref_slice %arg4[%dma_start3A_324, %dma_start3A_325] : memref<69632x128xf32, #tpu.memory_space<hbm>> -> memref<69632x128xf32, #tpu.memory_space<hbm>>
    tpu.enqueue_indirect_dma source(%dma_start3A_320 : memref<128x128xf32, #tpu.memory_space<vmem>>) target(%dma_start3A_326 : memref<69632x128xf32, #tpu.memory_space<hbm>>) offsets(%dma_start3A_323 : memref<128xi32, #tpu.memory_space<vmem>>) semaphore(%arg7 : memref<!tpu.dma_semaphore, #tpu.memory_space<semaphore_mem>>)
    %dma_wait3A_327 = arith.constant 0 : i32
    %dma_wait3A_328 = arith.constant 0 : i32
    %dma_wait3A_329 = arith.constant 0 : i32
    %dma_wait3A_330 = tpu.memref_slice %arg6[%dma_wait3A_328, %dma_wait3A_329] : memref<512x128xf32, #tpu.memory_space<vmem>> -> memref<128x128xf32, #tpu.memory_space<vmem>>
    %dma_wait3A_331 = arith.constant 0 : i32
    %dma_wait3A_332 = tpu.memref_slice %arg5[%dma_wait3A_327, %dma_wait3A_331] : memref<4x128xi32, #tpu.memory_space<vmem>> -> memref<1x128xi32, #tpu.memory_space<vmem>>
    %dma_wait3A_333 = tpu.memref_squeeze %dma_wait3A_332 : memref<1x128xi32, #tpu.memory_space<vmem>> -> memref<128xi32, #tpu.memory_space<vmem>>
    %dma_wait3A_334 = arith.constant 0 : i32
    %dma_wait3A_335 = arith.constant 0 : i32
    %dma_wait3A_336 = tpu.memref_slice %arg4[%dma_wait3A_334, %dma_wait3A_335] : memref<69632x128xf32, #tpu.memory_space<hbm>> -> memref<69632x128xf32, #tpu.memory_space<hbm>>
    tpu.wait_indirect_dma semaphore(%arg7 : memref<!tpu.dma_semaphore, #tpu.memory_space<semaphore_mem>>) src(%dma_wait3A_330 : memref<128x128xf32, #tpu.memory_space<vmem>>) dst(%dma_wait3A_336 : memref<69632x128xf32, #tpu.memory_space<hbm>>)
    %dma_wait3A_337 = arith.constant 1 : i32
    %dma_wait3A_338 = arith.constant 128 : i32
    %dma_wait3A_339 = arith.constant 0 : i32
    %dma_wait3A_340 = tpu.memref_slice %arg6[%dma_wait3A_338, %dma_wait3A_339] : memref<512x128xf32, #tpu.memory_space<vmem>> -> memref<128x128xf32, #tpu.memory_space<vmem>>
    %dma_wait3A_341 = arith.constant 0 : i32
    %dma_wait3A_342 = tpu.memref_slice %arg5[%dma_wait3A_337, %dma_wait3A_341] : memref<4x128xi32, #tpu.memory_space<vmem>> -> memref<1x128xi32, #tpu.memory_space<vmem>>
    %dma_wait3A_343 = tpu.memref_squeeze %dma_wait3A_342 : memref<1x128xi32, #tpu.memory_space<vmem>> -> memref<128xi32, #tpu.memory_space<vmem>>
    %dma_wait3A_344 = arith.constant 0 : i32
    %dma_wait3A_345 = arith.constant 0 : i32
    %dma_wait3A_346 = tpu.memref_slice %arg4[%dma_wait3A_344, %dma_wait3A_345] : memref<69632x128xf32, #tpu.memory_space<hbm>> -> memref<69632x128xf32, #tpu.memory_space<hbm>>
    tpu.wait_indirect_dma semaphore(%arg7 : memref<!tpu.dma_semaphore, #tpu.memory_space<semaphore_mem>>) src(%dma_wait3A_340 : memref<128x128xf32, #tpu.memory_space<vmem>>) dst(%dma_wait3A_346 : memref<69632x128xf32, #tpu.memory_space<hbm>>)
    %dma_wait3A_347 = arith.constant 2 : i32
    %dma_wait3A_348 = arith.constant 256 : i32
    %dma_wait3A_349 = arith.constant 0 : i32
    %dma_wait3A_350 = tpu.memref_slice %arg6[%dma_wait3A_348, %dma_wait3A_349] : memref<512x128xf32, #tpu.memory_space<vmem>> -> memref<128x128xf32, #tpu.memory_space<vmem>>
    %dma_wait3A_351 = arith.constant 0 : i32
    %dma_wait3A_352 = tpu.memref_slice %arg5[%dma_wait3A_347, %dma_wait3A_351] : memref<4x128xi32, #tpu.memory_space<vmem>> -> memref<1x128xi32, #tpu.memory_space<vmem>>
    %dma_wait3A_353 = tpu.memref_squeeze %dma_wait3A_352 : memref<1x128xi32, #tpu.memory_space<vmem>> -> memref<128xi32, #tpu.memory_space<vmem>>
    %dma_wait3A_354 = arith.constant 0 : i32
    %dma_wait3A_355 = arith.constant 0 : i32
    %dma_wait3A_356 = tpu.memref_slice %arg4[%dma_wait3A_354, %dma_wait3A_355] : memref<69632x128xf32, #tpu.memory_space<hbm>> -> memref<69632x128xf32, #tpu.memory_space<hbm>>
    tpu.wait_indirect_dma semaphore(%arg7 : memref<!tpu.dma_semaphore, #tpu.memory_space<semaphore_mem>>) src(%dma_wait3A_350 : memref<128x128xf32, #tpu.memory_space<vmem>>) dst(%dma_wait3A_356 : memref<69632x128xf32, #tpu.memory_space<hbm>>)
    %dma_wait3A_357 = arith.constant 3 : i32
    %dma_wait3A_358 = arith.constant 384 : i32
    %dma_wait3A_359 = arith.constant 0 : i32
    %dma_wait3A_360 = tpu.memref_slice %arg6[%dma_wait3A_358, %dma_wait3A_359] : memref<512x128xf32, #tpu.memory_space<vmem>> -> memref<128x128xf32, #tpu.memory_space<vmem>>
    %dma_wait3A_361 = arith.constant 0 : i32
    %dma_wait3A_362 = tpu.memref_slice %arg5[%dma_wait3A_357, %dma_wait3A_361] : memref<4x128xi32, #tpu.memory_space<vmem>> -> memref<1x128xi32, #tpu.memory_space<vmem>>
    %dma_wait3A_363 = tpu.memref_squeeze %dma_wait3A_362 : memref<1x128xi32, #tpu.memory_space<vmem>> -> memref<128xi32, #tpu.memory_space<vmem>>
    %dma_wait3A_364 = arith.constant 0 : i32
    %dma_wait3A_365 = arith.constant 0 : i32
    %dma_wait3A_366 = tpu.memref_slice %arg4[%dma_wait3A_364, %dma_wait3A_365] : memref<69632x128xf32, #tpu.memory_space<hbm>> -> memref<69632x128xf32, #tpu.memory_space<hbm>>
    tpu.wait_indirect_dma semaphore(%arg7 : memref<!tpu.dma_semaphore, #tpu.memory_space<semaphore_mem>>) src(%dma_wait3A_360 : memref<128x128xf32, #tpu.memory_space<vmem>>) dst(%dma_wait3A_366 : memref<69632x128xf32, #tpu.memory_space<hbm>>)
    return
  }
}

module attributes {stable_mosaic.version = 14 : i64} {
  func.func @_mm_body(%arg0: i32, %arg1: memref<136xi32, #tpu.memory_space<smem>>, %arg2: memref<1x1xf32, #tpu.memory_space<vmem>>, %arg3: memref<512x128xf32, #tpu.memory_space<vmem>>, %arg4: memref<1x128x256xf32, #tpu.memory_space<vmem>>, %arg5: memref<1x1x256xf32, #tpu.memory_space<vmem>>, %arg6: memref<1x256x128xf32, #tpu.memory_space<vmem>>, %arg7: memref<1x1x128xf32, #tpu.memory_space<vmem>>, %arg8: memref<512x128xf32, #tpu.memory_space<vmem>>) attributes {dimension_semantics = [#tpu.dimension_semantics<arbitrary>], iteration_bounds = array<i64: 136>, scalar_prefetch = 1 : i64, scratch_operands = 0 : i64, tpu.core_type = #tpu.core_type<tc>, window_params = [{pipeline_mode = #tpu.pipeline_mode<synchronous>, transform_indices = @transform_0, window_bounds = array<i64: 1, 1>}, {transform_indices = @transform_1, window_bounds = array<i64: 512, 128>}, {transform_indices = @transform_2, window_bounds = array<i64: 1, 128, 256>}, {transform_indices = @transform_3, window_bounds = array<i64: 1, 1, 256>}, {transform_indices = @transform_4, window_bounds = array<i64: 1, 256, 128>}, {transform_indices = @transform_5, window_bounds = array<i64: 1, 1, 128>}, {transform_indices = @transform_6, window_bounds = array<i64: 512, 128>}]} {
    %get3A = arith.constant 0 : index
    %get3A_0 = arith.constant 0 : index
    %get3A_1 = vector.load %arg2[%get3A, %get3A_0] : memref<1x1xf32, #tpu.memory_space<vmem>>, vector<1x1xf32>
    %get3A_2 = vector.extract %get3A_1[0, 0] : f32 from vector<1x1xf32>
    %get3A_3 = arith.constant 0 : index
    %get3A_4 = arith.constant 0 : index
    %get3A_5 = vector.load %arg3[%get3A_3, %get3A_4] : memref<512x128xf32, #tpu.memory_space<vmem>>, vector<512x128xf32>
    %get3A_6 = arith.constant 0 : index
    %get3A_7 = arith.constant 0 : index
    %get3A_8 = arith.constant 0 : index
    %get3A_9 = vector.load %arg4[%get3A_6, %get3A_7, %get3A_8] : memref<1x128x256xf32, #tpu.memory_space<vmem>>, vector<1x128x256xf32>
    %get3A_10 = vector.shape_cast %get3A_9 : vector<1x128x256xf32> to vector<128x256xf32>
    %dot_general3A = arith.constant dense<0.000000e+00> : vector<512x256xf32>
    %dot_general3A_11 = tpu.matmul %get3A_5, %get3A_10, %dot_general3A {dimension_numbers = #tpu.dot_dimension_numbers<[1], [0], [0], [1], [0, 0, 1, 1], [], []>, transpose_lhs_hint = false} : vector<512x128xf32>, vector<128x256xf32>, vector<512x256xf32> -> vector<512x256xf32>
    %get3A_12 = arith.constant 0 : index
    %get3A_13 = arith.constant 0 : index
    %get3A_14 = arith.constant 0 : index
    %get3A_15 = vector.load %arg5[%get3A_12, %get3A_13, %get3A_14] : memref<1x1x256xf32, #tpu.memory_space<vmem>>, vector<1x1x256xf32>
    %get3A_16 = vector.shape_cast %get3A_15 : vector<1x1x256xf32> to vector<1x256xf32>
    %add3A = vector.broadcast %get3A_16 : vector<1x256xf32> to vector<512x256xf32>
    %add3A_17 = arith.addf %dot_general3A_11, %add3A : vector<512x256xf32>
    %tanh3A = math.tanh %add3A_17 : vector<512x256xf32>
    %get3A_18 = arith.constant 0 : index
    %get3A_19 = arith.constant 0 : index
    %get3A_20 = arith.constant 0 : index
    %get3A_21 = vector.load %arg6[%get3A_18, %get3A_19, %get3A_20] : memref<1x256x128xf32, #tpu.memory_space<vmem>>, vector<1x256x128xf32>
    %get3A_22 = vector.shape_cast %get3A_21 : vector<1x256x128xf32> to vector<256x128xf32>
    %dot_general3A_23 = arith.constant dense<0.000000e+00> : vector<512x128xf32>
    %dot_general3A_24 = tpu.matmul %tanh3A, %get3A_22, %dot_general3A_23 {dimension_numbers = #tpu.dot_dimension_numbers<[1], [0], [0], [1], [0, 0, 1, 1], [], []>, transpose_lhs_hint = false} : vector<512x256xf32>, vector<256x128xf32>, vector<512x128xf32> -> vector<512x128xf32>
    %get3A_25 = arith.constant 0 : index
    %get3A_26 = arith.constant 0 : index
    %get3A_27 = arith.constant 0 : index
    %get3A_28 = vector.load %arg7[%get3A_25, %get3A_26, %get3A_27] : memref<1x1x128xf32, #tpu.memory_space<vmem>>, vector<1x1x128xf32>
    %get3A_29 = vector.shape_cast %get3A_28 : vector<1x1x128xf32> to vector<1x128xf32>
    %add3A_30 = vector.broadcast %get3A_29 : vector<1x128xf32> to vector<512x128xf32>
    %add3A_31 = arith.addf %dot_general3A_24, %add3A_30 : vector<512x128xf32>
    %slice3A = vector.extract_strided_slice %get3A_5 {offsets = [0, 0], sizes = [512, 3], strides = [1, 1]} : vector<512x128xf32> to vector<512x3xf32>
    %slice3A_32 = vector.extract_strided_slice %get3A_5 {offsets = [0, 3], sizes = [512, 3], strides = [1, 1]} : vector<512x128xf32> to vector<512x3xf32>
    %slice3A_33 = vector.extract_strided_slice %get3A_5 {offsets = [0, 6], sizes = [512, 4], strides = [1, 1]} : vector<512x128xf32> to vector<512x4xf32>
    %slice3A_34 = vector.extract_strided_slice %get3A_5 {offsets = [0, 10], sizes = [512, 1], strides = [1, 1]} : vector<512x128xf32> to vector<512x1xf32>
    %slice3A_35 = vector.extract_strided_slice %get3A_5 {offsets = [0, 11], sizes = [512, 48], strides = [1, 1]} : vector<512x128xf32> to vector<512x48xf32>
    %slice3A_36 = vector.extract_strided_slice %get3A_5 {offsets = [0, 92], sizes = [512, 1], strides = [1, 1]} : vector<512x128xf32> to vector<512x1xf32>
    %slice3A_37 = vector.extract_strided_slice %get3A_5 {offsets = [0, 93], sizes = [512, 1], strides = [1, 1]} : vector<512x128xf32> to vector<512x1xf32>
    %ge3A = vector.broadcast %get3A_2 : f32 to vector<512x1xf32>
    %ge3A_38 = arith.cmpf oge, %ge3A, %slice3A_36 : vector<512x1xf32>
    %lt3A = vector.broadcast %get3A_2 : f32 to vector<512x1xf32>
    %lt3A_39 = arith.cmpf olt, %lt3A, %slice3A_37 : vector<512x1xf32>
    %and3A = arith.andi %ge3A_38, %lt3A_39 : vector<512x1xi1>
    %slice3A_40 = vector.extract_strided_slice %add3A_31 {offsets = [0, 0], sizes = [512, 3], strides = [1, 1]} : vector<512x128xf32> to vector<512x3xf32>
    %add3A_41 = arith.addf %slice3A, %slice3A_40 : vector<512x3xf32>
    %broadcast_in_dim3A = vector.shape_cast %and3A : vector<512x1xi1> to vector<512x1xi1>
    %broadcast_in_dim3A_42 = vector.broadcast %broadcast_in_dim3A : vector<512x1xi1> to vector<512x3xi1>
    %select_n3A = arith.select %broadcast_in_dim3A_42, %add3A_41, %slice3A : vector<512x3xi1>, vector<512x3xf32>
    %slice3A_43 = vector.extract_strided_slice %add3A_31 {offsets = [0, 3], sizes = [512, 3], strides = [1, 1]} : vector<512x128xf32> to vector<512x3xf32>
    %add3A_44 = arith.addf %slice3A_32, %slice3A_43 : vector<512x3xf32>
    %broadcast_in_dim3A_45 = vector.shape_cast %and3A : vector<512x1xi1> to vector<512x1xi1>
    %broadcast_in_dim3A_46 = vector.broadcast %broadcast_in_dim3A_45 : vector<512x1xi1> to vector<512x3xi1>
    %select_n3A_47 = arith.select %broadcast_in_dim3A_46, %add3A_44, %slice3A_32 : vector<512x3xi1>, vector<512x3xf32>
    %slice3A_48 = vector.extract_strided_slice %add3A_31 {offsets = [0, 6], sizes = [512, 4], strides = [1, 1]} : vector<512x128xf32> to vector<512x4xf32>
    %add3A_49 = arith.addf %slice3A_33, %slice3A_48 : vector<512x4xf32>
    %broadcast_in_dim3A_50 = vector.shape_cast %and3A : vector<512x1xi1> to vector<512x1xi1>
    %broadcast_in_dim3A_51 = vector.broadcast %broadcast_in_dim3A_50 : vector<512x1xi1> to vector<512x4xi1>
    %select_n3A_52 = arith.select %broadcast_in_dim3A_51, %add3A_49, %slice3A_33 : vector<512x4xi1>, vector<512x4xf32>
    %slice3A_53 = vector.extract_strided_slice %add3A_31 {offsets = [0, 10], sizes = [512, 1], strides = [1, 1]} : vector<512x128xf32> to vector<512x1xf32>
    %add3A_54 = arith.addf %slice3A_34, %slice3A_53 : vector<512x1xf32>
    %jit3A = arith.constant -1.000000e+02 : f32
    %broadcast_in_dim3A_55 = vector.broadcast %jit3A : f32 to vector<512x1xf32>
    %select_n3A_56 = arith.select %and3A, %add3A_54, %broadcast_in_dim3A_55 : vector<512x1xi1>, vector<512x1xf32>
    %slice3A_57 = vector.extract_strided_slice %add3A_31 {offsets = [0, 11], sizes = [512, 48], strides = [1, 1]} : vector<512x128xf32> to vector<512x48xf32>
    %add3A_58 = arith.addf %slice3A_35, %slice3A_57 : vector<512x48xf32>
    %broadcast_in_dim3A_59 = vector.shape_cast %and3A : vector<512x1xi1> to vector<512x1xi1>
    %broadcast_in_dim3A_60 = vector.broadcast %broadcast_in_dim3A_59 : vector<512x1xi1> to vector<512x48xi1>
    %select_n3A_61 = arith.select %broadcast_in_dim3A_60, %add3A_58, %slice3A_35 : vector<512x48xi1>, vector<512x48xf32>
    %convert_element_type3A = arith.extui %and3A : vector<512x1xi1> to vector<512x1xi32>
    %convert_element_type3A_62 = arith.sitofp %convert_element_type3A : vector<512x1xi32> to vector<512x1xf32>
    %broadcast_in_dim3A_63 = arith.constant 0.000000e+00 : f32
    %broadcast_in_dim3A_64 = vector.broadcast %broadcast_in_dim3A_63 : f32 to vector<512x68xf32>
    %concatenate3A = tpu.concatenate %select_n3A, %select_n3A_47, %select_n3A_52, %select_n3A_56, %select_n3A_61, %convert_element_type3A_62, %broadcast_in_dim3A_64 in 1 : vector<512x3xf32>, vector<512x3xf32>, vector<512x4xf32>, vector<512x1xf32>, vector<512x48xf32>, vector<512x1xf32>, vector<512x68xf32> -> vector<512x128xf32>
    %swap3A = arith.constant 0 : index
    %swap3A_65 = arith.constant 0 : index
    %swap3A_66 = vector.load %arg8[%swap3A, %swap3A_65] : memref<512x128xf32, #tpu.memory_space<vmem>>, vector<512x128xf32>
    tpu.vector_store %arg8[%swap3A, %swap3A_65], %concatenate3A {strides = array<i32>} : memref<512x128xf32, #tpu.memory_space<vmem>>, vector<512x128xf32>,
    return
  }
  func.func @transform_0(%arg0: i32, %arg1: memref<136xi32, #tpu.memory_space<smem>>) -> (i32, i32) {
    %c0_i32 = arith.constant 0 : i32
    %c0_i32_0 = arith.constant 0 : i32
    %c0_i32_1 = arith.constant 0 : i32
    return %c0_i32, %c0_i32_0 : i32, i32
  }
  func.func @transform_1(%arg0: i32, %arg1: memref<136xi32, #tpu.memory_space<smem>>) -> (i32, i32) {
    %c0_i32 = arith.constant 0 : i32
    %c0_i32_0 = arith.constant 0 : i32
    return %arg0, %c0_i32 : i32, i32
  }
  func.func @transform_2(%arg0: i32, %arg1: memref<136xi32, #tpu.memory_space<smem>>) -> (i32, i32, i32) {
    %get3A = arith.index_cast %arg0 : i32 to index
    %get3A_0 = memref.load %arg1[%get3A] : memref<136xi32, #tpu.memory_space<smem>>
    %c0_i32 = arith.constant 0 : i32
    %c0_i32_1 = arith.constant 0 : i32
    %c0_i32_2 = arith.constant 0 : i32
    return %get3A_0, %c0_i32, %c0_i32_1 : i32, i32, i32
  }
  func.func @transform_3(%arg0: i32, %arg1: memref<136xi32, #tpu.memory_space<smem>>) -> (i32, i32, i32) {
    %get3A = arith.index_cast %arg0 : i32 to index
    %get3A_0 = memref.load %arg1[%get3A] : memref<136xi32, #tpu.memory_space<smem>>
    %c0_i32 = arith.constant 0 : i32
    %c0_i32_1 = arith.constant 0 : i32
    %c0_i32_2 = arith.constant 0 : i32
    return %get3A_0, %c0_i32, %c0_i32_1 : i32, i32, i32
  }
  func.func @transform_4(%arg0: i32, %arg1: memref<136xi32, #tpu.memory_space<smem>>) -> (i32, i32, i32) {
    %get3A = arith.index_cast %arg0 : i32 to index
    %get3A_0 = memref.load %arg1[%get3A] : memref<136xi32, #tpu.memory_space<smem>>
    %c0_i32 = arith.constant 0 : i32
    %c0_i32_1 = arith.constant 0 : i32
    %c0_i32_2 = arith.constant 0 : i32
    return %get3A_0, %c0_i32, %c0_i32_1 : i32, i32, i32
  }
  func.func @transform_5(%arg0: i32, %arg1: memref<136xi32, #tpu.memory_space<smem>>) -> (i32, i32, i32) {
    %get3A = arith.index_cast %arg0 : i32 to index
    %get3A_0 = memref.load %arg1[%get3A] : memref<136xi32, #tpu.memory_space<smem>>
    %c0_i32 = arith.constant 0 : i32
    %c0_i32_1 = arith.constant 0 : i32
    %c0_i32_2 = arith.constant 0 : i32
    return %get3A_0, %c0_i32, %c0_i32_1 : i32, i32, i32
  }
  func.func @transform_6(%arg0: i32, %arg1: memref<136xi32, #tpu.memory_space<smem>>) -> (i32, i32) {
    %c0_i32 = arith.constant 0 : i32
    %c0_i32_0 = arith.constant 0 : i32
    return %arg0, %c0_i32 : i32, i32
  }
}

</mosaic_0001>

<sc_bundles>
// kernel: gather_offload_async_start
scs
__scs_entry_jumppad:
0x0: {  	(pc) =	sbr.rel $0x88, $3  }
0x1: {  	(tag) =	ssettag $0x0;
	lr =	simm.s32 $0x1  }
0x2: {  	[smem:$0x3F93] =	sst lr;
	_ =	strace $0xD0000000  }
0x3: {  	_ = 	snop  }
0x4: {  	_ = 	snop  }
0x5: {  	_ = 	snop  }
0x6: {  	_ = 	snop  }
0x7: {  	_ = 	snop  }
__scs_overlays_trampoline_lowered:
0x8: {  	[smem:$0x3FA2] =	sst s0  }
0x9: {  	[smem:$0x3FA3] =	sst s1  }
0xa: {  	[smem:$0x3FA4] =	sst s2  }
0xb: {  	[smem:$0x3FA5] =	sst s3  }
0xc: {  	[smem:$0x3FA6] =	sst s4  }
0xd: {  	[smem:$0x3FA7] =	sst s5  }
0xe: {  	[smem:$0x3FA8] =	sst s6  }
0xf: {  	[smem:$0x3FA9] =	sst s7  }
0x10: {  	[smem:$0x3FAA] =	sst s8  }
0x11: {  	[smem:$0x3FAB] =	sst s9;
	s0 =	simm.s32 @!p0 $0x0  }
0x12: {  	s1 =	sld [smem:$0x3F91];
	s0 =	simm.s32 @p0 $0x1  }
0x13: {  	[smem:$0x3FAC] =	sst s0;
	s0 =	simm.s32 @!p1 $0x0  }
0x14: {  	s2 =	sld [smem:$0x3F90];
	s0 =	simm.s32 @p1 $0x1  }
0x15: {  	[smem:$0x3FAD] =	sst s0;
	s0 =	simm.s32 @!p2 $0x0  }
0x16: {  	s3 =	sld [smem:$0x3FDB];
	s0 =	simm.s32 @p2 $0x1  }
0x17: {  	s4 =	simm.s32 $0x1BF5;
	[smem:$0x3FAF] =	sst s0  }
0x18: {  	s0 =	sld [smem:$0x3F92];
	_ =	swait.ge [sflag:s4], $0x0  }
0x19: {  	s7 =	sld [smem:$0x3F93]  }
0x1a: {  	s8 =	sadd.s32 $0xFFFFE003, lr  }
0x1b: {  	s9 =	sadd.s32 $0xFFFFFEF7, lr;
	s5 =	simm.s32 $0xFFFFFFFF;
	p2 =	slt.u32 s8, $0xFFFFF086  }
0x1c: {  	p1 =	slt.u32 s9, $0xF7A;
	s5 =	simm.s32 @!p2 $0x0  }
0x1d: {  	s5 =	simm.s32 @p1 $0x1;
	p0 =	seq.s32 s7, s2  }
0x1e: {  	s7 =	smul.u32 @!p0 $0xF7A, s2;
	p2 =	seq.s32 @!p0 s5, $0x0  }
0x1f: {  	s9 =	smul.u32 $0xF7A, s1;
	s8 =	simm.s32 @!p0 $0x1BF5;
	p2 =	por !p2, p0  }
0x20: {  	[sflag:s8] =	ssyncset.s32 @!p0 $0xFFFFF086;
	s6 =	sadd.s32 @!p0 s3, s7;
	s7 =	simm.s32 @!p0 $0x108  }
0x21: {  	s3 =	sadd.s32 s3, s9;
	s6 =	sadd.s32 @!p0 $0x88, s6;
	s7 =	simm.s32 @p2 $0x1082  }
0x22: {  	[simem:s7], [sflag:s8] =	dma.local @!p0 [hbm:s6], $0xF7A  }
0x23: {  	s9 =	sor.u32 $0xD0000000, s2;
	s6 =	simm.s32 $0x108;
	_ =	swait.ge @!p0 [sflag:s8], $0x0  }
0x24: {  	s3 =	sadd.s32 $0x88, s3;
	s6 =	simm.s32 @!p1 $0x1082;
	[sflag:s4] =	ssyncset.s32 $0xFFFFF086  }
0x25: {  	[simem:s6], [sflag:s4] =	dma.local [hbm:s3], $0xF7A  }
0x26: {  	[smem:$0x3F93] =	sst s1;
	(tag) =	ssettag s2;
	_ =	strace s9  }
0x27: {  	s1 =	sld [smem:$0x3FA3]  }
0x28: {  	s2 =	sld [smem:$0x3FA4]  }
0x29: {  	s4 =	sld [smem:$0x3FA6]  }
0x2a: {  	p0 =	seq.s32 s5, $0x0;
	s5 =	sld [smem:$0x3FA7]  }
0x2b: {  	s6 =	sld [smem:$0x3FA8]  }
0x2c: {  	s7 =	sld [smem:$0x3FA9]  }
0x2d: {  	s3 =	simm.s32 $0x108;
	s8 =	sld [smem:$0x3FAA]  }
0x2e: {  	s3 =	simm.s32 @!p0 $0x1082;
	s9 =	sld [smem:$0x3FAB]  }
0x2f: {  	lr =	sadd.s32 s0, s3;
	s0 =	sld [smem:$0x3FA2]  }
0x30: {  	s3 =	sld [smem:$0x3FA5]  }
0x31: {  	[smem:$0x3FAE] =	sst s10  }
0x32: {  	s10 =	sld [smem:$0x3FAC];
	_ =	sdelay $0x3  }
0x33: {  	p0 =	seq.s32 s10, $0x1;
	s10 =	sld [smem:$0x3FAE];
	_ =	sdelay $0x3  }
0x34: {  	[smem:$0x3FAE] =	sst s10  }
0x35: {  	s10 =	sld [smem:$0x3FAD];
	_ =	sdelay $0x3  }
0x36: {  	p1 =	seq.s32 s10, $0x1;
	s10 =	sld [smem:$0x3FAE];
	_ =	sdelay $0x3  }
0x37: {  	[smem:$0x3FAE] =	sst s10  }
0x38: {  	s10 =	sld [smem:$0x3FAF]  }
0x39: {  	_ = 	snop;
	(pc) =	sbr.ind lr, $3  }
0x3a: {  	_ = 	snop  }
0x3b: {  	_ = 	snop  }
0x3c: {  	p2 =	seq.s32 s10, $0x1;
	s10 =	sld [smem:$0x3FAE]  }
0x3d: {  	_ =	shalt  }
0x3e: {  	_ =	shalt  }
0x3f: {  	_ =	shalt  }
0x40: {  	_ =	shalt  }
0x41: {  	_ =	shalt  }
0x42: {  	_ =	shalt  }
0x43: {  	_ =	shalt  }
0x44: {  	_ =	shalt  }
0x45: {  	_ =	shalt  }
0x46: {  	_ =	shalt  }
0x47: {  	_ =	shalt  }
0x48: {  	_ =	shalt  }
0x49: {  	_ =	shalt  }
0x4a: {  	_ =	shalt  }
0x4b: {  	_ =	shalt  }
0x4c: {  	_ =	shalt  }
0x4d: {  	_ =	shalt  }
0x4e: {  	_ =	shalt  }
0x4f: {  	_ =	shalt  }
0x50: {  	_ =	shalt  }
0x51: {  	_ =	shalt  }
0x52: {  	_ =	shalt  }
0x53: {  	_ =	shalt  }
0x54: {  	_ =	shalt  }
0x55: {  	_ =	shalt  }
0x56: {  	_ =	shalt  }
0x57: {  	_ =	shalt  }
0x58: {  	_ =	shalt  }
0x59: {  	_ =	shalt  }
0x5a: {  	_ =	shalt  }
0x5b: {  	_ =	shalt  }
0x5c: {  	_ =	shalt  }
0x5d: {  	_ =	shalt  }
0x5e: {  	_ =	shalt  }
0x5f: {  	_ =	shalt  }
0x60: {  	_ =	shalt  }
0x61: {  	_ =	shalt  }
0x62: {  	_ =	shalt  }
0x63: {  	_ =	shalt  }
0x64: {  	_ =	shalt  }
0x65: {  	_ =	shalt  }
0x66: {  	_ =	shalt  }
0x67: {  	_ =	shalt  }
0x68: {  	_ =	shalt  }
0x69: {  	_ =	shalt  }
0x6a: {  	_ =	shalt  }
0x6b: {  	_ =	shalt  }
0x6c: {  	_ =	shalt  }
0x6d: {  	_ =	shalt  }
0x6e: {  	_ =	shalt  }
0x6f: {  	_ =	shalt  }
0x70: {  	_ =	shalt  }
0x71: {  	_ =	shalt  }
0x72: {  	_ =	shalt  }
0x73: {  	_ =	shalt  }
0x74: {  	_ =	shalt  }
0x75: {  	_ =	shalt  }
0x76: {  	_ =	shalt  }
0x77: {  	_ =	shalt  }
0x78: {  	_ =	shalt  }
0x79: {  	_ =	shalt  }
0x7a: {  	_ =	shalt  }
0x7b: {  	_ =	shalt  }
0x7c: {  	_ =	shalt  }
0x7d: {  	_ =	shalt  }
0x7e: {  	_ =	shalt  }
0x7f: {  	_ =	shalt  }
0x80: {  	_ =	shalt  }
0x81: {  	_ =	shalt  }
0x82: {  	_ =	shalt  }
0x83: {  	_ =	shalt  }
0x84: {  	_ =	shalt  }
0x85: {  	_ =	shalt  }
0x86: {  	_ =	shalt  }
0x87: {  	_ =	shalt  }
.Lfunc_end0:
.L_simem_size_0:
called_computation_lowered:
.L_overlay_start_0:
0x88: {  	s2 =	sld [smem:$0x3FD9]  }
0x89: {  	s3 =	sld [smem:$0x3FFE];
	_ =	sdelay $0x1  }
0x8a: {  	s1 =	srdreg.scid  }
0x8b: {  	s0 =	sand.u32 $0x1, s1  }
0x8c: {  	s15 =	sshll.u32 s0, $0xA;
	s2 =	sadd.s32 s3, s2  }
0x8d: {  	s2 =	sadd.s32 s2, s15  }
0x8e: {  	[smem:$0x3FBA] =	sst s2  }
0x8f: {  	_ = 	snop  }
0x90: {  	s2 =	sld [smem:$0x3FD0];
	_ =	sdelay $0x2  }
0x91: {  	s16 =	simm.s32 $0xA;
	s4 =	simm.s32 $0x10  }
0x92: {  	[smem:s4], [sflag:s16] =	dma.local [hbm:s2], $0x1  }
0x93: {  	_ =	swait.eq [sflag:s16], $0x1  }
0x94: {  	s17 =	sld [smem:$0x12];
	[sflag:s16] =	ssyncset.done $0x0  }
0x95: {  	s18 =	sld [smem:$0x13];
	[sflag:s16] =	ssyncadd.s32 $0xFFFFFFFF  }
0x96: {  	s19 =	sld [smem:$0x14];
	(tm) =	ssettm $0x1  }
0x97: {  	s5 =	sld [smem:$0x3FFB];
	_ =	sdelay $0x3  }
0x98: {  	_ =	strace s5  }
0x99: {  	s5 =	sld [smem:$0x3FFC];
	_ =	sdelay $0x3  }
0x9a: {  	_ =	strace s5  }
0x9b: {  	s5 =	sld [smem:$0x3FFD];
	_ =	sdelay $0x3  }
0x9c: {  	_ =	strace s5  }
0x9d: {  	_ =	strace $0x8FFFFFFF  }
0x9e: {  	s20 =	sld [smem:$0x3FDB];
	_ =	sdelay $0x1  }
0x9f: {  	s6 =	simm.s32 $_scs_section_size  }
0xa0: {  	s7 =	simm.s32 $_size__tile_overlayer_lowered;
	s8 =	simm.s32 $_tile_overlayer_lowered  }
0xa1: {  	s23 =	simm.s32 $0x1BFF;
	s22 =	sshll.u32 s8, $0x1;
	s5 =	sadd.s32 s6, s20  }
0xa2: {  	s9 =	simm.s32 $0x0;
	s21 =	sshll.u32 s7, $0x1;
	s7 =	sadd.s32 s22, s5  }
0xa3: {  	[timem:s9], [sflag:s23] =	dma.local [hbm:s7], s21  }
0xa4: {  	_ =	swait.ge [sflag:s23], s21  }
0xa5: {  	s6 =	ssub.s32 $0x0, s21;
	[sflag:s23] =	ssyncset.done $0x0  }
0xa6: {  	[sflag:s23] =	ssyncadd.s32 s6;
	_ =	sdelay $0x1  }
0xa7: {  	s24 =	simm.s32 $0x1B8B  }
0xa8: {  	_ =	swait.ge [sflag:s24], $0x1  }
0xa9: {  	[sflag:s24] =	ssyncset.done $0x0  }
0xaa: {  	s25 =	simm.s32 $0x1B8E;
	[sflag:s24] =	ssyncadd.s32 $0xFFFFFFFF  }
0xab: {  	s26 =	simm.s32 $execute0_lowered;
	[smem:$0x3FD2] =	sst s25  }
0xac: {  	s6 =	sshll.u32 s26, $0x1;
	_ =	strace $0x80000046;
	[dreg:$0x1] =	wrdreg $0xFFFFFFFF  }
0xad: {  	s28 =	simm.s32 $_size_execute0_lowered;
	s5 =	sadd.s32 s5, s6;
	[dreg:$0x0] =	wrdreg $0x0  }
0xae: {  	s6 =	sshll.u32 s28, $0x1;
	[dreg:$0x2] =	wrdreg s5  }
0xaf: {  	[dreg:$0x3] =	wrdreg s6  }
0xb0: {  	[dreg:$0x4] =	wrdreg $0xC0  }
0xb1: {  	_ =	task [dreg:s9], $0x5FFFF  }
0xb2: {  	[dreg:$0x1] =	wrdreg $0xFFFFFFFF  }
0xb3: {  	[dreg:$0x0] =	wrdreg $0x60  }
0xb4: {  	[dreg:$0x2] =	wrdreg s19  }
0xb5: {  	[dreg:$0x3] =	wrdreg s18  }
0xb6: {  	[dreg:$0x4] =	wrdreg s17  }
0xb7: {  	[dreg:$0x5] =	wrdreg $0x9  }
0xb8: {  	_ =	task.clear_ibuf [dreg:s9], $0x6FFFF;
	_ =	strace $0x90000046  }
0xb9: {  	s29 =	simm.s32 $0x9;
	_ =	strace $0x80000048  }
0xba: {  	_ =	swait.ge [sflag:s29], $0x1  }
0xbb: {  	[sflag:s29] =	ssyncadd.s32 $0xFFFFFFFF  }
0xbc: {  	_ =	strace $0x90000048  }
0xbd: {  	_ =	sfence  }
0xbe: {  	s30 =	sld [smem:$0x0];
	_ =	sdelay $0x2  }
0xbf: {  	s31 =	sshll.u32 s1, $0xD;
	s1 =	sshrl.u32 s1, $0x2  }
0xc0: {  	s3 =	sand.u32 $0x4000, s31;
	s1 =	sadd.s32 s1, s30  }
0xc1: {  	s0 =	sor.u32 s3, s0;
	s1 =	sshll.u32 s1, $0x11  }
0xc2: {  	s0 =	sor.u32 s1, s0  }
0xc3: {  	s0 =	sadd.s32 $0x8F2B, s0  }
0xc4: {  	[sflag:s0] =	ssyncadd.remote.s32 $0x1  }
0xc5: {  	_ =	sfence.sel $0xFFFF  }
0xc6: {  	[dreg:$0x0] =	wrdreg $0xFFFFFFFF;
	(pc) =	sbr.abs _section_cstart, $3  }
0xc7: {  	[dreg:$0x1] =	wrdreg $0xFFFFFFFF  }
0xc8: {  	_ =	task.clear_ibuf [dreg:s9], $0x2FFFF;
	_ =	strace $0x9FFFFFFF  }
0xc9: {  	(tm) =	ssettm $0x7FFFFFFF  }
tec
execute0_lowered:
.L_overlay_start_1:
0x0: {  	(tag) =	ssettag $0x1  }
0x1: {  	s1 =	srdreg.scid;
	s2 =	rddreg [dreg:$0x0]  }
0x2: {  	s0 =	stileid.u32;
	s3 =	rddreg [dreg:$0x1]  }
0x3: {  	s4 =	rddreg [dreg:$0x2];
	s6 =	simm.s32 $0x1;
	s1 =	sshll.u32 s1, $0xA  }
0x4: {  	s9 =	simm.s32 $0x1;
	s5 =	sshll.u32 s0, $0xB;
	s1 =	sand.u32 $0x400, s1  }
0x5: {  	s10 =	simm.s32 $0x3;
	s13 =	simm.s32 $0x0;
	s5 =	sor.u32 s5, s1  }
0x6: {  	s12 =	simm.s32 $0x0;
	s1 =	rddreg [dreg:$0x3];
	s8 =	ssub.s32 $0x10000, s5  }
.Ltmp0:
0x7: {  	_ =	strace $0x80000047;
	s7 =	sand.u32 $0x7C00, s8;
	(pc) =	sbr.rel .LBB2_1-.Ltmp0, $4  }
0x8: {  	[sflag:s6] =	ssyncpa.u1 $0x0;
	s11 =	smov.u32 s5;
	p0 =	sne.s32 s7, $0x0  }
0x9: {  	s8 =	sshrl.u32 s8, $0xF;
	s7 =	simm.s32 $0x2;
	s9 =	simm.s32 @!p0 $0x0  }
0xa: {  	[sflag:s7] =	ssyncpa.u1 $0x0;
	p0 =	por $0x0, $0x0;
	s8 =	sadd.s32 s9, s8  }
0xb: {  	vm0 =	vmmov $0xffff;
	[sflag:s10] =	ssyncpa.u1 $0x0;
	s10 =	simm.s32 $0x0;
	s9 =	sadd.s32 $0x1, s8  }
.LBB2_4:
0xc: {  	v1 =	vsel vm1, $0xFFFFFFFF, v1;
	v2 =	vand.u32 $0x7, v2  }
0xd: {  	v2 =	vsel vm1, $0xFFFFFFFF, v2;
	v3 =	vshll.u32 v1, $0x3  }
0xe: {  	v4 =	vand.u32 $0xFFF80000, v2;
	v3 =	vand.u32 $0xFFFFFC00, v3;
	v2 =	vshll.u32 v2, $0x7  }
0xf: {  	v3 =	vadd.s32 v3, v4;
	v2 =	vand.u32 $0x380, v2  }
0x10: {  	v1 =	vand.u32 $0x7F, v1;
	v2 =	vor.u32 v2, v3  }
0x11: {  	v1 =	vor.u32 v1, v2;
	_ =	sdelay $0x1  }
0x12: {  	(ifvalue) =	ssetifvalue $0x7FFFFFFF;
	s15 =	sadd.s32 $0x10, s15  }
0x13: {  	[tilespmem:s15], [sflag:$0x1] =	stream.indirect_vreg.gather [hbm4b:s2+s10], $0x1, v0, vm0, $0x4038;
	[tilespmem:$0x1000] =	vst v63  }
0x14: {  	(ifvalue) =	ssetifvalue $0x7FFFFFFF;
	s15 =	sadd.s32 $0x10, s15  }
0x15: {  	[tilespmem:s15], [sflag:$0x1] =	stream.indirect_vreg.gather [hbm4b:s2+s10], $0x1, v1, vm0, $0x4038;
	[tilespmem:$0x1000] =	vst v63  }
0x16: {  	_ =	swait.ge [sflag:s6], $0x400  }
0x17: {  	s30 =	sshrl.u32 s13, $0x3;
	[sflag:s6] =	ssyncset.done $0x0  }
0x18: {  	s31 =	sand.u32 $0x7, s13;
	s15 =	sadd.s32 s4, s30;
	[sflag:s6] =	ssyncadd.s32 $0xFFFFFC00  }
0x19: {  	[hbm4b:s15+s31] =	stream.linear.scatter [tilespmem:s14], [sflag:$0x3], $0x400, $0x38;
	[tilespmem:$0x1000] =	vst v63  }
.LBB2_5:
0x1a: {  	s15 =	sadd.s32 $0x8000, s11  }
0x1b: {  	p2 =	sgt.s32 s15, $0xFFFF  }
0x1c: {  	s15 =	smov.u32 @p2 s5;
	p2 =	sne.s32 s12, s9  }
.Ltmp1:
0x1d: {  	p1 =	slt.u32 s12, $0x2;
	(pc) =	sbr.rel @!p2 .LBB2_6-.Ltmp1, $4  }
0x1e: {  	s14 =	simm.s32 @!p1 $0x3  }
0x1f: {  	s16 =	sadd.s32 $0x1, s12;
	_ =	swait.ge @!p1 [sflag:s14], $0x400  }
0x20: {  	s13 =	smov.u32 s11;
	p0 =	por !p0, !p0;
	[sflag:s14] =	ssyncset.done @!p1 $0x0  }
0x21: {  	s12 =	smov.u32 s16;
	s11 =	smov.u32 s15;
	[sflag:s14] =	ssyncadd.s32 @!p1 $0xFFFFFC00  }
.LBB2_1:
0x22: {  	p1 =	sge.u32 s12, s8  }
0x23: {  	s14 =	sxor.u32 @!p1 $0xFFFFFFFF, s12  }
0x24: {  	s31 =	sadd.s32 $0xFFFFFFFF, s12;
	s15 =	sshrl.u32 @!p1 s11, $0x3;
	s14 =	sshll.u32 @!p1 s14, $0xA  }
0x25: {  	s16 =	sand.u32 @!p1 $0x7, s11;
	s15 =	sadd.s32 @!p1 s3, s15;
	s14 =	sand.u32 @!p1 $0x400, s14  }
0x26: {  	[tilespmem:s14], [sflag:$0x2] =	stream.linear.gather @!p1 [hbm4b:s15+s16], $0x400, $0x38;
	[tilespmem:$0x1000] =	vst v63  }
0x27: {  	p1 =	sge.u32 s31, s8  }
.Ltmp2:
0x28: {  	_ = 	snop;
	(pc) =	sbr.rel @p1 .LBB2_5-.Ltmp2, $1  }
0x29: {  	_ =	sdelay $0x3  }
0x2a: {  	s14 =	simm.s32 $0x1  }
0x2b: {  	_ =	swait.ge [sflag:s7], $0x400;
	s14 =	simm.s32 @!p0 $0x0  }
0x2c: {  	[sflag:s7] =	ssyncset.done $0x0;
	s14 =	sshll.u32 s14, $0xA  }
0x2d: {  	[sflag:s7] =	ssyncadd.s32 $0xFFFFFC00;
	(ifvalue) =	ssetifvalue $0x7FFFFFFF;
	v0 =	vld.msk [tilespmem:s14+$0x0 ss:$0x1], $0xffff;
	_ =	sdelay $0x3  }
0x2e: {  	s15 =	sadd.s32 $0x10, s14  }
0x2f: {  	v2 =	vld.msk [tilespmem:s15+$0x0 ss:$0x1], $0xffff;
	vm1 =	veq.s32 v0, $0x80000000;
	v1 =	vand.u32 $0xFFFF, v0;
	v0 =	vshrl.u32 v0, $0x10  }
0x30: {  	v1 =	vsel vm1, $0xFFFFFFFF, v1;
	v0 =	vand.u32 $0x7, v0  }
0x31: {  	v0 =	vsel vm1, $0xFFFFFFFF, v0;
	v3 =	vshll.u32 v1, $0x3  }
0x32: {  	v4 =	vand.u32 $0xFFF80000, v0;
	v3 =	vand.u32 $0xFFFFFC00, v3;
	v0 =	vshll.u32 v0, $0x7  }
0x33: {  	v3 =	vadd.s32 v3, v4;
	v0 =	vand.u32 $0x380, v0  }
0x34: {  	v1 =	vand.u32 $0x7F, v1;
	vm1 =	veq.s32 v2, $0x80000000;
	v0 =	vor.u32 v0, v3  }
0x35: {  	v0 =	vor.u32 v1, v0;
	v1 =	vand.u32 $0xFFFF, v2;
	v2 =	vshrl.u32 v2, $0x10  }
0x36: {  	s17 =	sadd.s32 $0x10, s15;
	v1 =	vsel vm1, $0xFFFFFFFF, v1;
	v2 =	vand.u32 $0x7, v2  }
0x37: {  	v3 =	vld.msk [tilespmem:s17+$0x0 ss:$0x1], $0xffff;
	v2 =	vsel vm1, $0xFFFFFFFF, v2;
	v63 =	vshll.u32 v1, $0x3  }
0x38: {  	v5 =	vand.u32 $0xFFF80000, v2;
	v4 =	vand.u32 $0xFFFFFC00, v63;
	v2 =	vshll.u32 v2, $0x7  }
0x39: {  	s31 =	sshll.u32 s12, $0xA;
	s15 =	sor.u32 $0x800, s14;
	(ifvalue) =	ssetifvalue $0x7FFFFFFF;
	v4 =	vadd.s32 v4, v5;
	v2 =	vand.u32 $0x380, v2  }
0x3a: {  	[tilespmem:s15], [sflag:$0x1] =	stream.indirect_vreg.gather [hbm4b:s2+s10], $0x1, v0, vm0, $0x4038;
	v0 =	vand.u32 $0x7F, v1;
	v1 =	vor.u32 v2, v4;
	[tilespmem:$0x1000] =	vst v63  }
0x3b: {  	s14 =	sand.u32 $0x400, s31;
	v0 =	vor.u32 v0, v1  }
0x3c: {  	s16 =	simm.s32 $0x20;
	s14 =	sor.u32 $0x800, s14;
	s17 =	sadd.s32 $0x10, s17;
	vm1 =	veq.s32 v3, $0x80000000;
	v2 =	vshrl.u32 v3, $0x10;
	v1 =	vand.u32 $0xFFFF, v3  }
.LBB2_3:
0x3d: {  	v3 =	vld.msk [tilespmem:s17+$0x0 ss:$0x1], $0xffff;
	s16 =	sadd.s32 $0x10, s16;
	v1 =	vsel vm1, $0xFFFFFFFF, v1;
	v2 =	vand.u32 $0x7, v2  }
0x3e: {  	p1 =	slt.u32 s16, $0x3F0;
	v2 =	vsel vm1, $0xFFFFFFFF, v2;
	v4 =	vshll.u32 v1, $0x3  }
.Ltmp3:
0x3f: {  	s15 =	sadd.s32 $0x10, s15;
	v5 =	vand.u32 $0xFFF80000, v2;
	v4 =	vand.u32 $0xFFFFFC00, v4;
	v2 =	vshll.u32 v2, $0x7;
	(ifvalue) =	ssetifvalue $0x7FFFFFFF;
	(pc) =	sbr.rel @p1 .LBB2_3-.Ltmp3, $4  }
0x40: {  	v4 =	vadd.s32 v4, v5;
	v2 =	vand.u32 $0x380, v2;
	[tilespmem:s15], [sflag:$0x1] =	stream.indirect_vreg.gather [hbm4b:s2+s10], $0x1, v0, vm0, $0x4038;
	[tilespmem:$0x1000] =	vst v63  }
0x41: {  	v0 =	vand.u32 $0x7F, v1;
	v1 =	vor.u32 v2, v4  }
0x42: {  	v0 =	vor.u32 v0, v1  }
0x43: {  	s17 =	sadd.s32 $0x10, s17;
	vm1 =	veq.s32 v3, $0x80000000;
	v1 =	vand.u32 $0xFFFF, v3;
	v2 =	vshrl.u32 v3, $0x10  }
.Ltmp4:
0x44: {  	_ = 	snop;
	(pc) =	sbr.rel .LBB2_4-.Ltmp4, $1  }
0x45: {  	_ =	sdelay $0x3  }
.LBB2_6:
0x46: {  	_ =	sfence.sel $0x180000  }
0x47: {  	s2 =	simm.s32 $0x2;
	[bflag:$0x0] =	sbarrier.arrive $0xFFFF  }
0x48: {  	s30 =	simm.s32 $0x3;
	[sflag:s2] =	ssyncpa.u1 $0x1  }
0x49: {  	s31 =	simm.s32 $0x1;
	[sflag:s30] =	ssyncpa.u1 $0x1  }
0x4a: {  	[sflag:s31] =	ssyncpa.u1 $0x1  }
0x4b: {  	p0 =	sne.s32 s0, $0x0;
	_ =	strace $0x90000047  }
0x4c: {  	s0 =	sadd.s32 @!p0 $0x100000, s1;
	[bflag:$0x2] =	sbarrier.arrive $0xFFFF  }
0x4d: {  	[sflag:s0] =	ssyncadd.tile.s32 @!p0 $0x1;
	_ =	shalt  }
.Lfunc_end2:
_tile_overlayer_lowered:
.L_overlay_start_2:
0x4e: {  	(tag) =	ssettag $0x2  }
0x4f: {  	s0 =	rddreg [dreg:$0x0];
	s2 =	stileid.u32  }
0x50: {  	s1 =	rddreg [dreg:$0x1];
	p0 =	sne.s32 s2, $0x0  }
0x51: {  	s3 =	rddreg [dreg:$0x2];
	[bflag:$0x3] =	sbarrier.arrive $0xFFFF;
	s2 =	simm.s32 @!p0 $0x1C01  }
0x52: {  	[timem:s3], [sflag:s2] =	dma.local @!p0 [hbm:s0], s1  }
0x53: {  	s0 =	simm.s32 @!p0 $0x1  }
0x54: {  	_ =	swait.ge @!p0 [sflag:s0], s1  }
0x55: {  	s1 =	ssub.s32 @!p0 $0x0, s1;
	[sflag:s0] =	ssyncset.done @!p0 $0x0  }
0x56: {  	[sflag:s0] =	ssyncadd.s32 @!p0 s1  }
0x57: {  	[bflag:$0x3] =	sbarrier.arrive $0xFFFF  }
0x58: {  	_ =	shalt  }

// kernel: kernel.5.cloned.1.call-start
scs
__scs_entry_jumppad:
0x0: {  	(pc) =	sbr.rel $0x88, $3  }
0x1: {  	(tag) =	ssettag $0x0;
	lr =	simm.s32 $0x1  }
0x2: {  	[smem:$0x3F93] =	sst lr;
	_ =	strace $0xD0000000  }
0x3: {  	_ = 	snop  }
0x4: {  	_ = 	snop  }
0x5: {  	_ = 	snop  }
0x6: {  	_ = 	snop  }
0x7: {  	_ = 	snop  }
__scs_overlays_trampoline_lowered:
0x8: {  	[smem:$0x3FA2] =	sst s0  }
0x9: {  	[smem:$0x3FA3] =	sst s1  }
0xa: {  	[smem:$0x3FA4] =	sst s2  }
0xb: {  	[smem:$0x3FA5] =	sst s3  }
0xc: {  	[smem:$0x3FA6] =	sst s4  }
0xd: {  	[smem:$0x3FA7] =	sst s5  }
0xe: {  	[smem:$0x3FA8] =	sst s6  }
0xf: {  	[smem:$0x3FA9] =	sst s7  }
0x10: {  	[smem:$0x3FAA] =	sst s8  }
0x11: {  	[smem:$0x3FAB] =	sst s9;
	s0 =	simm.s32 @!p0 $0x0  }
0x12: {  	s1 =	sld [smem:$0x3F91];
	s0 =	simm.s32 @p0 $0x1  }
0x13: {  	[smem:$0x3FAC] =	sst s0;
	s0 =	simm.s32 @!p1 $0x0  }
0x14: {  	s2 =	sld [smem:$0x3F90];
	s0 =	simm.s32 @p1 $0x1  }
0x15: {  	[smem:$0x3FAD] =	sst s0;
	s0 =	simm.s32 @!p2 $0x0  }
0x16: {  	s3 =	sld [smem:$0x3FDB];
	s0 =	simm.s32 @p2 $0x1  }
0x17: {  	s4 =	simm.s32 $0x1BF5;
	[smem:$0x3FAF] =	sst s0  }
0x18: {  	s0 =	sld [smem:$0x3F92];
	_ =	swait.ge [sflag:s4], $0x0  }
0x19: {  	s7 =	sld [smem:$0x3F93]  }
0x1a: {  	s8 =	sadd.s32 $0xFFFFE003, lr  }
0x1b: {  	s9 =	sadd.s32 $0xFFFFFEF7, lr;
	s5 =	simm.s32 $0xFFFFFFFF;
	p2 =	slt.u32 s8, $0xFFFFF086  }
0x1c: {  	p1 =	slt.u32 s9, $0xF7A;
	s5 =	simm.s32 @!p2 $0x0  }
0x1d: {  	s5 =	simm.s32 @p1 $0x1;
	p0 =	seq.s32 s7, s2  }
0x1e: {  	s7 =	smul.u32 @!p0 $0xF7A, s2;
	p2 =	seq.s32 @!p0 s5, $0x0  }
0x1f: {  	s9 =	smul.u32 $0xF7A, s1;
	s8 =	simm.s32 @!p0 $0x1BF5;
	p2 =	por !p2, p0  }
0x20: {  	[sflag:s8] =	ssyncset.s32 @!p0 $0xFFFFF086;
	s6 =	sadd.s32 @!p0 s3, s7;
	s7 =	simm.s32 @!p0 $0x108  }
0x21: {  	s3 =	sadd.s32 s3, s9;
	s6 =	sadd.s32 @!p0 $0x88, s6;
	s7 =	simm.s32 @p2 $0x1082  }
0x22: {  	[simem:s7], [sflag:s8] =	dma.local @!p0 [hbm:s6], $0xF7A  }
0x23: {  	s9 =	sor.u32 $0xD0000000, s2;
	s6 =	simm.s32 $0x108;
	_ =	swait.ge @!p0 [sflag:s8], $0x0  }
0x24: {  	s3 =	sadd.s32 $0x88, s3;
	s6 =	simm.s32 @!p1 $0x1082;
	[sflag:s4] =	ssyncset.s32 $0xFFFFF086  }
0x25: {  	[simem:s6], [sflag:s4] =	dma.local [hbm:s3], $0xF7A  }
0x26: {  	[smem:$0x3F93] =	sst s1;
	(tag) =	ssettag s2;
	_ =	strace s9  }
0x27: {  	s1 =	sld [smem:$0x3FA3]  }
0x28: {  	s2 =	sld [smem:$0x3FA4]  }
0x29: {  	s4 =	sld [smem:$0x3FA6]  }
0x2a: {  	p0 =	seq.s32 s5, $0x0;
	s5 =	sld [smem:$0x3FA7]  }
0x2b: {  	s6 =	sld [smem:$0x3FA8]  }
0x2c: {  	s7 =	sld [smem:$0x3FA9]  }
0x2d: {  	s3 =	simm.s32 $0x108;
	s8 =	sld [smem:$0x3FAA]  }
0x2e: {  	s3 =	simm.s32 @!p0 $0x1082;
	s9 =	sld [smem:$0x3FAB]  }
0x2f: {  	lr =	sadd.s32 s0, s3;
	s0 =	sld [smem:$0x3FA2]  }
0x30: {  	s3 =	sld [smem:$0x3FA5]  }
0x31: {  	[smem:$0x3FAE] =	sst s10  }
0x32: {  	s10 =	sld [smem:$0x3FAC];
	_ =	sdelay $0x3  }
0x33: {  	p0 =	seq.s32 s10, $0x1;
	s10 =	sld [smem:$0x3FAE];
	_ =	sdelay $0x3  }
0x34: {  	[smem:$0x3FAE] =	sst s10  }
0x35: {  	s10 =	sld [smem:$0x3FAD];
	_ =	sdelay $0x3  }
0x36: {  	p1 =	seq.s32 s10, $0x1;
	s10 =	sld [smem:$0x3FAE];
	_ =	sdelay $0x3  }
0x37: {  	[smem:$0x3FAE] =	sst s10  }
0x38: {  	s10 =	sld [smem:$0x3FAF]  }
0x39: {  	_ = 	snop;
	(pc) =	sbr.ind lr, $3  }
0x3a: {  	_ = 	snop  }
0x3b: {  	_ = 	snop  }
0x3c: {  	p2 =	seq.s32 s10, $0x1;
	s10 =	sld [smem:$0x3FAE]  }
0x3d: {  	_ =	shalt  }
0x3e: {  	_ =	shalt  }
0x3f: {  	_ =	shalt  }
0x40: {  	_ =	shalt  }
0x41: {  	_ =	shalt  }
0x42: {  	_ =	shalt  }
0x43: {  	_ =	shalt  }
0x44: {  	_ =	shalt  }
0x45: {  	_ =	shalt  }
0x46: {  	_ =	shalt  }
0x47: {  	_ =	shalt  }
0x48: {  	_ =	shalt  }
0x49: {  	_ =	shalt  }
0x4a: {  	_ =	shalt  }
0x4b: {  	_ =	shalt  }
0x4c: {  	_ =	shalt  }
0x4d: {  	_ =	shalt  }
0x4e: {  	_ =	shalt  }
0x4f: {  	_ =	shalt  }
0x50: {  	_ =	shalt  }
0x51: {  	_ =	shalt  }
0x52: {  	_ =	shalt  }
0x53: {  	_ =	shalt  }
0x54: {  	_ =	shalt  }
0x55: {  	_ =	shalt  }
0x56: {  	_ =	shalt  }
0x57: {  	_ =	shalt  }
0x58: {  	_ =	shalt  }
0x59: {  	_ =	shalt  }
0x5a: {  	_ =	shalt  }
0x5b: {  	_ =	shalt  }
0x5c: {  	_ =	shalt  }
0x5d: {  	_ =	shalt  }
0x5e: {  	_ =	shalt  }
0x5f: {  	_ =	shalt  }
0x60: {  	_ =	shalt  }
0x61: {  	_ =	shalt  }
0x62: {  	_ =	shalt  }
0x63: {  	_ =	shalt  }
0x64: {  	_ =	shalt  }
0x65: {  	_ =	shalt  }
0x66: {  	_ =	shalt  }
0x67: {  	_ =	shalt  }
0x68: {  	_ =	shalt  }
0x69: {  	_ =	shalt  }
0x6a: {  	_ =	shalt  }
0x6b: {  	_ =	shalt  }
0x6c: {  	_ =	shalt  }
0x6d: {  	_ =	shalt  }
0x6e: {  	_ =	shalt  }
0x6f: {  	_ =	shalt  }
0x70: {  	_ =	shalt  }
0x71: {  	_ =	shalt  }
0x72: {  	_ =	shalt  }
0x73: {  	_ =	shalt  }
0x74: {  	_ =	shalt  }
0x75: {  	_ =	shalt  }
0x76: {  	_ =	shalt  }
0x77: {  	_ =	shalt  }
0x78: {  	_ =	shalt  }
0x79: {  	_ =	shalt  }
0x7a: {  	_ =	shalt  }
0x7b: {  	_ =	shalt  }
0x7c: {  	_ =	shalt  }
0x7d: {  	_ =	shalt  }
0x7e: {  	_ =	shalt  }
0x7f: {  	_ =	shalt  }
0x80: {  	_ =	shalt  }
0x81: {  	_ =	shalt  }
0x82: {  	_ =	shalt  }
0x83: {  	_ =	shalt  }
0x84: {  	_ =	shalt  }
0x85: {  	_ =	shalt  }
0x86: {  	_ =	shalt  }
0x87: {  	_ =	shalt  }
.Lfunc_end0:
.L_simem_size_0:
called_computation.1_lowered:
.L_overlay_start_0:
0x88: {  	s2 =	sld [smem:$0x3FD9]  }
0x89: {  	s3 =	sld [smem:$0x3FFE];
	_ =	sdelay $0x1  }
0x8a: {  	s1 =	srdreg.scid  }
0x8b: {  	s0 =	sand.u32 $0x1, s1  }
0x8c: {  	s14 =	sshll.u32 s0, $0xA;
	s2 =	sadd.s32 s3, s2  }
0x8d: {  	s2 =	sadd.s32 s2, s14  }
0x8e: {  	[smem:$0x3FBA] =	sst s2  }
0x8f: {  	_ = 	snop  }
0x90: {  	s2 =	sld [smem:$0x3FD0];
	_ =	sdelay $0x2  }
0x91: {  	s15 =	simm.s32 $0xA;
	s4 =	simm.s32 $0x10  }
0x92: {  	[smem:s4], [sflag:s15] =	dma.local [hbm:s2], $0x1  }
0x93: {  	_ =	swait.eq [sflag:s15], $0x1  }
0x94: {  	[sflag:s15] =	ssyncset.done $0x0  }
0x95: {  	[sflag:s15] =	ssyncadd.s32 $0xFFFFFFFF  }
0x96: {  	s16 =	sld [smem:$0x13];
	(tm) =	ssettm $0x1  }
0x97: {  	s17 =	sld [smem:$0x3FFB];
	_ =	sdelay $0x3  }
0x98: {  	_ =	strace s17  }
0x99: {  	s3 =	sld [smem:$0x3FFC];
	_ =	sdelay $0x3  }
0x9a: {  	_ =	strace s3  }
0x9b: {  	s3 =	sld [smem:$0x3FFD];
	_ =	sdelay $0x3  }
0x9c: {  	_ =	strace s3  }
0x9d: {  	_ =	strace $0x8FFFFFFF  }
0x9e: {  	s18 =	sld [smem:$0x3FDB];
	_ =	sdelay $0x1  }
0x9f: {  	s19 =	simm.s32 $_scs_section_size  }
0xa0: {  	s5 =	simm.s32 $_size__tile_overlayer_lowered;
	s6 =	simm.s32 $_tile_overlayer_lowered  }
0xa1: {  	s22 =	simm.s32 $0x1BFF;
	s21 =	sshll.u32 s6, $0x1;
	s3 =	sadd.s32 s19, s18  }
0xa2: {  	s7 =	simm.s32 $0x0;
	s20 =	sshll.u32 s5, $0x1;
	s5 =	sadd.s32 s21, s3  }
0xa3: {  	[timem:s7], [sflag:s22] =	dma.local [hbm:s5], s20  }
0xa4: {  	_ =	swait.ge [sflag:s22], s20  }
0xa5: {  	s4 =	ssub.s32 $0x0, s20;
	[sflag:s22] =	ssyncset.done $0x0  }
0xa6: {  	[sflag:s22] =	ssyncadd.s32 s4;
	_ =	sdelay $0x1  }
0xa7: {  	s23 =	simm.s32 $0x1B8B  }
0xa8: {  	_ =	swait.ge [sflag:s23], $0x1  }
0xa9: {  	[sflag:s23] =	ssyncset.done $0x0  }
0xaa: {  	s25 =	simm.s32 $0x1B8E;
	s24 =	sld [smem:$0x3FFE];
	[sflag:s23] =	ssyncadd.s32 $0xFFFFFFFF  }
0xab: {  	s26 =	simm.s32 $execute0_lowered;
	[smem:$0x3FD2] =	sst s25  }
0xac: {  	s5 =	sshll.u32 s26, $0x1;
	_ =	strace $0x80000049;
	[dreg:$0x1] =	wrdreg $0xFFFFFFFF  }
0xad: {  	s28 =	simm.s32 $_size_execute0_lowered;
	s3 =	sadd.s32 s3, s5;
	[dreg:$0x0] =	wrdreg $0x0  }
0xae: {  	s5 =	sshll.u32 s28, $0x1;
	[dreg:$0x2] =	wrdreg s3  }
0xaf: {  	[dreg:$0x3] =	wrdreg s5  }
0xb0: {  	[dreg:$0x4] =	wrdreg $0xC0  }
0xb1: {  	_ =	task [dreg:s7], $0x5FFFF  }
0xb2: {  	[dreg:$0x1] =	wrdreg $0xFFFFFFFF  }
0xb3: {  	[dreg:$0x0] =	wrdreg $0x60  }
0xb4: {  	[dreg:$0x2] =	wrdreg s24  }
0xb5: {  	[dreg:$0x3] =	wrdreg s16  }
0xb6: {  	[dreg:$0x4] =	wrdreg $0x9  }
0xb7: {  	_ =	task.clear_ibuf [dreg:s7], $0x5FFFF;
	_ =	strace $0x90000049  }
0xb8: {  	s29 =	simm.s32 $0x9;
	_ =	strace $0x8000004B  }
0xb9: {  	_ =	swait.ge [sflag:s29], $0x1  }
0xba: {  	[sflag:s29] =	ssyncadd.s32 $0xFFFFFFFF  }
0xbb: {  	_ =	strace $0x9000004B  }
0xbc: {  	_ =	sfence  }
0xbd: {  	s30 =	sld [smem:$0x0];
	_ =	sdelay $0x2  }
0xbe: {  	s31 =	sshll.u32 s1, $0xD;
	s1 =	sshrl.u32 s1, $0x2  }
0xbf: {  	s3 =	sand.u32 $0x4000, s31;
	s1 =	sadd.s32 s1, s30  }
0xc0: {  	s0 =	sor.u32 s3, s0;
	s1 =	sshll.u32 s1, $0x11  }
0xc1: {  	s0 =	sor.u32 s1, s0  }
0xc2: {  	s0 =	sadd.s32 $0x8F2B, s0  }
0xc3: {  	[sflag:s0] =	ssyncadd.remote.s32 $0x1  }
0xc4: {  	_ =	sfence.sel $0xFFFF  }
0xc5: {  	[dreg:$0x0] =	wrdreg $0xFFFFFFFF;
	(pc) =	sbr.abs _section_cstart, $3  }
0xc6: {  	[dreg:$0x1] =	wrdreg $0xFFFFFFFF  }
0xc7: {  	_ =	task.clear_ibuf [dreg:s7], $0x2FFFF;
	_ =	strace $0x9FFFFFFF  }
0xc8: {  	(tm) =	ssettm $0x7FFFFFFF  }
0xc9: {  	_ =	shalt  }
tec
execute0_lowered:
.L_overlay_start_1:
0x0: {  	(tag) =	ssettag $0x1  }
0x1: {  	s1 =	srdreg.scid;
	s0 =	stileid.u32  }
0x2: {  	s7 =	rddreg [dreg:$0x0];
	s21 =	sand.u32 $0x1, s1;
	s3 =	sshll.u32 s0, $0x1  }
0x3: {  	s6 =	rddreg [dreg:$0x1];
	s8 =	sor.u32 s21, s3  }
0x4: {  	s2 =	simm.s32 $0x0;
	s4 =	simm.s32 $0x200;
	s3 =	sshll.u32 s8, $0xF  }
0x5: {  	s5 =	simm.s32 $0x2;
	[smem:$0x7FF] =	sst s2;
	s19 =	sadd.s32 s3, s7  }
0x6: {  	s1 =	rddreg [dreg:$0x2];
	_ =	strace $0x8000004A;
	s3 =	sadd.s32 $0xA03800, s19  }
0x7: {  	[tilespmem:s4], [sflag:$0x2] =	stream.linear.gather [hbm4b:s3+s2], $0x10000, $0x38;
	[tilespmem:$0x10200] =	vst v63  }
0x8: {  	_ =	swait.ge [sflag:s5], $0x10000  }
0x9: {  	s8 =	sshll.u32 s8, $0x8;
	[sflag:s5] =	ssyncset.done $0x0  }
0xa: {  	s6 =	sadd.s32 s6, s8;
	[sflag:s5] =	ssyncadd.s32 $0xFFFF0000  }
0xb: {  	[tilespmem:s2], [sflag:$0x2] =	stream.linear.gather [hbm4b:s6+s2], $0x200, $0x38;
	[tilespmem:$0x10200] =	vst v63  }
0xc: {  	_ =	swait.ge [sflag:s5], $0x200  }
0xd: {  	[sflag:s5] =	ssyncset.done $0x0  }
0xe: {  	s7 =	sadd.s32 $0x103000, s7;
	s8 =	simm.s32 $0x80;
	[sflag:s5] =	ssyncadd.s32 $0xFFFFFE00  }
0xf: {  	[hbm4b:s7+s8] =	stream.indirect.scatter [tilespmem:s4], [sflag:$0x1], $0x80, s2, s8, $0xb8;
	[tilespmem:$0x10200] =	vst v63  }
0x10: {  	s9 =	simm.s32 $0x4200  }
0x11: {  	[hbm4b:s7+s8] =	stream.indirect.scatter [tilespmem:s9], [sflag:$0x1], $0x80, s8, s8, $0xb8;
	[tilespmem:$0x10200] =	vst v63  }
0x12: {  	s10 =	simm.s32 $0x100;
	s11 =	simm.s32 $0x8200  }
0x13: {  	[hbm4b:s7+s8] =	stream.indirect.scatter [tilespmem:s11], [sflag:$0x1], $0x80, s10, s8, $0xb8;
	[tilespmem:$0x10200] =	vst v63  }
0x14: {  	s12 =	simm.s32 $0x180;
	s14 =	simm.s32 $0xC200;
	s13 =	simm.s32 $0x1  }
0x15: {  	[hbm4b:s7+s8] =	stream.indirect.scatter [tilespmem:s14], [sflag:$0x1], $0x80, s12, s8, $0xb8;
	[tilespmem:$0x10200] =	vst v63  }
0x16: {  	_ =	swait.ge [sflag:s13], $0x4000  }
0x17: {  	[sflag:s13] =	ssyncset.done $0x0  }
0x18: {  	[sflag:s13] =	ssyncadd.s32 $0xFFFFC000  }
0x19: {  	_ =	swait.ge [sflag:s13], $0x4000  }
0x1a: {  	[sflag:s13] =	ssyncset.done $0x0  }
0x1b: {  	[sflag:s13] =	ssyncadd.s32 $0xFFFFC000  }
0x1c: {  	_ =	swait.ge [sflag:s13], $0x4000  }
0x1d: {  	[sflag:s13] =	ssyncset.done $0x0  }
0x1e: {  	[sflag:s13] =	ssyncadd.s32 $0xFFFFC000  }
0x1f: {  	_ =	swait.ge [sflag:s13], $0x4000  }
0x20: {  	[sflag:s13] =	ssyncset.done $0x0  }
0x21: {  	s15 =	sadd.s32 $0xA05800, s19;
	[sflag:s13] =	ssyncadd.s32 $0xFFFFC000  }
0x22: {  	[tilespmem:s4], [sflag:$0x2] =	stream.linear.gather [hbm4b:s15+s2], $0x10000, $0x38;
	[tilespmem:$0x10200] =	vst v63  }
0x23: {  	_ =	swait.ge [sflag:s5], $0x10000  }
0x24: {  	[sflag:s5] =	ssyncset.done $0x0  }
0x25: {  	s16 =	sadd.s32 $0x40, s6;
	[sflag:s5] =	ssyncadd.s32 $0xFFFF0000  }
0x26: {  	[tilespmem:s2], [sflag:$0x2] =	stream.linear.gather [hbm4b:s16+s2], $0x200, $0x38;
	[tilespmem:$0x10200] =	vst v63  }
0x27: {  	_ =	swait.ge [sflag:s5], $0x200  }
0x28: {  	[sflag:s5] =	ssyncset.done $0x0  }
0x29: {  	[sflag:s5] =	ssyncadd.s32 $0xFFFFFE00  }
0x2a: {  	[hbm4b:s7+s8] =	stream.indirect.scatter [tilespmem:s4], [sflag:$0x1], $0x80, s2, s8, $0xb8;
	[tilespmem:$0x10200] =	vst v63  }
0x2b: {  	_ = 	snop  }
0x2c: {  	[hbm4b:s7+s8] =	stream.indirect.scatter [tilespmem:s9], [sflag:$0x1], $0x80, s8, s8, $0xb8;
	[tilespmem:$0x10200] =	vst v63  }
0x2d: {  	_ = 	snop  }
0x2e: {  	[hbm4b:s7+s8] =	stream.indirect.scatter [tilespmem:s11], [sflag:$0x1], $0x80, s10, s8, $0xb8;
	[tilespmem:$0x10200] =	vst v63  }
0x2f: {  	_ = 	snop  }
0x30: {  	[hbm4b:s7+s8] =	stream.indirect.scatter [tilespmem:s14], [sflag:$0x1], $0x80, s12, s8, $0xb8;
	[tilespmem:$0x10200] =	vst v63  }
0x31: {  	_ =	swait.ge [sflag:s13], $0x4000  }
0x32: {  	[sflag:s13] =	ssyncset.done $0x0  }
0x33: {  	[sflag:s13] =	ssyncadd.s32 $0xFFFFC000  }
0x34: {  	_ =	swait.ge [sflag:s13], $0x4000  }
0x35: {  	[sflag:s13] =	ssyncset.done $0x0  }
0x36: {  	[sflag:s13] =	ssyncadd.s32 $0xFFFFC000  }
0x37: {  	_ =	swait.ge [sflag:s13], $0x4000  }
0x38: {  	[sflag:s13] =	ssyncset.done $0x0  }
0x39: {  	[sflag:s13] =	ssyncadd.s32 $0xFFFFC000  }
0x3a: {  	_ =	swait.ge [sflag:s13], $0x4000  }
0x3b: {  	[sflag:s13] =	ssyncset.done $0x0  }
0x3c: {  	s17 =	sadd.s32 $0xA07800, s19;
	[sflag:s13] =	ssyncadd.s32 $0xFFFFC000  }
0x3d: {  	[tilespmem:s4], [sflag:$0x2] =	stream.linear.gather [hbm4b:s17+s2], $0x10000, $0x38;
	[tilespmem:$0x10200] =	vst v63  }
0x3e: {  	_ =	swait.ge [sflag:s5], $0x10000  }
0x3f: {  	[sflag:s5] =	ssyncset.done $0x0  }
0x40: {  	s18 =	sadd.s32 $0x80, s6;
	[sflag:s5] =	ssyncadd.s32 $0xFFFF0000  }
0x41: {  	[tilespmem:s2], [sflag:$0x2] =	stream.linear.gather [hbm4b:s18+s2], $0x200, $0x38;
	[tilespmem:$0x10200] =	vst v63  }
0x42: {  	_ =	swait.ge [sflag:s5], $0x200  }
0x43: {  	[sflag:s5] =	ssyncset.done $0x0  }
0x44: {  	[sflag:s5] =	ssyncadd.s32 $0xFFFFFE00  }
0x45: {  	[hbm4b:s7+s8] =	stream.indirect.scatter [tilespmem:s4], [sflag:$0x1], $0x80, s2, s8, $0xb8;
	[tilespmem:$0x10200] =	vst v63  }
0x46: {  	_ = 	snop  }
0x47: {  	[hbm4b:s7+s8] =	stream.indirect.scatter [tilespmem:s9], [sflag:$0x1], $0x80, s8, s8, $0xb8;
	[tilespmem:$0x10200] =	vst v63  }
0x48: {  	_ = 	snop  }
0x49: {  	[hbm4b:s7+s8] =	stream.indirect.scatter [tilespmem:s11], [sflag:$0x1], $0x80, s10, s8, $0xb8;
	[tilespmem:$0x10200] =	vst v63  }
0x4a: {  	_ = 	snop  }
0x4b: {  	[hbm4b:s7+s8] =	stream.indirect.scatter [tilespmem:s14], [sflag:$0x1], $0x80, s12, s8, $0xb8;
	[tilespmem:$0x10200] =	vst v63  }
0x4c: {  	_ =	swait.ge [sflag:s13], $0x4000  }
0x4d: {  	[sflag:s13] =	ssyncset.done $0x0  }
0x4e: {  	[sflag:s13] =	ssyncadd.s32 $0xFFFFC000  }
0x4f: {  	_ =	swait.ge [sflag:s13], $0x4000  }
0x50: {  	[sflag:s13] =	ssyncset.done $0x0  }
0x51: {  	[sflag:s13] =	ssyncadd.s32 $0xFFFFC000  }
0x52: {  	_ =	swait.ge [sflag:s13], $0x4000  }
0x53: {  	[sflag:s13] =	ssyncset.done $0x0  }
0x54: {  	[sflag:s13] =	ssyncadd.s32 $0xFFFFC000  }
0x55: {  	_ =	swait.ge [sflag:s13], $0x4000  }
0x56: {  	[sflag:s13] =	ssyncset.done $0x0  }
0x57: {  	s19 =	sadd.s32 $0xA09800, s19;
	[sflag:s13] =	ssyncadd.s32 $0xFFFFC000  }
0x58: {  	[tilespmem:s4], [sflag:$0x2] =	stream.linear.gather [hbm4b:s19+s2], $0x10000, $0x38;
	[tilespmem:$0x10200] =	vst v63  }
0x59: {  	_ =	swait.ge [sflag:s5], $0x10000  }
0x5a: {  	[sflag:s5] =	ssyncset.done $0x0  }
0x5b: {  	s20 =	sadd.s32 $0xC0, s6;
	[sflag:s5] =	ssyncadd.s32 $0xFFFF0000  }
0x5c: {  	[tilespmem:s2], [sflag:$0x2] =	stream.linear.gather [hbm4b:s20+s2], $0x200, $0x38;
	[tilespmem:$0x10200] =	vst v63  }
0x5d: {  	_ =	swait.ge [sflag:s5], $0x200  }
0x5e: {  	[sflag:s5] =	ssyncset.done $0x0  }
0x5f: {  	[sflag:s5] =	ssyncadd.s32 $0xFFFFFE00  }
0x60: {  	[hbm4b:s7+s8] =	stream.indirect.scatter [tilespmem:s4], [sflag:$0x1], $0x80, s2, s8, $0xb8;
	[tilespmem:$0x10200] =	vst v63  }
0x61: {  	_ = 	snop  }
0x62: {  	[hbm4b:s7+s8] =	stream.indirect.scatter [tilespmem:s9], [sflag:$0x1], $0x80, s8, s8, $0xb8;
	[tilespmem:$0x10200] =	vst v63  }
0x63: {  	_ = 	snop  }
0x64: {  	[hbm4b:s7+s8] =	stream.indirect.scatter [tilespmem:s11], [sflag:$0x1], $0x80, s10, s8, $0xb8;
	[tilespmem:$0x10200] =	vst v63  }
0x65: {  	_ = 	snop  }
0x66: {  	[hbm4b:s7+s8] =	stream.indirect.scatter [tilespmem:s14], [sflag:$0x1], $0x80, s12, s8, $0xb8;
	[tilespmem:$0x10200] =	vst v63  }
0x67: {  	_ =	swait.ge [sflag:s13], $0x4000  }
0x68: {  	s21 =	ssub.s32 $0x2, s21;
	[sflag:s13] =	ssyncset.done $0x0  }
0x69: {  	s22 =	sshrl.u32 s21, $0x1;
	[sflag:s13] =	ssyncadd.s32 $0xFFFFC000  }
0x6a: {  	s21 =	ssub.s32 s21, s22;
	_ =	swait.ge [sflag:s13], $0x4000  }
0x6b: {  	s21 =	smax.u32 s21, $0x1;
	[sflag:s13] =	ssyncset.done $0x0  }
0x6c: {  	p0 =	sne.s32 s21, $0x1;
	[sflag:s13] =	ssyncadd.s32 $0xFFFFC000  }
.Ltmp0:
0x6d: {  	_ =	swait.ge [sflag:s13], $0x4000;
	(pc) =	sbr.rel @!p0 .LBB2_2-.Ltmp0, $4  }
0x6e: {  	[sflag:s13] =	ssyncset.done $0x0  }
0x6f: {  	[sflag:s13] =	ssyncadd.s32 $0xFFFFC000  }
0x70: {  	_ =	swait.ge [sflag:s13], $0x4000  }
0x71: {  	s21 =	sadd.s32 $0xFFFFFFFF, s21;
	[sflag:s13] =	ssyncset.done $0x0  }
.LBB2_1:
0x72: {  	p0 =	sne.s32 s21, $0x1;
	s21 =	sadd.s32 $0xFFFFFFFF, s21;
	[sflag:s13] =	ssyncadd.s32 $0xFFFFC000  }
0x73: {  	[tilespmem:s4], [sflag:$0x2] =	stream.linear.gather [hbm4b:s3+s2], $0x10000, $0x38;
	[tilespmem:$0x10200] =	vst v63  }
0x74: {  	_ =	swait.ge [sflag:s5], $0x10000  }
0x75: {  	[sflag:s5] =	ssyncset.done $0x0  }
0x76: {  	[sflag:s5] =	ssyncadd.s32 $0xFFFF0000  }
0x77: {  	[tilespmem:s2], [sflag:$0x2] =	stream.linear.gather [hbm4b:s6+s2], $0x200, $0x38;
	[tilespmem:$0x10200] =	vst v63  }
0x78: {  	_ =	swait.ge [sflag:s5], $0x200  }
0x79: {  	[sflag:s5] =	ssyncset.done $0x0  }
0x7a: {  	[sflag:s5] =	ssyncadd.s32 $0xFFFFFE00  }
0x7b: {  	[hbm4b:s7+s8] =	stream.indirect.scatter [tilespmem:s4], [sflag:$0x1], $0x80, s2, s8, $0xb8;
	[tilespmem:$0x10200] =	vst v63  }
0x7c: {  	_ = 	snop  }
0x7d: {  	[hbm4b:s7+s8] =	stream.indirect.scatter [tilespmem:s9], [sflag:$0x1], $0x80, s8, s8, $0xb8;
	[tilespmem:$0x10200] =	vst v63  }
0x7e: {  	_ = 	snop  }
0x7f: {  	[hbm4b:s7+s8] =	stream.indirect.scatter [tilespmem:s11], [sflag:$0x1], $0x80, s10, s8, $0xb8;
	[tilespmem:$0x10200] =	vst v63  }
0x80: {  	_ = 	snop  }
0x81: {  	[hbm4b:s7+s8] =	stream.indirect.scatter [tilespmem:s14], [sflag:$0x1], $0x80, s12, s8, $0xb8;
	[tilespmem:$0x10200] =	vst v63  }
0x82: {  	_ =	swait.ge [sflag:s13], $0x4000  }
0x83: {  	[sflag:s13] =	ssyncset.done $0x0  }
0x84: {  	[sflag:s13] =	ssyncadd.s32 $0xFFFFC000  }
0x85: {  	_ =	swait.ge [sflag:s13], $0x4000  }
0x86: {  	[sflag:s13] =	ssyncset.done $0x0  }
0x87: {  	[sflag:s13] =	ssyncadd.s32 $0xFFFFC000  }
0x88: {  	_ =	swait.ge [sflag:s13], $0x4000  }
0x89: {  	[sflag:s13] =	ssyncset.done $0x0  }
0x8a: {  	[sflag:s13] =	ssyncadd.s32 $0xFFFFC000  }
0x8b: {  	_ =	swait.ge [sflag:s13], $0x4000  }
0x8c: {  	[sflag:s13] =	ssyncset.done $0x0  }
0x8d: {  	[sflag:s13] =	ssyncadd.s32 $0xFFFFC000  }
0x8e: {  	[tilespmem:s4], [sflag:$0x2] =	stream.linear.gather [hbm4b:s15+s2], $0x10000, $0x38;
	[tilespmem:$0x10200] =	vst v63  }
0x8f: {  	_ =	swait.ge [sflag:s5], $0x10000  }
0x90: {  	[sflag:s5] =	ssyncset.done $0x0  }
0x91: {  	[sflag:s5] =	ssyncadd.s32 $0xFFFF0000  }
0x92: {  	[tilespmem:s2], [sflag:$0x2] =	stream.linear.gather [hbm4b:s16+s2], $0x200, $0x38;
	[tilespmem:$0x10200] =	vst v63  }
0x93: {  	_ =	swait.ge [sflag:s5], $0x200  }
0x94: {  	[sflag:s5] =	ssyncset.done $0x0  }
0x95: {  	[sflag:s5] =	ssyncadd.s32 $0xFFFFFE00  }
0x96: {  	[hbm4b:s7+s8] =	stream.indirect.scatter [tilespmem:s4], [sflag:$0x1], $0x80, s2, s8, $0xb8;
	[tilespmem:$0x10200] =	vst v63  }
0x97: {  	_ = 	snop  }
0x98: {  	[hbm4b:s7+s8] =	stream.indirect.scatter [tilespmem:s9], [sflag:$0x1], $0x80, s8, s8, $0xb8;
	[tilespmem:$0x10200] =	vst v63  }
0x99: {  	_ = 	snop  }
0x9a: {  	[hbm4b:s7+s8] =	stream.indirect.scatter [tilespmem:s11], [sflag:$0x1], $0x80, s10, s8, $0xb8;
	[tilespmem:$0x10200] =	vst v63  }
0x9b: {  	_ = 	snop  }
0x9c: {  	[hbm4b:s7+s8] =	stream.indirect.scatter [tilespmem:s14], [sflag:$0x1], $0x80, s12, s8, $0xb8;
	[tilespmem:$0x10200] =	vst v63  }
0x9d: {  	_ =	swait.ge [sflag:s13], $0x4000  }
0x9e: {  	[sflag:s13] =	ssyncset.done $0x0  }
0x9f: {  	[sflag:s13] =	ssyncadd.s32 $0xFFFFC000  }
0xa0: {  	_ =	swait.ge [sflag:s13], $0x4000  }
0xa1: {  	[sflag:s13] =	ssyncset.done $0x0  }
0xa2: {  	[sflag:s13] =	ssyncadd.s32 $0xFFFFC000  }
0xa3: {  	_ =	swait.ge [sflag:s13], $0x4000  }
0xa4: {  	[sflag:s13] =	ssyncset.done $0x0  }
0xa5: {  	[sflag:s13] =	ssyncadd.s32 $0xFFFFC000  }
0xa6: {  	_ =	swait.ge [sflag:s13], $0x4000  }
0xa7: {  	[sflag:s13] =	ssyncset.done $0x0  }
0xa8: {  	[sflag:s13] =	ssyncadd.s32 $0xFFFFC000  }
0xa9: {  	[tilespmem:s4], [sflag:$0x2] =	stream.linear.gather [hbm4b:s17+s2], $0x10000, $0x38;
	[tilespmem:$0x10200] =	vst v63  }
0xaa: {  	_ =	swait.ge [sflag:s5], $0x10000  }
0xab: {  	[sflag:s5] =	ssyncset.done $0x0  }
0xac: {  	[sflag:s5] =	ssyncadd.s32 $0xFFFF0000  }
0xad: {  	[tilespmem:s2], [sflag:$0x2] =	stream.linear.gather [hbm4b:s18+s2], $0x200, $0x38;
	[tilespmem:$0x10200] =	vst v63  }
0xae: {  	_ =	swait.ge [sflag:s5], $0x200  }
0xaf: {  	[sflag:s5] =	ssyncset.done $0x0  }
0xb0: {  	[sflag:s5] =	ssyncadd.s32 $0xFFFFFE00  }
0xb1: {  	[hbm4b:s7+s8] =	stream.indirect.scatter [tilespmem:s4], [sflag:$0x1], $0x80, s2, s8, $0xb8;
	[tilespmem:$0x10200] =	vst v63  }
0xb2: {  	_ = 	snop  }
0xb3: {  	[hbm4b:s7+s8] =	stream.indirect.scatter [tilespmem:s9], [sflag:$0x1], $0x80, s8, s8, $0xb8;
	[tilespmem:$0x10200] =	vst v63  }
0xb4: {  	_ = 	snop  }
0xb5: {  	[hbm4b:s7+s8] =	stream.indirect.scatter [tilespmem:s11], [sflag:$0x1], $0x80, s10, s8, $0xb8;
	[tilespmem:$0x10200] =	vst v63  }
0xb6: {  	_ = 	snop  }
0xb7: {  	[hbm4b:s7+s8] =	stream.indirect.scatter [tilespmem:s14], [sflag:$0x1], $0x80, s12, s8, $0xb8;
	[tilespmem:$0x10200] =	vst v63  }
0xb8: {  	_ =	swait.ge [sflag:s13], $0x4000  }
0xb9: {  	[sflag:s13] =	ssyncset.done $0x0  }
0xba: {  	[sflag:s13] =	ssyncadd.s32 $0xFFFFC000  }
0xbb: {  	_ =	swait.ge [sflag:s13], $0x4000  }
0xbc: {  	[sflag:s13] =	ssyncset.done $0x0  }
0xbd: {  	[sflag:s13] =	ssyncadd.s32 $0xFFFFC000  }
0xbe: {  	_ =	swait.ge [sflag:s13], $0x4000  }
0xbf: {  	[sflag:s13] =	ssyncset.done $0x0  }
0xc0: {  	[sflag:s13] =	ssyncadd.s32 $0xFFFFC000  }
0xc1: {  	_ =	swait.ge [sflag:s13], $0x4000  }
0xc2: {  	[sflag:s13] =	ssyncset.done $0x0  }
0xc3: {  	[sflag:s13] =	ssyncadd.s32 $0xFFFFC000  }
0xc4: {  	[tilespmem:s4], [sflag:$0x2] =	stream.linear.gather [hbm4b:s19+s2], $0x10000, $0x38;
	[tilespmem:$0x10200] =	vst v63  }
0xc5: {  	_ =	swait.ge [sflag:s5], $0x10000  }
0xc6: {  	[sflag:s5] =	ssyncset.done $0x0  }
0xc7: {  	[sflag:s5] =	ssyncadd.s32 $0xFFFF0000  }
0xc8: {  	[tilespmem:s2], [sflag:$0x2] =	stream.linear.gather [hbm4b:s20+s2], $0x200, $0x38;
	[tilespmem:$0x10200] =	vst v63  }
0xc9: {  	_ =	swait.ge [sflag:s5], $0x200  }
0xca: {  	[sflag:s5] =	ssyncset.done $0x0  }
0xcb: {  	[sflag:s5] =	ssyncadd.s32 $0xFFFFFE00  }
0xcc: {  	[hbm4b:s7+s8] =	stream.indirect.scatter [tilespmem:s4], [sflag:$0x1], $0x80, s2, s8, $0xb8;
	[tilespmem:$0x10200] =	vst v63  }
0xcd: {  	_ = 	snop  }
0xce: {  	[hbm4b:s7+s8] =	stream.indirect.scatter [tilespmem:s9], [sflag:$0x1], $0x80, s8, s8, $0xb8;
	[tilespmem:$0x10200] =	vst v63  }
0xcf: {  	_ = 	snop  }
0xd0: {  	[hbm4b:s7+s8] =	stream.indirect.scatter [tilespmem:s11], [sflag:$0x1], $0x80, s10, s8, $0xb8;
	[tilespmem:$0x10200] =	vst v63  }
0xd1: {  	_ = 	snop  }
0xd2: {  	[hbm4b:s7+s8] =	stream.indirect.scatter [tilespmem:s14], [sflag:$0x1], $0x80, s12, s8, $0xb8;
	[tilespmem:$0x10200] =	vst v63  }
0xd3: {  	_ =	swait.ge [sflag:s13], $0x4000  }
0xd4: {  	[sflag:s13] =	ssyncset.done $0x0  }
0xd5: {  	[sflag:s13] =	ssyncadd.s32 $0xFFFFC000  }
0xd6: {  	_ =	swait.ge [sflag:s13], $0x4000  }
0xd7: {  	[sflag:s13] =	ssyncset.done $0x0  }
0xd8: {  	[sflag:s13] =	ssyncadd.s32 $0xFFFFC000  }
.Ltmp1:
0xd9: {  	_ =	swait.ge [sflag:s13], $0x4000;
	(pc) =	sbr.rel @p0 .LBB2_1-.Ltmp1, $4  }
0xda: {  	[sflag:s13] =	ssyncset.done $0x0  }
0xdb: {  	[sflag:s13] =	ssyncadd.s32 $0xFFFFC000  }
0xdc: {  	_ =	swait.ge [sflag:s13], $0x4000  }
0xdd: {  	[sflag:s13] =	ssyncset.done $0x0  }
.LBB2_2:
0xde: {  	[sflag:s13] =	ssyncadd.s32 $0xFFFFC000  }
0xdf: {  	_ =	sfence.sel $0x180000  }
0xe0: {  	[bflag:$0x0] =	sbarrier.arrive $0xFFFF  }
0xe1: {  	p0 =	sne.s32 s0, $0x0;
	_ =	strace $0x9000004A  }
0xe2: {  	s0 =	sadd.s32 @!p0 $0x100000, s1;
	[bflag:$0x2] =	sbarrier.arrive $0xFFFF  }
0xe3: {  	[sflag:s0] =	ssyncadd.tile.s32 @!p0 $0x1;
	_ =	shalt  }
.Lfunc_end2:
_tile_overlayer_lowered:
.L_overlay_start_2:
0xe4: {  	(tag) =	ssettag $0x2  }
0xe5: {  	s0 =	rddreg [dreg:$0x0];
	s2 =	stileid.u32  }
0xe6: {  	s1 =	rddreg [dreg:$0x1];
	p0 =	sne.s32 s2, $0x0  }
0xe7: {  	s3 =	rddreg [dreg:$0x2];
	[bflag:$0x3] =	sbarrier.arrive $0xFFFF;
	s2 =	simm.s32 @!p0 $0x1C02  }
0xe8: {  	[timem:s3], [sflag:s2] =	dma.local @!p0 [hbm:s0], s1  }
0xe9: {  	s0 =	simm.s32 @!p0 $0x2  }
0xea: {  	_ =	swait.ge @!p0 [sflag:s0], s1  }
0xeb: {  	s1 =	ssub.s32 @!p0 $0x0, s1;
	[sflag:s0] =	ssyncset.done @!p0 $0x0  }
0xec: {  	[sflag:s0] =	ssyncadd.s32 @!p0 s1  }
0xed: {  	[bflag:$0x3] =	sbarrier.arrive $0xFFFF  }
0xee: {  	_ =	shalt  }

// kernel: kernel.8.cloned.1.call-start
scs
__scs_entry_jumppad:
0x0: {  	(pc) =	sbr.rel $0x88, $3  }
0x1: {  	(tag) =	ssettag $0x0;
	lr =	simm.s32 $0x1  }
0x2: {  	[smem:$0x3F93] =	sst lr;
	_ =	strace $0xD0000000  }
0x3: {  	_ = 	snop  }
0x4: {  	_ = 	snop  }
0x5: {  	_ = 	snop  }
0x6: {  	_ = 	snop  }
0x7: {  	_ = 	snop  }
__scs_overlays_trampoline_lowered:
0x8: {  	[smem:$0x3FA2] =	sst s0  }
0x9: {  	[smem:$0x3FA3] =	sst s1  }
0xa: {  	[smem:$0x3FA4] =	sst s2  }
0xb: {  	[smem:$0x3FA5] =	sst s3  }
0xc: {  	[smem:$0x3FA6] =	sst s4  }
0xd: {  	[smem:$0x3FA7] =	sst s5  }
0xe: {  	[smem:$0x3FA8] =	sst s6  }
0xf: {  	[smem:$0x3FA9] =	sst s7  }
0x10: {  	[smem:$0x3FAA] =	sst s8  }
0x11: {  	[smem:$0x3FAB] =	sst s9;
	s0 =	simm.s32 @!p0 $0x0  }
0x12: {  	s1 =	sld [smem:$0x3F91];
	s0 =	simm.s32 @p0 $0x1  }
0x13: {  	[smem:$0x3FAC] =	sst s0;
	s0 =	simm.s32 @!p1 $0x0  }
0x14: {  	s2 =	sld [smem:$0x3F90];
	s0 =	simm.s32 @p1 $0x1  }
0x15: {  	[smem:$0x3FAD] =	sst s0;
	s0 =	simm.s32 @!p2 $0x0  }
0x16: {  	s3 =	sld [smem:$0x3FDB];
	s0 =	simm.s32 @p2 $0x1  }
0x17: {  	s4 =	simm.s32 $0x1BF5;
	[smem:$0x3FAF] =	sst s0  }
0x18: {  	s0 =	sld [smem:$0x3F92];
	_ =	swait.ge [sflag:s4], $0x0  }
0x19: {  	s7 =	sld [smem:$0x3F93]  }
0x1a: {  	s8 =	sadd.s32 $0xFFFFE003, lr  }
0x1b: {  	s9 =	sadd.s32 $0xFFFFFEF7, lr;
	s5 =	simm.s32 $0xFFFFFFFF;
	p2 =	slt.u32 s8, $0xFFFFF086  }
0x1c: {  	p1 =	slt.u32 s9, $0xF7A;
	s5 =	simm.s32 @!p2 $0x0  }
0x1d: {  	s5 =	simm.s32 @p1 $0x1;
	p0 =	seq.s32 s7, s2  }
0x1e: {  	s7 =	smul.u32 @!p0 $0xF7A, s2;
	p2 =	seq.s32 @!p0 s5, $0x0  }
0x1f: {  	s9 =	smul.u32 $0xF7A, s1;
	s8 =	simm.s32 @!p0 $0x1BF5;
	p2 =	por !p2, p0  }
0x20: {  	[sflag:s8] =	ssyncset.s32 @!p0 $0xFFFFF086;
	s6 =	sadd.s32 @!p0 s3, s7;
	s7 =	simm.s32 @!p0 $0x108  }
0x21: {  	s3 =	sadd.s32 s3, s9;
	s6 =	sadd.s32 @!p0 $0x88, s6;
	s7 =	simm.s32 @p2 $0x1082  }
0x22: {  	[simem:s7], [sflag:s8] =	dma.local @!p0 [hbm:s6], $0xF7A  }
0x23: {  	s9 =	sor.u32 $0xD0000000, s2;
	s6 =	simm.s32 $0x108;
	_ =	swait.ge @!p0 [sflag:s8], $0x0  }
0x24: {  	s3 =	sadd.s32 $0x88, s3;
	s6 =	simm.s32 @!p1 $0x1082;
	[sflag:s4] =	ssyncset.s32 $0xFFFFF086  }
0x25: {  	[simem:s6], [sflag:s4] =	dma.local [hbm:s3], $0xF7A  }
0x26: {  	[smem:$0x3F93] =	sst s1;
	(tag) =	ssettag s2;
	_ =	strace s9  }
0x27: {  	s1 =	sld [smem:$0x3FA3]  }
0x28: {  	s2 =	sld [smem:$0x3FA4]  }
0x29: {  	s4 =	sld [smem:$0x3FA6]  }
0x2a: {  	p0 =	seq.s32 s5, $0x0;
	s5 =	sld [smem:$0x3FA7]  }
0x2b: {  	s6 =	sld [smem:$0x3FA8]  }
0x2c: {  	s7 =	sld [smem:$0x3FA9]  }
0x2d: {  	s3 =	simm.s32 $0x108;
	s8 =	sld [smem:$0x3FAA]  }
0x2e: {  	s3 =	simm.s32 @!p0 $0x1082;
	s9 =	sld [smem:$0x3FAB]  }
0x2f: {  	lr =	sadd.s32 s0, s3;
	s0 =	sld [smem:$0x3FA2]  }
0x30: {  	s3 =	sld [smem:$0x3FA5]  }
0x31: {  	[smem:$0x3FAE] =	sst s10  }
0x32: {  	s10 =	sld [smem:$0x3FAC];
	_ =	sdelay $0x3  }
0x33: {  	p0 =	seq.s32 s10, $0x1;
	s10 =	sld [smem:$0x3FAE];
	_ =	sdelay $0x3  }
0x34: {  	[smem:$0x3FAE] =	sst s10  }
0x35: {  	s10 =	sld [smem:$0x3FAD];
	_ =	sdelay $0x3  }
0x36: {  	p1 =	seq.s32 s10, $0x1;
	s10 =	sld [smem:$0x3FAE];
	_ =	sdelay $0x3  }
0x37: {  	[smem:$0x3FAE] =	sst s10  }
0x38: {  	s10 =	sld [smem:$0x3FAF]  }
0x39: {  	_ = 	snop;
	(pc) =	sbr.ind lr, $3  }
0x3a: {  	_ = 	snop  }
0x3b: {  	_ = 	snop  }
0x3c: {  	p2 =	seq.s32 s10, $0x1;
	s10 =	sld [smem:$0x3FAE]  }
0x3d: {  	_ =	shalt  }
0x3e: {  	_ =	shalt  }
0x3f: {  	_ =	shalt  }
0x40: {  	_ =	shalt  }
0x41: {  	_ =	shalt  }
0x42: {  	_ =	shalt  }
0x43: {  	_ =	shalt  }
0x44: {  	_ =	shalt  }
0x45: {  	_ =	shalt  }
0x46: {  	_ =	shalt  }
0x47: {  	_ =	shalt  }
0x48: {  	_ =	shalt  }
0x49: {  	_ =	shalt  }
0x4a: {  	_ =	shalt  }
0x4b: {  	_ =	shalt  }
0x4c: {  	_ =	shalt  }
0x4d: {  	_ =	shalt  }
0x4e: {  	_ =	shalt  }
0x4f: {  	_ =	shalt  }
0x50: {  	_ =	shalt  }
0x51: {  	_ =	shalt  }
0x52: {  	_ =	shalt  }
0x53: {  	_ =	shalt  }
0x54: {  	_ =	shalt  }
0x55: {  	_ =	shalt  }
0x56: {  	_ =	shalt  }
0x57: {  	_ =	shalt  }
0x58: {  	_ =	shalt  }
0x59: {  	_ =	shalt  }
0x5a: {  	_ =	shalt  }
0x5b: {  	_ =	shalt  }
0x5c: {  	_ =	shalt  }
0x5d: {  	_ =	shalt  }
0x5e: {  	_ =	shalt  }
0x5f: {  	_ =	shalt  }
0x60: {  	_ =	shalt  }
0x61: {  	_ =	shalt  }
0x62: {  	_ =	shalt  }
0x63: {  	_ =	shalt  }
0x64: {  	_ =	shalt  }
0x65: {  	_ =	shalt  }
0x66: {  	_ =	shalt  }
0x67: {  	_ =	shalt  }
0x68: {  	_ =	shalt  }
0x69: {  	_ =	shalt  }
0x6a: {  	_ =	shalt  }
0x6b: {  	_ =	shalt  }
0x6c: {  	_ =	shalt  }
0x6d: {  	_ =	shalt  }
0x6e: {  	_ =	shalt  }
0x6f: {  	_ =	shalt  }
0x70: {  	_ =	shalt  }
0x71: {  	_ =	shalt  }
0x72: {  	_ =	shalt  }
0x73: {  	_ =	shalt  }
0x74: {  	_ =	shalt  }
0x75: {  	_ =	shalt  }
0x76: {  	_ =	shalt  }
0x77: {  	_ =	shalt  }
0x78: {  	_ =	shalt  }
0x79: {  	_ =	shalt  }
0x7a: {  	_ =	shalt  }
0x7b: {  	_ =	shalt  }
0x7c: {  	_ =	shalt  }
0x7d: {  	_ =	shalt  }
0x7e: {  	_ =	shalt  }
0x7f: {  	_ =	shalt  }
0x80: {  	_ =	shalt  }
0x81: {  	_ =	shalt  }
0x82: {  	_ =	shalt  }
0x83: {  	_ =	shalt  }
0x84: {  	_ =	shalt  }
0x85: {  	_ =	shalt  }
0x86: {  	_ =	shalt  }
0x87: {  	_ =	shalt  }
.Lfunc_end0:
.L_simem_size_0:
called_computation.2_lowered:
.L_overlay_start_0:
0x88: {  	s2 =	sld [smem:$0x3FD9]  }
0x89: {  	s3 =	sld [smem:$0x3FFE];
	_ =	sdelay $0x1  }
0x8a: {  	s1 =	srdreg.scid  }
0x8b: {  	s0 =	sand.u32 $0x1, s1  }
0x8c: {  	s14 =	sshll.u32 s0, $0xA;
	s2 =	sadd.s32 s3, s2  }
0x8d: {  	s2 =	sadd.s32 s2, s14  }
0x8e: {  	[smem:$0x3FBA] =	sst s2  }
0x8f: {  	_ = 	snop  }
0x90: {  	s2 =	sld [smem:$0x3FD0];
	_ =	sdelay $0x2  }
0x91: {  	s15 =	simm.s32 $0xA;
	s4 =	simm.s32 $0x10  }
0x92: {  	[smem:s4], [sflag:s15] =	dma.local [hbm:s2], $0x1  }
0x93: {  	_ =	swait.eq [sflag:s15], $0x1  }
0x94: {  	[sflag:s15] =	ssyncset.done $0x0  }
0x95: {  	[sflag:s15] =	ssyncadd.s32 $0xFFFFFFFF  }
0x96: {  	s16 =	sld [smem:$0x13];
	(tm) =	ssettm $0x1  }
0x97: {  	s17 =	sld [smem:$0x3FFB];
	_ =	sdelay $0x3  }
0x98: {  	_ =	strace s17  }
0x99: {  	s3 =	sld [smem:$0x3FFC];
	_ =	sdelay $0x3  }
0x9a: {  	_ =	strace s3  }
0x9b: {  	s3 =	sld [smem:$0x3FFD];
	_ =	sdelay $0x3  }
0x9c: {  	_ =	strace s3  }
0x9d: {  	_ =	strace $0x8FFFFFFF  }
0x9e: {  	s18 =	sld [smem:$0x3FDB];
	_ =	sdelay $0x1  }
0x9f: {  	s19 =	simm.s32 $_scs_section_size  }
0xa0: {  	s5 =	simm.s32 $_size__tile_overlayer_lowered;
	s6 =	simm.s32 $_tile_overlayer_lowered  }
0xa1: {  	s22 =	simm.s32 $0x1BFF;
	s21 =	sshll.u32 s6, $0x1;
	s3 =	sadd.s32 s19, s18  }
0xa2: {  	s7 =	simm.s32 $0x0;
	s20 =	sshll.u32 s5, $0x1;
	s5 =	sadd.s32 s21, s3  }
0xa3: {  	[timem:s7], [sflag:s22] =	dma.local [hbm:s5], s20  }
0xa4: {  	_ =	swait.ge [sflag:s22], s20  }
0xa5: {  	s4 =	ssub.s32 $0x0, s20;
	[sflag:s22] =	ssyncset.done $0x0  }
0xa6: {  	[sflag:s22] =	ssyncadd.s32 s4;
	_ =	sdelay $0x1  }
0xa7: {  	s23 =	simm.s32 $0x1B8B  }
0xa8: {  	_ =	swait.ge [sflag:s23], $0x1  }
0xa9: {  	[sflag:s23] =	ssyncset.done $0x0  }
0xaa: {  	s25 =	simm.s32 $0x1B8E;
	s24 =	sld [smem:$0x3FFE];
	[sflag:s23] =	ssyncadd.s32 $0xFFFFFFFF  }
0xab: {  	s26 =	simm.s32 $execute0_lowered;
	[smem:$0x3FD2] =	sst s25  }
0xac: {  	s5 =	sshll.u32 s26, $0x1;
	_ =	strace $0x8000004C;
	[dreg:$0x1] =	wrdreg $0xFFFFFFFF  }
0xad: {  	s28 =	simm.s32 $_size_execute0_lowered;
	s3 =	sadd.s32 s3, s5;
	[dreg:$0x0] =	wrdreg $0x0  }
0xae: {  	s5 =	sshll.u32 s28, $0x1;
	[dreg:$0x2] =	wrdreg s3  }
0xaf: {  	[dreg:$0x3] =	wrdreg s5  }
0xb0: {  	[dreg:$0x4] =	wrdreg $0xC0  }
0xb1: {  	_ =	task [dreg:s7], $0x5FFFF  }
0xb2: {  	[dreg:$0x1] =	wrdreg $0xFFFFFFFF  }
0xb3: {  	[dreg:$0x0] =	wrdreg $0x60  }
0xb4: {  	[dreg:$0x2] =	wrdreg s24  }
0xb5: {  	[dreg:$0x3] =	wrdreg s16  }
0xb6: {  	[dreg:$0x4] =	wrdreg $0x9  }
0xb7: {  	_ =	task.clear_ibuf [dreg:s7], $0x5FFFF;
	_ =	strace $0x9000004C  }
0xb8: {  	s29 =	simm.s32 $0x9;
	_ =	strace $0x8000004E  }
0xb9: {  	_ =	swait.ge [sflag:s29], $0x1  }
0xba: {  	[sflag:s29] =	ssyncadd.s32 $0xFFFFFFFF  }
0xbb: {  	_ =	strace $0x9000004E  }
0xbc: {  	_ =	sfence  }
0xbd: {  	s30 =	sld [smem:$0x0];
	_ =	sdelay $0x2  }
0xbe: {  	s31 =	sshll.u32 s1, $0xD;
	s1 =	sshrl.u32 s1, $0x2  }
0xbf: {  	s3 =	sand.u32 $0x4000, s31;
	s1 =	sadd.s32 s1, s30  }
0xc0: {  	s0 =	sor.u32 s3, s0;
	s1 =	sshll.u32 s1, $0x11  }
0xc1: {  	s0 =	sor.u32 s1, s0  }
0xc2: {  	s0 =	sadd.s32 $0x8F2B, s0  }
0xc3: {  	[sflag:s0] =	ssyncadd.remote.s32 $0x1  }
0xc4: {  	_ =	sfence.sel $0xFFFF  }
0xc5: {  	[dreg:$0x0] =	wrdreg $0xFFFFFFFF;
	(pc) =	sbr.abs _section_cstart, $3  }
0xc6: {  	[dreg:$0x1] =	wrdreg $0xFFFFFFFF  }
0xc7: {  	_ =	task.clear_ibuf [dreg:s7], $0x2FFFF;
	_ =	strace $0x9FFFFFFF  }
0xc8: {  	(tm) =	ssettm $0x7FFFFFFF  }
0xc9: {  	_ =	shalt  }
tec
execute0_lowered:
.L_overlay_start_1:
0x0: {  	(tag) =	ssettag $0x1  }
0x1: {  	s14 =	rddreg [dreg:$0x0]  }
0x2: {  	s1 =	srdreg.scid;
	s0 =	stileid.u32  }
0x3: {  	s3 =	rddreg [dreg:$0x1];
	s20 =	sand.u32 $0x1, s1;
	s4 =	sshll.u32 s0, $0x1  }
0x4: {  	s2 =	simm.s32 $0x0;
	s1 =	rddreg [dreg:$0x2];
	s15 =	sor.u32 s20, s4  }
0x5: {  	[smem:$0x7FF] =	sst s2;
	s4 =	sshll.u32 s15, $0x8  }
0x6: {  	_ =	strace $0x8000004D;
	s4 =	sadd.s32 s3, s4;
	s3 =	simm.s32 $0x2  }
0x7: {  	[tilespmem:s2], [sflag:$0x2] =	stream.linear.gather [hbm4b:s4+s2], $0x200, $0x38;
	[tilespmem:$0x10200] =	vst v63  }
0x8: {  	_ =	swait.ge [sflag:s3], $0x200  }
0x9: {  	s6 =	simm.s32 $0x80;
	[sflag:s3] =	ssyncset.done $0x0  }
0xa: {  	s7 =	simm.s32 $0x200;
	s5 =	sadd.s32 $0x213000, s14;
	[sflag:s3] =	ssyncadd.s32 $0xFFFFFE00  }
0xb: {  	[tilespmem:s7], [sflag:$0x1] =	stream.indirect.gather [hbm4b:s5+s6], $0x80, s2, s6, $0xb8;
	[tilespmem:$0x10200] =	vst v63  }
0xc: {  	s8 =	simm.s32 $0x4200  }
0xd: {  	[tilespmem:s8], [sflag:$0x1] =	stream.indirect.gather [hbm4b:s5+s6], $0x80, s6, s6, $0xb8;
	[tilespmem:$0x10200] =	vst v63  }
0xe: {  	s9 =	simm.s32 $0x100;
	s10 =	simm.s32 $0x8200  }
0xf: {  	[tilespmem:s10], [sflag:$0x1] =	stream.indirect.gather [hbm4b:s5+s6], $0x80, s9, s6, $0xb8;
	[tilespmem:$0x10200] =	vst v63  }
0x10: {  	s11 =	simm.s32 $0x180;
	s12 =	simm.s32 $0xC200;
	s13 =	simm.s32 $0x1  }
0x11: {  	[tilespmem:s12], [sflag:$0x1] =	stream.indirect.gather [hbm4b:s5+s6], $0x80, s11, s6, $0xb8;
	[tilespmem:$0x10200] =	vst v63  }
0x12: {  	_ =	swait.ge [sflag:s13], $0x4000  }
0x13: {  	[sflag:s13] =	ssyncset.done $0x0  }
0x14: {  	[sflag:s13] =	ssyncadd.s32 $0xFFFFC000  }
0x15: {  	_ =	swait.ge [sflag:s13], $0x4000  }
0x16: {  	[sflag:s13] =	ssyncset.done $0x0  }
0x17: {  	[sflag:s13] =	ssyncadd.s32 $0xFFFFC000  }
0x18: {  	_ =	swait.ge [sflag:s13], $0x4000  }
0x19: {  	[sflag:s13] =	ssyncset.done $0x0  }
0x1a: {  	[sflag:s13] =	ssyncadd.s32 $0xFFFFC000  }
0x1b: {  	s15 =	sshll.u32 s15, $0xF;
	_ =	swait.ge [sflag:s13], $0x4000  }
0x1c: {  	s21 =	sadd.s32 s15, s14;
	[sflag:s13] =	ssyncset.done $0x0  }
0x1d: {  	s14 =	sadd.s32 $0x2E00, s21;
	[sflag:s13] =	ssyncadd.s32 $0xFFFFC000  }
0x1e: {  	[hbm4b:s14+s2] =	stream.linear.scatter [tilespmem:s7], [sflag:$0x2], $0x10000, $0x38;
	[tilespmem:$0x10200] =	vst v63  }
0x1f: {  	_ =	swait.ge [sflag:s3], $0x10000  }
0x20: {  	[sflag:s3] =	ssyncset.done $0x0  }
0x21: {  	s15 =	sadd.s32 $0x40, s4;
	[sflag:s3] =	ssyncadd.s32 $0xFFFF0000  }
0x22: {  	[tilespmem:s2], [sflag:$0x2] =	stream.linear.gather [hbm4b:s15+s2], $0x200, $0x38;
	[tilespmem:$0x10200] =	vst v63  }
0x23: {  	_ =	swait.ge [sflag:s3], $0x200  }
0x24: {  	[sflag:s3] =	ssyncset.done $0x0  }
0x25: {  	[sflag:s3] =	ssyncadd.s32 $0xFFFFFE00  }
0x26: {  	[tilespmem:s7], [sflag:$0x1] =	stream.indirect.gather [hbm4b:s5+s6], $0x80, s2, s6, $0xb8;
	[tilespmem:$0x10200] =	vst v63  }
0x27: {  	_ = 	snop  }
0x28: {  	[tilespmem:s8], [sflag:$0x1] =	stream.indirect.gather [hbm4b:s5+s6], $0x80, s6, s6, $0xb8;
	[tilespmem:$0x10200] =	vst v63  }
0x29: {  	_ = 	snop  }
0x2a: {  	[tilespmem:s10], [sflag:$0x1] =	stream.indirect.gather [hbm4b:s5+s6], $0x80, s9, s6, $0xb8;
	[tilespmem:$0x10200] =	vst v63  }
0x2b: {  	_ = 	snop  }
0x2c: {  	[tilespmem:s12], [sflag:$0x1] =	stream.indirect.gather [hbm4b:s5+s6], $0x80, s11, s6, $0xb8;
	[tilespmem:$0x10200] =	vst v63  }
0x2d: {  	_ =	swait.ge [sflag:s13], $0x4000  }
0x2e: {  	[sflag:s13] =	ssyncset.done $0x0  }
0x2f: {  	[sflag:s13] =	ssyncadd.s32 $0xFFFFC000  }
0x30: {  	_ =	swait.ge [sflag:s13], $0x4000  }
0x31: {  	[sflag:s13] =	ssyncset.done $0x0  }
0x32: {  	[sflag:s13] =	ssyncadd.s32 $0xFFFFC000  }
0x33: {  	_ =	swait.ge [sflag:s13], $0x4000  }
0x34: {  	[sflag:s13] =	ssyncset.done $0x0  }
0x35: {  	[sflag:s13] =	ssyncadd.s32 $0xFFFFC000  }
0x36: {  	_ =	swait.ge [sflag:s13], $0x4000  }
0x37: {  	[sflag:s13] =	ssyncset.done $0x0  }
0x38: {  	s16 =	sadd.s32 $0x4E00, s21;
	[sflag:s13] =	ssyncadd.s32 $0xFFFFC000  }
0x39: {  	[hbm4b:s16+s2] =	stream.linear.scatter [tilespmem:s7], [sflag:$0x2], $0x10000, $0x38;
	[tilespmem:$0x10200] =	vst v63  }
0x3a: {  	_ =	swait.ge [sflag:s3], $0x10000  }
0x3b: {  	[sflag:s3] =	ssyncset.done $0x0  }
0x3c: {  	s17 =	sadd.s32 $0x80, s4;
	[sflag:s3] =	ssyncadd.s32 $0xFFFF0000  }
0x3d: {  	[tilespmem:s2], [sflag:$0x2] =	stream.linear.gather [hbm4b:s17+s2], $0x200, $0x38;
	[tilespmem:$0x10200] =	vst v63  }
0x3e: {  	_ =	swait.ge [sflag:s3], $0x200  }
0x3f: {  	[sflag:s3] =	ssyncset.done $0x0  }
0x40: {  	[sflag:s3] =	ssyncadd.s32 $0xFFFFFE00  }
0x41: {  	[tilespmem:s7], [sflag:$0x1] =	stream.indirect.gather [hbm4b:s5+s6], $0x80, s2, s6, $0xb8;
	[tilespmem:$0x10200] =	vst v63  }
0x42: {  	_ = 	snop  }
0x43: {  	[tilespmem:s8], [sflag:$0x1] =	stream.indirect.gather [hbm4b:s5+s6], $0x80, s6, s6, $0xb8;
	[tilespmem:$0x10200] =	vst v63  }
0x44: {  	_ = 	snop  }
0x45: {  	[tilespmem:s10], [sflag:$0x1] =	stream.indirect.gather [hbm4b:s5+s6], $0x80, s9, s6, $0xb8;
	[tilespmem:$0x10200] =	vst v63  }
0x46: {  	_ = 	snop  }
0x47: {  	[tilespmem:s12], [sflag:$0x1] =	stream.indirect.gather [hbm4b:s5+s6], $0x80, s11, s6, $0xb8;
	[tilespmem:$0x10200] =	vst v63  }
0x48: {  	_ =	swait.ge [sflag:s13], $0x4000  }
0x49: {  	[sflag:s13] =	ssyncset.done $0x0  }
0x4a: {  	[sflag:s13] =	ssyncadd.s32 $0xFFFFC000  }
0x4b: {  	_ =	swait.ge [sflag:s13], $0x4000  }
0x4c: {  	[sflag:s13] =	ssyncset.done $0x0  }
0x4d: {  	[sflag:s13] =	ssyncadd.s32 $0xFFFFC000  }
0x4e: {  	_ =	swait.ge [sflag:s13], $0x4000  }
0x4f: {  	[sflag:s13] =	ssyncset.done $0x0  }
0x50: {  	[sflag:s13] =	ssyncadd.s32 $0xFFFFC000  }
0x51: {  	_ =	swait.ge [sflag:s13], $0x4000  }
0x52: {  	[sflag:s13] =	ssyncset.done $0x0  }
0x53: {  	s18 =	sadd.s32 $0x6E00, s21;
	[sflag:s13] =	ssyncadd.s32 $0xFFFFC000  }
0x54: {  	[hbm4b:s18+s2] =	stream.linear.scatter [tilespmem:s7], [sflag:$0x2], $0x10000, $0x38;
	[tilespmem:$0x10200] =	vst v63  }
0x55: {  	_ =	swait.ge [sflag:s3], $0x10000  }
0x56: {  	[sflag:s3] =	ssyncset.done $0x0  }
0x57: {  	s19 =	sadd.s32 $0xC0, s4;
	[sflag:s3] =	ssyncadd.s32 $0xFFFF0000  }
0x58: {  	[tilespmem:s2], [sflag:$0x2] =	stream.linear.gather [hbm4b:s19+s2], $0x200, $0x38;
	[tilespmem:$0x10200] =	vst v63  }
0x59: {  	_ =	swait.ge [sflag:s3], $0x200  }
0x5a: {  	[sflag:s3] =	ssyncset.done $0x0  }
0x5b: {  	[sflag:s3] =	ssyncadd.s32 $0xFFFFFE00  }
0x5c: {  	[tilespmem:s7], [sflag:$0x1] =	stream.indirect.gather [hbm4b:s5+s6], $0x80, s2, s6, $0xb8;
	[tilespmem:$0x10200] =	vst v63  }
0x5d: {  	_ = 	snop  }
0x5e: {  	[tilespmem:s8], [sflag:$0x1] =	stream.indirect.gather [hbm4b:s5+s6], $0x80, s6, s6, $0xb8;
	[tilespmem:$0x10200] =	vst v63  }
0x5f: {  	_ = 	snop  }
0x60: {  	[tilespmem:s10], [sflag:$0x1] =	stream.indirect.gather [hbm4b:s5+s6], $0x80, s9, s6, $0xb8;
	[tilespmem:$0x10200] =	vst v63  }
0x61: {  	_ = 	snop  }
0x62: {  	[tilespmem:s12], [sflag:$0x1] =	stream.indirect.gather [hbm4b:s5+s6], $0x80, s11, s6, $0xb8;
	[tilespmem:$0x10200] =	vst v63  }
0x63: {  	_ =	swait.ge [sflag:s13], $0x4000  }
0x64: {  	[sflag:s13] =	ssyncset.done $0x0  }
0x65: {  	[sflag:s13] =	ssyncadd.s32 $0xFFFFC000  }
0x66: {  	_ =	swait.ge [sflag:s13], $0x4000  }
0x67: {  	[sflag:s13] =	ssyncset.done $0x0  }
0x68: {  	s20 =	ssub.s32 $0x2, s20;
	[sflag:s13] =	ssyncadd.s32 $0xFFFFC000  }
0x69: {  	s22 =	sshrl.u32 s20, $0x1;
	_ =	swait.ge [sflag:s13], $0x4000  }
0x6a: {  	s22 =	ssub.s32 s20, s22;
	[sflag:s13] =	ssyncset.done $0x0  }
0x6b: {  	s31 =	smax.u32 s22, $0x1;
	[sflag:s13] =	ssyncadd.s32 $0xFFFFC000  }
0x6c: {  	p0 =	sne.s32 s31, $0x1;
	_ =	swait.ge [sflag:s13], $0x4000  }
.Ltmp0:
0x6d: {  	[sflag:s13] =	ssyncset.done $0x0;
	(pc) =	sbr.rel @!p0 .LBB2_2-.Ltmp0, $4  }
0x6e: {  	s20 =	sadd.s32 $0x8E00, s21;
	[sflag:s13] =	ssyncadd.s32 $0xFFFFC000  }
0x6f: {  	[hbm4b:s20+s2] =	stream.linear.scatter [tilespmem:s7], [sflag:$0x2], $0x10000, $0x38;
	[tilespmem:$0x10200] =	vst v63  }
0x70: {  	_ =	swait.ge [sflag:s3], $0x10000  }
0x71: {  	s21 =	sadd.s32 $0xFFFFFFFF, s31;
	[sflag:s3] =	ssyncset.done $0x0  }
.LBB2_1:
0x72: {  	p0 =	sne.s32 s21, $0x1;
	s21 =	sadd.s32 $0xFFFFFFFF, s21;
	[sflag:s3] =	ssyncadd.s32 $0xFFFF0000  }
0x73: {  	[tilespmem:s2], [sflag:$0x2] =	stream.linear.gather [hbm4b:s4+s2], $0x200, $0x38;
	[tilespmem:$0x10200] =	vst v63  }
0x74: {  	_ =	swait.ge [sflag:s3], $0x200  }
0x75: {  	[sflag:s3] =	ssyncset.done $0x0  }
0x76: {  	[sflag:s3] =	ssyncadd.s32 $0xFFFFFE00  }
0x77: {  	[tilespmem:s7], [sflag:$0x1] =	stream.indirect.gather [hbm4b:s5+s6], $0x80, s2, s6, $0xb8;
	[tilespmem:$0x10200] =	vst v63  }
0x78: {  	_ = 	snop  }
0x79: {  	[tilespmem:s8], [sflag:$0x1] =	stream.indirect.gather [hbm4b:s5+s6], $0x80, s6, s6, $0xb8;
	[tilespmem:$0x10200] =	vst v63  }
0x7a: {  	_ = 	snop  }
0x7b: {  	[tilespmem:s10], [sflag:$0x1] =	stream.indirect.gather [hbm4b:s5+s6], $0x80, s9, s6, $0xb8;
	[tilespmem:$0x10200] =	vst v63  }
0x7c: {  	_ = 	snop  }
0x7d: {  	[tilespmem:s12], [sflag:$0x1] =	stream.indirect.gather [hbm4b:s5+s6], $0x80, s11, s6, $0xb8;
	[tilespmem:$0x10200] =	vst v63  }
0x7e: {  	_ =	swait.ge [sflag:s13], $0x4000  }
0x7f: {  	[sflag:s13] =	ssyncset.done $0x0  }
0x80: {  	[sflag:s13] =	ssyncadd.s32 $0xFFFFC000  }
0x81: {  	_ =	swait.ge [sflag:s13], $0x4000  }
0x82: {  	[sflag:s13] =	ssyncset.done $0x0  }
0x83: {  	[sflag:s13] =	ssyncadd.s32 $0xFFFFC000  }
0x84: {  	_ =	swait.ge [sflag:s13], $0x4000  }
0x85: {  	[sflag:s13] =	ssyncset.done $0x0  }
0x86: {  	[sflag:s13] =	ssyncadd.s32 $0xFFFFC000  }
0x87: {  	_ =	swait.ge [sflag:s13], $0x4000  }
0x88: {  	[sflag:s13] =	ssyncset.done $0x0  }
0x89: {  	[sflag:s13] =	ssyncadd.s32 $0xFFFFC000  }
0x8a: {  	[hbm4b:s14+s2] =	stream.linear.scatter [tilespmem:s7], [sflag:$0x2], $0x10000, $0x38;
	[tilespmem:$0x10200] =	vst v63  }
0x8b: {  	_ =	swait.ge [sflag:s3], $0x10000  }
0x8c: {  	[sflag:s3] =	ssyncset.done $0x0  }
0x8d: {  	[sflag:s3] =	ssyncadd.s32 $0xFFFF0000  }
0x8e: {  	[tilespmem:s2], [sflag:$0x2] =	stream.linear.gather [hbm4b:s15+s2], $0x200, $0x38;
	[tilespmem:$0x10200] =	vst v63  }
0x8f: {  	_ =	swait.ge [sflag:s3], $0x200  }
0x90: {  	[sflag:s3] =	ssyncset.done $0x0  }
0x91: {  	[sflag:s3] =	ssyncadd.s32 $0xFFFFFE00  }
0x92: {  	[tilespmem:s7], [sflag:$0x1] =	stream.indirect.gather [hbm4b:s5+s6], $0x80, s2, s6, $0xb8;
	[tilespmem:$0x10200] =	vst v63  }
0x93: {  	_ = 	snop  }
0x94: {  	[tilespmem:s8], [sflag:$0x1] =	stream.indirect.gather [hbm4b:s5+s6], $0x80, s6, s6, $0xb8;
	[tilespmem:$0x10200] =	vst v63  }
0x95: {  	_ = 	snop  }
0x96: {  	[tilespmem:s10], [sflag:$0x1] =	stream.indirect.gather [hbm4b:s5+s6], $0x80, s9, s6, $0xb8;
	[tilespmem:$0x10200] =	vst v63  }
0x97: {  	_ = 	snop  }
0x98: {  	[tilespmem:s12], [sflag:$0x1] =	stream.indirect.gather [hbm4b:s5+s6], $0x80, s11, s6, $0xb8;
	[tilespmem:$0x10200] =	vst v63  }
0x99: {  	_ =	swait.ge [sflag:s13], $0x4000  }
0x9a: {  	[sflag:s13] =	ssyncset.done $0x0  }
0x9b: {  	[sflag:s13] =	ssyncadd.s32 $0xFFFFC000  }
0x9c: {  	_ =	swait.ge [sflag:s13], $0x4000  }
0x9d: {  	[sflag:s13] =	ssyncset.done $0x0  }
0x9e: {  	[sflag:s13] =	ssyncadd.s32 $0xFFFFC000  }
0x9f: {  	_ =	swait.ge [sflag:s13], $0x4000  }
0xa0: {  	[sflag:s13] =	ssyncset.done $0x0  }
0xa1: {  	[sflag:s13] =	ssyncadd.s32 $0xFFFFC000  }
0xa2: {  	_ =	swait.ge [sflag:s13], $0x4000  }
0xa3: {  	[sflag:s13] =	ssyncset.done $0x0  }
0xa4: {  	[sflag:s13] =	ssyncadd.s32 $0xFFFFC000  }
0xa5: {  	[hbm4b:s16+s2] =	stream.linear.scatter [tilespmem:s7], [sflag:$0x2], $0x10000, $0x38;
	[tilespmem:$0x10200] =	vst v63  }
0xa6: {  	_ =	swait.ge [sflag:s3], $0x10000  }
0xa7: {  	[sflag:s3] =	ssyncset.done $0x0  }
0xa8: {  	[sflag:s3] =	ssyncadd.s32 $0xFFFF0000  }
0xa9: {  	[tilespmem:s2], [sflag:$0x2] =	stream.linear.gather [hbm4b:s17+s2], $0x200, $0x38;
	[tilespmem:$0x10200] =	vst v63  }
0xaa: {  	_ =	swait.ge [sflag:s3], $0x200  }
0xab: {  	[sflag:s3] =	ssyncset.done $0x0  }
0xac: {  	[sflag:s3] =	ssyncadd.s32 $0xFFFFFE00  }
0xad: {  	[tilespmem:s7], [sflag:$0x1] =	stream.indirect.gather [hbm4b:s5+s6], $0x80, s2, s6, $0xb8;
	[tilespmem:$0x10200] =	vst v63  }
0xae: {  	_ = 	snop  }
0xaf: {  	[tilespmem:s8], [sflag:$0x1] =	stream.indirect.gather [hbm4b:s5+s6], $0x80, s6, s6, $0xb8;
	[tilespmem:$0x10200] =	vst v63  }
0xb0: {  	_ = 	snop  }
0xb1: {  	[tilespmem:s10], [sflag:$0x1] =	stream.indirect.gather [hbm4b:s5+s6], $0x80, s9, s6, $0xb8;
	[tilespmem:$0x10200] =	vst v63  }
0xb2: {  	_ = 	snop  }
0xb3: {  	[tilespmem:s12], [sflag:$0x1] =	stream.indirect.gather [hbm4b:s5+s6], $0x80, s11, s6, $0xb8;
	[tilespmem:$0x10200] =	vst v63  }
0xb4: {  	_ =	swait.ge [sflag:s13], $0x4000  }
0xb5: {  	[sflag:s13] =	ssyncset.done $0x0  }
0xb6: {  	[sflag:s13] =	ssyncadd.s32 $0xFFFFC000  }
0xb7: {  	_ =	swait.ge [sflag:s13], $0x4000  }
0xb8: {  	[sflag:s13] =	ssyncset.done $0x0  }
0xb9: {  	[sflag:s13] =	ssyncadd.s32 $0xFFFFC000  }
0xba: {  	_ =	swait.ge [sflag:s13], $0x4000  }
0xbb: {  	[sflag:s13] =	ssyncset.done $0x0  }
0xbc: {  	[sflag:s13] =	ssyncadd.s32 $0xFFFFC000  }
0xbd: {  	_ =	swait.ge [sflag:s13], $0x4000  }
0xbe: {  	[sflag:s13] =	ssyncset.done $0x0  }
0xbf: {  	[sflag:s13] =	ssyncadd.s32 $0xFFFFC000  }
0xc0: {  	[hbm4b:s18+s2] =	stream.linear.scatter [tilespmem:s7], [sflag:$0x2], $0x10000, $0x38;
	[tilespmem:$0x10200] =	vst v63  }
0xc1: {  	_ =	swait.ge [sflag:s3], $0x10000  }
0xc2: {  	[sflag:s3] =	ssyncset.done $0x0  }
0xc3: {  	[sflag:s3] =	ssyncadd.s32 $0xFFFF0000  }
0xc4: {  	[tilespmem:s2], [sflag:$0x2] =	stream.linear.gather [hbm4b:s19+s2], $0x200, $0x38;
	[tilespmem:$0x10200] =	vst v63  }
0xc5: {  	_ =	swait.ge [sflag:s3], $0x200  }
0xc6: {  	[sflag:s3] =	ssyncset.done $0x0  }
0xc7: {  	[sflag:s3] =	ssyncadd.s32 $0xFFFFFE00  }
0xc8: {  	[tilespmem:s7], [sflag:$0x1] =	stream.indirect.gather [hbm4b:s5+s6], $0x80, s2, s6, $0xb8;
	[tilespmem:$0x10200] =	vst v63  }
0xc9: {  	_ = 	snop  }
0xca: {  	[tilespmem:s8], [sflag:$0x1] =	stream.indirect.gather [hbm4b:s5+s6], $0x80, s6, s6, $0xb8;
	[tilespmem:$0x10200] =	vst v63  }
0xcb: {  	_ = 	snop  }
0xcc: {  	[tilespmem:s10], [sflag:$0x1] =	stream.indirect.gather [hbm4b:s5+s6], $0x80, s9, s6, $0xb8;
	[tilespmem:$0x10200] =	vst v63  }
0xcd: {  	_ = 	snop  }
0xce: {  	[tilespmem:s12], [sflag:$0x1] =	stream.indirect.gather [hbm4b:s5+s6], $0x80, s11, s6, $0xb8;
	[tilespmem:$0x10200] =	vst v63  }
0xcf: {  	_ =	swait.ge [sflag:s13], $0x4000  }
0xd0: {  	[sflag:s13] =	ssyncset.done $0x0  }
0xd1: {  	[sflag:s13] =	ssyncadd.s32 $0xFFFFC000  }
0xd2: {  	_ =	swait.ge [sflag:s13], $0x4000  }
0xd3: {  	[sflag:s13] =	ssyncset.done $0x0  }
0xd4: {  	[sflag:s13] =	ssyncadd.s32 $0xFFFFC000  }
0xd5: {  	_ =	swait.ge [sflag:s13], $0x4000  }
0xd6: {  	[sflag:s13] =	ssyncset.done $0x0  }
0xd7: {  	[sflag:s13] =	ssyncadd.s32 $0xFFFFC000  }
0xd8: {  	_ =	swait.ge [sflag:s13], $0x4000  }
.Ltmp1:
0xd9: {  	[sflag:s13] =	ssyncset.done $0x0;
	(pc) =	sbr.rel @p0 .LBB2_1-.Ltmp1, $4  }
0xda: {  	[sflag:s13] =	ssyncadd.s32 $0xFFFFC000  }
0xdb: {  	[hbm4b:s20+s2] =	stream.linear.scatter [tilespmem:s7], [sflag:$0x2], $0x10000, $0x38;
	[tilespmem:$0x10200] =	vst v63  }
0xdc: {  	_ =	swait.ge [sflag:s3], $0x10000  }
0xdd: {  	[sflag:s3] =	ssyncset.done $0x0  }
.LBB2_2:
0xde: {  	[sflag:s3] =	ssyncadd.s32 $0xFFFF0000  }
0xdf: {  	_ =	sfence.sel $0x180000  }
0xe0: {  	[bflag:$0x0] =	sbarrier.arrive $0xFFFF  }
0xe1: {  	p0 =	sne.s32 s0, $0x0;
	_ =	strace $0x9000004D  }
0xe2: {  	s0 =	sadd.s32 @!p0 $0x100000, s1;
	[bflag:$0x2] =	sbarrier.arrive $0xFFFF  }
0xe3: {  	[sflag:s0] =	ssyncadd.tile.s32 @!p0 $0x1;
	_ =	shalt  }
.Lfunc_end2:
_tile_overlayer_lowered:
.L_overlay_start_2:
0xe4: {  	(tag) =	ssettag $0x2  }
0xe5: {  	s0 =	rddreg [dreg:$0x0];
	s2 =	stileid.u32  }
0xe6: {  	s1 =	rddreg [dreg:$0x1];
	p0 =	sne.s32 s2, $0x0  }
0xe7: {  	s3 =	rddreg [dreg:$0x2];
	[bflag:$0x3] =	sbarrier.arrive $0xFFFF;
	s2 =	simm.s32 @!p0 $0x1C02  }
0xe8: {  	[timem:s3], [sflag:s2] =	dma.local @!p0 [hbm:s0], s1  }
0xe9: {  	s0 =	simm.s32 @!p0 $0x2  }
0xea: {  	_ =	swait.ge @!p0 [sflag:s0], s1  }
0xeb: {  	s1 =	ssub.s32 @!p0 $0x0, s1;
	[sflag:s0] =	ssyncset.done @!p0 $0x0  }
0xec: {  	[sflag:s0] =	ssyncadd.s32 @!p0 s1  }
0xed: {  	[bflag:$0x3] =	sbarrier.arrive $0xFFFF  }
0xee: {  	_ =	shalt  }

</sc_bundles>
